<compile_context>
chip_gen: v7x
topology: tpu7x:2x2x1
jax: 0.10.2.dev20260603
libtpu: 0.0.44.dev20260713+nightly
codegen_flags: <defaults>
</compile_context>

<pallas_src>
import functools

import jax
import jax.numpy as jnp
import numpy as np
from jax.experimental import pallas as pl
from jax.experimental.pallas import tpu as pltpu
from jax.experimental.pallas import tpu_sc as plsc

_EPS = 1e-5
_BLK_S = 2048


def _ln_body(x_ref, pos_ref, gamma_ref, beta_ref, out_ref):
    h = x_ref[0] + pos_ref[...]
    mean = jnp.mean(h, axis=-1, keepdims=True)
    c = h - mean
    var = jnp.mean(c * c, axis=-1, keepdims=True)
    inv = jax.lax.rsqrt(var + _EPS)
    out_ref[0] = c * inv * gamma_ref[...] + beta_ref[...]


@jax.jit
def _ln_tc(x, pos_table, gamma, beta):
    b, s, d = x.shape
    grid = (s // _BLK_S, b)
    return pl.pallas_call(
        _ln_body,
        grid=grid,
        in_specs=[
            pl.BlockSpec((1, _BLK_S, d), lambda i, j: (j, i, 0)),
            pl.BlockSpec((_BLK_S, d), lambda i, j: (i, 0)),
            pl.BlockSpec((1, d), lambda i, j: (0, 0)),
            pl.BlockSpec((1, d), lambda i, j: (0, 0)),
        ],
        out_specs=pl.BlockSpec((1, _BLK_S, d), lambda i, j: (j, i, 0)),
        out_shape=jax.ShapeDtypeStruct((b, s, d), x.dtype),
        compiler_params=pltpu.CompilerParams(
            vmem_limit_bytes=100 * 1024 * 1024),
    )(x, pos_table, gamma.reshape(1, d), beta.reshape(1, d))


_NC = 2
_NS = 16
_L = 16
_R = 32


def _xlane_sum(v):
    dnums = jax.lax.GatherDimensionNumbers(
        offset_dims=(), collapsed_slice_dims=(0,), start_index_map=(0,))
    lane = jax.lax.iota(jnp.int32, _L)
    for k in (1, 2, 4, 8):
        idx = jnp.reshape(lane ^ k, (_L, 1))
        v = v + jax.lax.gather(
            v, idx, dnums, slice_sizes=(1,),
            mode=jax.lax.GatherScatterMode.PROMISE_IN_BOUNDS)
    return v


def _newton_rsqrt(v):
    i = jax.lax.bitcast_convert_type(v, jnp.int32)
    i = jnp.int32(0x5F3759DF) - jax.lax.shift_right_logical(i, 1)
    y = jax.lax.bitcast_convert_type(i, jnp.float32)
    for _ in range(3):
        y = y * (1.5 - 0.5 * v * y * y)
    return y


def _sc_body(x_hbm, pos_hbm, gamma_hbm, beta_hbm, out_hbm,
             xbuf, obuf, pbuf, gbuf, bbuf, sx, sp, so, base_row=0):
    d = gbuf.shape[0]
    nj = d // _L
    n_rows, _ = out_hbm.shape
    n_seq, _ = pos_hbm.shape
    batch = n_rows // n_seq
    seq_per_tile = n_seq // (_NC * _NS)
    n_chunks = seq_per_tile // _R
    n_steps = n_chunks * batch

    cid = jax.lax.axis_index("c")
    sid = jax.lax.axis_index("s")
    wid = sid * _NC + cid
    seq_base = wid * seq_per_tile

    pltpu.sync_copy(gamma_hbm, gbuf)
    pltpu.sync_copy(beta_hbm, bbuf)

    def x_row0(s):
        return (s % batch) * n_seq + seq_base + (s // batch) * _R

    def start_x(s):
        p = jax.lax.rem(s, 2)
        pltpu.make_async_copy(
            x_hbm.at[pl.ds(base_row + x_row0(s), _R)],
            xbuf.at[pl.ds(p * _R, _R)], sx.at[p]).start()

    def start_pos(c):
        pltpu.make_async_copy(
            pos_hbm.at[pl.ds(seq_base + c * _R, _R)], pbuf, sp.at[0]).start()

    start_x(jnp.int32(0))
    start_pos(jnp.int32(0))

    def step_body(s, carry):
        p = jax.lax.rem(s, 2)
        c = s // batch
        b = jax.lax.rem(s, batch)

        @pl.when(s + 1 < n_steps)
        def _():
            start_x(s + 1)

        pltpu.make_async_copy(
            x_hbm.at[pl.ds(0, _R)], xbuf.at[pl.ds(p * _R, _R)],
            sx.at[p]).wait()

        @pl.when(b == 0)
        def _():
            pltpu.make_async_copy(
                x_hbm.at[pl.ds(0, _R)], pbuf, sp.at[0]).wait()

        @pl.when(s >= 2)
        def _():
            pltpu.make_async_copy(
                x_hbm.at[pl.ds(0, _R)], obuf.at[pl.ds(p * _R, _R)],
                so.at[p]).wait()

        xb = p * _R

        def row_body(r, rcarry):
            acc = jnp.zeros((_L,), jnp.float32)
            acc2 = jnp.zeros((_L,), jnp.float32)
            hs = []
            for j in range(nj):
                sl = pl.ds(j * _L, _L)
                v = xbuf[xb + r, sl] + pbuf[r, sl]
                acc = acc + v
                acc2 = acc2 + v * v
                hs.append(v)
            mean_v = _xlane_sum(acc) * (1.0 / d)
            ex2_v = _xlane_sum(acc2) * (1.0 / d)
            var_v = ex2_v - mean_v * mean_v + _EPS
            rstd = _newton_rsqrt(var_v)
            for j in range(nj):
                sl = pl.ds(j * _L, _L)
                obuf[xb + r, sl] = (
                    (hs[j] - mean_v) * rstd * gbuf[sl] + bbuf[sl])
            return rcarry

        jax.lax.fori_loop(0, _R, row_body, 0, unroll=1)

        pltpu.make_async_copy(
            obuf.at[pl.ds(xb, _R)],
            out_hbm.at[pl.ds(x_row0(s), _R)], so.at[p]).start()

        @pl.when(jnp.logical_and(b == batch - 1, c + 1 < n_chunks))
        def _():
            start_pos(c + 1)
        return carry

    jax.lax.fori_loop(0, n_steps, step_body, 0, unroll=False)

    for p in range(2):
        pltpu.make_async_copy(
            x_hbm.at[pl.ds(0, _R)], obuf.at[pl.ds(p * _R, _R)],
            so.at[p]).wait()


@jax.jit
def _ln_sc(x, pos_table, gamma, beta):
    b, s, d = x.shape
    x2 = x.reshape(b * s, d)
    mesh = plsc.VectorSubcoreMesh(core_axis_name="c", subcore_axis_name="s")
    out = pl.kernel(
        _sc_body,
        out_type=jax.ShapeDtypeStruct((b * s, d), x.dtype),
        mesh=mesh,
        scratch_types=[
            pltpu.VMEM((2 * _R, d), jnp.float32),
            pltpu.VMEM((2 * _R, d), jnp.float32),
            pltpu.VMEM((_R, d), jnp.float32),
            pltpu.VMEM((d,), jnp.float32),
            pltpu.VMEM((d,), jnp.float32),
            pltpu.SemaphoreType.DMA((2,)),
            pltpu.SemaphoreType.DMA((2,)),
            pltpu.SemaphoreType.DMA((2,)),
        ],
    )(x2, pos_table, gamma, beta)
    return out.reshape(b, s, d)


@jax.jit
def _ln_hybrid(x, pos_table, gamma, beta):
    b, s, d = x.shape
    b_tc = b - 1
    mesh = plsc.VectorSubcoreMesh(core_axis_name="c", subcore_axis_name="s")
    sc_out = pl.kernel(
        functools.partial(_sc_body, base_row=b_tc * s),
        out_type=jax.ShapeDtypeStruct((s, d), x.dtype),
        mesh=mesh,
        scratch_types=[
            pltpu.VMEM((2 * _R, d), jnp.float32),
            pltpu.VMEM((2 * _R, d), jnp.float32),
            pltpu.VMEM((_R, d), jnp.float32),
            pltpu.VMEM((d,), jnp.float32),
            pltpu.VMEM((d,), jnp.float32),
            pltpu.SemaphoreType.DMA((2,)),
            pltpu.SemaphoreType.DMA((2,)),
            pltpu.SemaphoreType.DMA((2,)),
        ],
    )(x.reshape(b * s, d), pos_table, gamma, beta)
    tc_out = pl.pallas_call(
        _ln_body,
        grid=(s // _BLK_S, b_tc),
        in_specs=[
            pl.BlockSpec((1, _BLK_S, d), lambda i, j: (j, i, 0)),
            pl.BlockSpec((_BLK_S, d), lambda i, j: (i, 0)),
            pl.BlockSpec((1, d), lambda i, j: (0, 0)),
            pl.BlockSpec((1, d), lambda i, j: (0, 0)),
        ],
        out_specs=pl.BlockSpec((1, _BLK_S, d), lambda i, j: (j, i, 0)),
        out_shape=jax.ShapeDtypeStruct((b_tc, s, d), x.dtype),
        compiler_params=pltpu.CompilerParams(
            vmem_limit_bytes=100 * 1024 * 1024),
    )(x, pos_table, gamma.reshape(1, d), beta.reshape(1, d))
    return jnp.concatenate([tc_out, sc_out[None]], axis=0)


def kernel(x, pos_table, gamma, beta, batch_size):
    return _ln_hybrid(x, pos_table, gamma, beta)

# --- scband reference (transcript-rebuilt; emitter-appended) ---
"""Pipeline reference for scband-spatial-position-embedding-17145509446380 (READ-ONLY COPY).

The authoritative reference and input builder live on the scoring server;
editing this copy changes nothing except your own understanding.
"""

import jax, jax.numpy as jnp
import numpy as np

NB_SEQ = 8192
D_EM = 768
BATCH = 4
EPS = 1e-5

def setup_inputs(seed: int = 0) -> dict:
    key = jax.random.key(seed)
    k1, k2 = jax.random.split(key)
    x = jax.random.normal(k1, (BATCH, NB_SEQ, D_EM), dtype=jnp.float32)
    # nn.Embedding default init: N(0, 1)
    pos_table = jax.random.normal(k2, (NB_SEQ, D_EM), dtype=jnp.float32)
    # nn.LayerNorm default: weight=1, bias=0
    gamma = jnp.ones((D_EM,), dtype=jnp.float32)
    beta = jnp.zeros((D_EM,), dtype=jnp.float32)
    return {"x": x, "pos_table": pos_table, "gamma": gamma, "beta": beta, "batch_size": BATCH}

def _layernorm(h, gamma, beta):
    mean = jnp.mean(h, axis=-1, keepdims=True)
    var = jnp.mean(jnp.square(h - mean), axis=-1, keepdims=True)
    return (h - mean) / jnp.sqrt(var + EPS) * gamma + beta

def reference(x, pos_table, gamma, beta, batch_size):
    b = x.shape[0]
    pos = jnp.arange(NB_SEQ, dtype=jnp.int32)
    pos = pos + 0 * jnp.asarray(batch_size, dtype=jnp.int32)
    pos = jnp.broadcast_to(pos[None, :], (b, NB_SEQ))
    pos_emb = jnp.take(pos_table, pos, axis=0)  # [B, nb_seq, d_Em] embedding lookup
    embedding = x + pos_emb
    Emx = _layernorm(embedding, gamma, beta)
    return Emx

if __name__ == "__main__":
    import jax
    _d = setup_inputs()
    print(jax.jit(kernel)(*tuple(_d.values())))

</pallas_src>

<mosaic_0001>
#map = affine_map<(d0, d1) -> (0, 0)>
#map1 = affine_map<(d0, d1) -> (0)>
module attributes {stable_mosaic.version = 14 : i64} {
  func.func @_sc_body(%arg0: i32, %arg1: i32, %arg2: memref<32768x768xf32, #tpu.memory_space<hbm>>, %arg3: memref<8192x768xf32, #tpu.memory_space<hbm>>, %arg4: memref<768xf32, #tpu.memory_space<hbm>>, %arg5: memref<768xf32, #tpu.memory_space<hbm>>, %arg6: memref<8192x768xf32, #tpu.memory_space<hbm>>, %arg7: memref<64x768xf32, #tpu.memory_space<vmem>>, %arg8: memref<64x768xf32, #tpu.memory_space<vmem>>, %arg9: memref<32x768xf32, #tpu.memory_space<vmem>>, %arg10: memref<768xf32, #tpu.memory_space<vmem>>, %arg11: memref<768xf32, #tpu.memory_space<vmem>>, %arg12: memref<2x!tpu.dma_semaphore, #tpu.memory_space<semaphore_mem>>, %arg13: memref<2x!tpu.dma_semaphore, #tpu.memory_space<semaphore_mem>>, %arg14: memref<2x!tpu.dma_semaphore, #tpu.memory_space<semaphore_mem>>) attributes {dimension_semantics = [#tpu.dimension_semantics<core_parallel>, #tpu.dimension_semantics<subcore_parallel>], iteration_bounds = array<i64: 2, 16>, scalar_prefetch = 0 : i64, scratch_operands = 8 : i64, tpu.core_type = #tpu.core_type<sc_vector_subcore>, window_params = [{transform_indices = #map}, {transform_indices = #map}, {transform_indices = #map1}, {transform_indices = #map1}, {transform_indices = #map}]} {
    %mul3A = arith.constant 2 : i32
    %mul3A_0 = arith.muli %arg1, %mul3A : i32
    %add3A = arith.addi %mul3A_0, %arg0 : i32
    %mul3A_1 = arith.constant 256 : i32
    %mul3A_2 = arith.muli %add3A, %mul3A_1 : i32
    "tpu.region"() ({
      %run_scoped3A = tpu.sem_alloc : memref<!tpu.dma_semaphore, #tpu.memory_space<semaphore_mem>>
      tpu.enqueue_dma source(%arg4 : memref<768xf32, #tpu.memory_space<hbm>>) target(%arg10 : memref<768xf32, #tpu.memory_space<vmem>>) target_semaphore(%run_scoped3A : memref<!tpu.dma_semaphore, #tpu.memory_space<semaphore_mem>>)
      tpu.wait_dma2 semaphore(%run_scoped3A : memref<!tpu.dma_semaphore, #tpu.memory_space<semaphore_mem>>) src(%arg4 : memref<768xf32, #tpu.memory_space<hbm>>) dst(%arg10 : memref<768xf32, #tpu.memory_space<vmem>>)
      tpu.yield
    }) : () -> ()
    "tpu.region"() ({
      %run_scoped3A = tpu.sem_alloc : memref<!tpu.dma_semaphore, #tpu.memory_space<semaphore_mem>>
      tpu.enqueue_dma source(%arg5 : memref<768xf32, #tpu.memory_space<hbm>>) target(%arg11 : memref<768xf32, #tpu.memory_space<vmem>>) target_semaphore(%run_scoped3A : memref<!tpu.dma_semaphore, #tpu.memory_space<semaphore_mem>>)
      tpu.wait_dma2 semaphore(%run_scoped3A : memref<!tpu.dma_semaphore, #tpu.memory_space<semaphore_mem>>) src(%arg5 : memref<768xf32, #tpu.memory_space<hbm>>) dst(%arg11 : memref<768xf32, #tpu.memory_space<vmem>>)
      tpu.yield
    }) : () -> ()
    %rem3A = arith.constant 0 : i32
    %rem3A_3 = arith.constant 2 : i32
    %rem3A_4 = arith.remsi %rem3A, %rem3A_3 : i32
    %jit3A = arith.constant 0 : i32
    %jit3A_5 = arith.constant 1 : i32
    %eq3A = arith.constant 0 : i32
    %eq3A_6 = arith.cmpi eq, %jit3A_5, %eq3A : i32
    %jit3A_7 = arith.constant 1 : i32
    %select_n3A = arith.select %eq3A_6, %jit3A_7, %jit3A_5 : i32
    %rem3A_8 = arith.remsi %jit3A, %select_n3A : i32
    %ne3A = arith.constant 0 : i32
    %ne3A_9 = arith.cmpi ne, %rem3A_8, %ne3A : i32
    %lt3A = arith.constant 0 : i32
    %lt3A_10 = arith.cmpi slt, %rem3A_8, %lt3A : i32
    %lt3A_11 = arith.constant 0 : i32
    %lt3A_12 = arith.cmpi slt, %select_n3A, %lt3A_11 : i32
    %ne3A_13 = arith.xori %lt3A_10, %lt3A_12 : i1
    %and3A = arith.andi %ne3A_13, %ne3A_9 : i1
    %add3A_14 = arith.addi %rem3A_8, %select_n3A : i32
    %select_n3A_15 = arith.select %and3A, %add3A_14, %rem3A_8 : i32
    %mul3A_16 = arith.constant 8192 : i32
    %mul3A_17 = arith.muli %select_n3A_15, %mul3A_16 : i32
    %add3A_18 = arith.addi %mul3A_17, %mul3A_2 : i32
    %jit3A_19 = arith.constant 0 : i32
    %jit3A_20 = arith.constant 1 : i32
    %div3A = arith.divsi %jit3A_19, %jit3A_20 : i32
    %sign3A = arith.constant 0 : i32
    %sign3A_21 = arith.cmpi sgt, %jit3A_19, %sign3A : i32
    %sign3A_22 = arith.extui %sign3A_21 : i1 to i32
    %sign3A_23 = arith.constant 0 : i32
    %sign3A_24 = arith.cmpi slt, %jit3A_19, %sign3A_23 : i32
    %sign3A_25 = arith.extui %sign3A_24 : i1 to i32
    %sign3A_26 = arith.subi %sign3A_22, %sign3A_25 : i32
    %sign3A_27 = arith.constant 0 : i32
    %sign3A_28 = arith.cmpi sgt, %jit3A_20, %sign3A_27 : i32
    %sign3A_29 = arith.extui %sign3A_28 : i1 to i32
    %sign3A_30 = arith.constant 0 : i32
    %sign3A_31 = arith.cmpi slt, %jit3A_20, %sign3A_30 : i32
    %sign3A_32 = arith.extui %sign3A_31 : i1 to i32
    %sign3A_33 = arith.subi %sign3A_29, %sign3A_32 : i32
    %ne3A_34 = arith.cmpi ne, %sign3A_26, %sign3A_33 : i32
    %rem3A_35 = arith.remsi %jit3A_19, %jit3A_20 : i32
    %ne3A_36 = arith.constant 0 : i32
    %ne3A_37 = arith.cmpi ne, %rem3A_35, %ne3A_36 : i32
    %and3A_38 = arith.andi %ne3A_34, %ne3A_37 : i1
    %sub3A = arith.constant 1 : i32
    %sub3A_39 = arith.subi %div3A, %sub3A : i32
    %select_n3A_40 = arith.select %and3A_38, %sub3A_39, %div3A : i32
    %mul3A_41 = arith.constant 32 : i32
    %mul3A_42 = arith.muli %select_n3A_40, %mul3A_41 : i32
    %add3A_43 = arith.addi %add3A_18, %mul3A_42 : i32
    %add3A_44 = arith.constant 24576 : i32
    %add3A_45 = arith.addi %add3A_44, %add3A_43 : i32
    %mul3A_46 = arith.constant 32 : i32
    %mul3A_47 = arith.muli %rem3A_4, %mul3A_46 : i32
    %dma_start3A = arith.constant 0 : i32
    %dma_start3A_48 = tpu.memref_slice %arg7[%mul3A_47, %dma_start3A] : memref<64x768xf32, #tpu.memory_space<vmem>> -> memref<32x768xf32, #tpu.memory_space<vmem>>
    %dma_start3A_49 = arith.constant 0 : i32
    %dma_start3A_50 = tpu.memref_slice %arg2[%add3A_45, %dma_start3A_49] : memref<32768x768xf32, #tpu.memory_space<hbm>> -> memref<32x768xf32, #tpu.memory_space<hbm>>
    %dma_start3A_51 = tpu.memref_slice %arg12[%rem3A_4] : memref<2x!tpu.dma_semaphore, #tpu.memory_space<semaphore_mem>> -> memref<1x!tpu.dma_semaphore, #tpu.memory_space<semaphore_mem>>
    %dma_start3A_52 = tpu.memref_squeeze %dma_start3A_51 : memref<1x!tpu.dma_semaphore, #tpu.memory_space<semaphore_mem>> -> memref<!tpu.dma_semaphore, #tpu.memory_space<semaphore_mem>>
    %dma_start3A_53 = arith.constant 0 : i32
    %dma_start3A_54 = tpu.memref_slice %arg7[%mul3A_47, %dma_start3A_53] : memref<64x768xf32, #tpu.memory_space<vmem>> -> memref<32x768xf32, #tpu.memory_space<vmem>>
    %dma_start3A_55 = arith.constant 0 : i32
    %dma_start3A_56 = tpu.memref_slice %arg2[%add3A_45, %dma_start3A_55] : memref<32768x768xf32, #tpu.memory_space<hbm>> -> memref<32x768xf32, #tpu.memory_space<hbm>>
    tpu.enqueue_dma source(%dma_start3A_56 : memref<32x768xf32, #tpu.memory_space<hbm>>) target(%dma_start3A_54 : memref<32x768xf32, #tpu.memory_space<vmem>>) target_semaphore(%dma_start3A_52 : memref<!tpu.dma_semaphore, #tpu.memory_space<semaphore_mem>>)
    %mul3A_57 = arith.constant 0 : i32
    %mul3A_58 = arith.constant 32 : i32
    %mul3A_59 = arith.muli %mul3A_57, %mul3A_58 : i32
    %add3A_60 = arith.addi %mul3A_2, %mul3A_59 : i32
    %dma_start3A_61 = arith.constant 0 : i32
    %dma_start3A_62 = arith.constant 0 : i32
    %dma_start3A_63 = tpu.memref_slice %arg3[%add3A_60, %dma_start3A_62] : memref<8192x768xf32, #tpu.memory_space<hbm>> -> memref<32x768xf32, #tpu.memory_space<hbm>>
    %dma_start3A_64 = tpu.memref_slice %arg13[%dma_start3A_61] : memref<2x!tpu.dma_semaphore, #tpu.memory_space<semaphore_mem>> -> memref<1x!tpu.dma_semaphore, #tpu.memory_space<semaphore_mem>>
    %dma_start3A_65 = tpu.memref_squeeze %dma_start3A_64 : memref<1x!tpu.dma_semaphore, #tpu.memory_space<semaphore_mem>> -> memref<!tpu.dma_semaphore, #tpu.memory_space<semaphore_mem>>
    %dma_start3A_66 = arith.constant 0 : i32
    %dma_start3A_67 = tpu.memref_slice %arg3[%add3A_60, %dma_start3A_66] : memref<8192x768xf32, #tpu.memory_space<hbm>> -> memref<32x768xf32, #tpu.memory_space<hbm>>
    tpu.enqueue_dma source(%dma_start3A_67 : memref<32x768xf32, #tpu.memory_space<hbm>>) target(%arg9 : memref<32x768xf32, #tpu.memory_space<vmem>>) target_semaphore(%dma_start3A_65 : memref<!tpu.dma_semaphore, #tpu.memory_space<semaphore_mem>>)
    %scan3A = arith.constant 0 : i32
    %scan3A_68 = arith.constant 0 : i32
    %scan3A_69 = arith.constant 8 : i32
    %scan3A_70 = arith.addi %scan3A_68, %scan3A_69 : i32
    %scan3A_71 = arith.constant 1 : i32
    scf.for %scan3A_102 = %scan3A_68 to %scan3A_70 step %scan3A_71  : i32 {
      %rem3A_103 = arith.constant 2 : i32
      %rem3A_104 = arith.remsi %scan3A_102, %rem3A_103 : i32
      %jit3A_105 = arith.constant 1 : i32
      %div3A_106 = arith.divsi %scan3A_102, %jit3A_105 : i32
      %sign3A_107 = arith.constant 0 : i32
      %sign3A_108 = arith.cmpi sgt, %scan3A_102, %sign3A_107 : i32
      %sign3A_109 = arith.extui %sign3A_108 : i1 to i32
      %sign3A_110 = arith.constant 0 : i32
      %sign3A_111 = arith.cmpi slt, %scan3A_102, %sign3A_110 : i32
      %sign3A_112 = arith.extui %sign3A_111 : i1 to i32
      %sign3A_113 = arith.subi %sign3A_109, %sign3A_112 : i32
      %sign3A_114 = arith.constant 0 : i32
      %sign3A_115 = arith.cmpi sgt, %jit3A_105, %sign3A_114 : i32
      %sign3A_116 = arith.extui %sign3A_115 : i1 to i32
      %sign3A_117 = arith.constant 0 : i32
      %sign3A_118 = arith.cmpi slt, %jit3A_105, %sign3A_117 : i32
      %sign3A_119 = arith.extui %sign3A_118 : i1 to i32
      %sign3A_120 = arith.subi %sign3A_116, %sign3A_119 : i32
      %ne3A_121 = arith.cmpi ne, %sign3A_113, %sign3A_120 : i32
      %rem3A_122 = arith.remsi %scan3A_102, %jit3A_105 : i32
      %ne3A_123 = arith.constant 0 : i32
      %ne3A_124 = arith.cmpi ne, %rem3A_122, %ne3A_123 : i32
      %and3A_125 = arith.andi %ne3A_121, %ne3A_124 : i1
      %sub3A_126 = arith.constant 1 : i32
      %sub3A_127 = arith.subi %div3A_106, %sub3A_126 : i32
      %select_n3A_128 = arith.select %and3A_125, %sub3A_127, %div3A_106 : i32
      %rem3A_129 = arith.constant 1 : i32
      %rem3A_130 = arith.remsi %scan3A_102, %rem3A_129 : i32
      %add3A_131 = arith.constant 1 : i32
      %add3A_132 = arith.addi %scan3A_102, %add3A_131 : i32
      %lt3A_133 = arith.constant 8 : i32
      %lt3A_134 = arith.cmpi slt, %add3A_132, %lt3A_133 : i32
      %convert_element_type3A = arith.extui %lt3A_134 : i1 to i32
      %cond3A = arith.constant 0 : i32
      %cond3A_135 = arith.cmpi ne, %convert_element_type3A, %cond3A : i32
      scf.if %cond3A_135 {
        %add3A_233 = arith.constant 1 : i32
        %add3A_234 = arith.addi %scan3A_102, %add3A_233 : i32
        %rem3A_235 = arith.constant 2 : i32
        %rem3A_236 = arith.remsi %add3A_234, %rem3A_235 : i32
        %jit3A_237 = arith.constant 1 : i32
        %eq3A_238 = arith.constant 0 : i32
        %eq3A_239 = arith.cmpi eq, %jit3A_237, %eq3A_238 : i32
        %jit3A_240 = arith.constant 1 : i32
        %select_n3A_241 = arith.select %eq3A_239, %jit3A_240, %jit3A_237 : i32
        %rem3A_242 = arith.remsi %add3A_234, %select_n3A_241 : i32
        %ne3A_243 = arith.constant 0 : i32
        %ne3A_244 = arith.cmpi ne, %rem3A_242, %ne3A_243 : i32
        %lt3A_245 = arith.constant 0 : i32
        %lt3A_246 = arith.cmpi slt, %rem3A_242, %lt3A_245 : i32
        %lt3A_247 = arith.constant 0 : i32
        %lt3A_248 = arith.cmpi slt, %select_n3A_241, %lt3A_247 : i32
        %ne3A_249 = arith.xori %lt3A_246, %lt3A_248 : i1
        %and3A_250 = arith.andi %ne3A_249, %ne3A_244 : i1
        %add3A_251 = arith.addi %rem3A_242, %select_n3A_241 : i32
        %select_n3A_252 = arith.select %and3A_250, %add3A_251, %rem3A_242 : i32
        %mul3A_253 = arith.constant 8192 : i32
        %mul3A_254 = arith.muli %select_n3A_252, %mul3A_253 : i32
        %add3A_255 = arith.addi %mul3A_254, %mul3A_2 : i32
        %jit3A_256 = arith.constant 1 : i32
        %div3A_257 = arith.divsi %add3A_234, %jit3A_256 : i32
        %sign3A_258 = arith.constant 0 : i32
        %sign3A_259 = arith.cmpi sgt, %add3A_234, %sign3A_258 : i32
        %sign3A_260 = arith.extui %sign3A_259 : i1 to i32
        %sign3A_261 = arith.constant 0 : i32
        %sign3A_262 = arith.cmpi slt, %add3A_234, %sign3A_261 : i32
        %sign3A_263 = arith.extui %sign3A_262 : i1 to i32
        %sign3A_264 = arith.subi %sign3A_260, %sign3A_263 : i32
        %sign3A_265 = arith.constant 0 : i32
        %sign3A_266 = arith.cmpi sgt, %jit3A_256, %sign3A_265 : i32
        %sign3A_267 = arith.extui %sign3A_266 : i1 to i32
        %sign3A_268 = arith.constant 0 : i32
        %sign3A_269 = arith.cmpi slt, %jit3A_256, %sign3A_268 : i32
        %sign3A_270 = arith.extui %sign3A_269 : i1 to i32
        %sign3A_271 = arith.subi %sign3A_267, %sign3A_270 : i32
        %ne3A_272 = arith.cmpi ne, %sign3A_264, %sign3A_271 : i32
        %rem3A_273 = arith.remsi %add3A_234, %jit3A_256 : i32
        %ne3A_274 = arith.constant 0 : i32
        %ne3A_275 = arith.cmpi ne, %rem3A_273, %ne3A_274 : i32
        %and3A_276 = arith.andi %ne3A_272, %ne3A_275 : i1
        %sub3A_277 = arith.constant 1 : i32
        %sub3A_278 = arith.subi %div3A_257, %sub3A_277 : i32
        %select_n3A_279 = arith.select %and3A_276, %sub3A_278, %div3A_257 : i32
        %mul3A_280 = arith.constant 32 : i32
        %mul3A_281 = arith.muli %select_n3A_279, %mul3A_280 : i32
        %add3A_282 = arith.addi %add3A_255, %mul3A_281 : i32
        %add3A_283 = arith.constant 24576 : i32
        %add3A_284 = arith.addi %add3A_283, %add3A_282 : i32
        %mul3A_285 = arith.constant 32 : i32
        %mul3A_286 = arith.muli %rem3A_236, %mul3A_285 : i32
        %dma_start3A_287 = arith.constant 0 : i32
        %dma_start3A_288 = tpu.memref_slice %arg7[%mul3A_286, %dma_start3A_287] : memref<64x768xf32, #tpu.memory_space<vmem>> -> memref<32x768xf32, #tpu.memory_space<vmem>>
        %dma_start3A_289 = arith.constant 0 : i32
        %dma_start3A_290 = tpu.memref_slice %arg2[%add3A_284, %dma_start3A_289] : memref<32768x768xf32, #tpu.memory_space<hbm>> -> memref<32x768xf32, #tpu.memory_space<hbm>>
        %dma_start3A_291 = tpu.memref_slice %arg12[%rem3A_236] : memref<2x!tpu.dma_semaphore, #tpu.memory_space<semaphore_mem>> -> memref<1x!tpu.dma_semaphore, #tpu.memory_space<semaphore_mem>>
        %dma_start3A_292 = tpu.memref_squeeze %dma_start3A_291 : memref<1x!tpu.dma_semaphore, #tpu.memory_space<semaphore_mem>> -> memref<!tpu.dma_semaphore, #tpu.memory_space<semaphore_mem>>
        %dma_start3A_293 = arith.constant 0 : i32
        %dma_start3A_294 = tpu.memref_slice %arg7[%mul3A_286, %dma_start3A_293] : memref<64x768xf32, #tpu.memory_space<vmem>> -> memref<32x768xf32, #tpu.memory_space<vmem>>
        %dma_start3A_295 = arith.constant 0 : i32
        %dma_start3A_296 = tpu.memref_slice %arg2[%add3A_284, %dma_start3A_295] : memref<32768x768xf32, #tpu.memory_space<hbm>> -> memref<32x768xf32, #tpu.memory_space<hbm>>
        tpu.enqueue_dma source(%dma_start3A_296 : memref<32x768xf32, #tpu.memory_space<hbm>>) target(%dma_start3A_294 : memref<32x768xf32, #tpu.memory_space<vmem>>) target_semaphore(%dma_start3A_292 : memref<!tpu.dma_semaphore, #tpu.memory_space<semaphore_mem>>)
      } else {
      }
      %mul3A_136 = arith.constant 32 : i32
      %mul3A_137 = arith.muli %rem3A_104, %mul3A_136 : i32
      %dma_wait3A_138 = arith.constant 0 : i32
      %dma_wait3A_139 = tpu.memref_slice %arg7[%mul3A_137, %dma_wait3A_138] : memref<64x768xf32, #tpu.memory_space<vmem>> -> memref<32x768xf32, #tpu.memory_space<vmem>>
      %dma_wait3A_140 = arith.constant 0 : i32
      %dma_wait3A_141 = arith.constant 0 : i32
      %dma_wait3A_142 = tpu.memref_slice %arg2[%dma_wait3A_140, %dma_wait3A_141] : memref<32768x768xf32, #tpu.memory_space<hbm>> -> memref<32x768xf32, #tpu.memory_space<hbm>>
      %dma_wait3A_143 = tpu.memref_slice %arg12[%rem3A_104] : memref<2x!tpu.dma_semaphore, #tpu.memory_space<semaphore_mem>> -> memref<1x!tpu.dma_semaphore, #tpu.memory_space<semaphore_mem>>
      %dma_wait3A_144 = tpu.memref_squeeze %dma_wait3A_143 : memref<1x!tpu.dma_semaphore, #tpu.memory_space<semaphore_mem>> -> memref<!tpu.dma_semaphore, #tpu.memory_space<semaphore_mem>>
      %dma_wait3A_145 = arith.constant 0 : i32
      %dma_wait3A_146 = tpu.memref_slice %arg7[%mul3A_137, %dma_wait3A_145] : memref<64x768xf32, #tpu.memory_space<vmem>> -> memref<32x768xf32, #tpu.memory_space<vmem>>
      %dma_wait3A_147 = arith.constant 0 : i32
      %dma_wait3A_148 = arith.constant 0 : i32
      %dma_wait3A_149 = tpu.memref_slice %arg2[%dma_wait3A_147, %dma_wait3A_148] : memref<32768x768xf32, #tpu.memory_space<hbm>> -> memref<32x768xf32, #tpu.memory_space<hbm>>
      tpu.wait_dma2 semaphore(%dma_wait3A_144 : memref<!tpu.dma_semaphore, #tpu.memory_space<semaphore_mem>>) src(%dma_wait3A_149 : memref<32x768xf32, #tpu.memory_space<hbm>>) dst(%dma_wait3A_146 : memref<32x768xf32, #tpu.memory_space<vmem>>)
      %eq3A_150 = arith.constant 0 : i32
      %eq3A_151 = arith.cmpi eq, %rem3A_130, %eq3A_150 : i32
      %convert_element_type3A_152 = arith.extui %eq3A_151 : i1 to i32
      %cond3A_153 = arith.constant 0 : i32
      %cond3A_154 = arith.cmpi ne, %convert_element_type3A_152, %cond3A_153 : i32
      scf.if %cond3A_154 {
        %dma_wait3A_233 = arith.constant 0 : i32
        %dma_wait3A_234 = arith.constant 0 : i32
        %dma_wait3A_235 = arith.constant 0 : i32
        %dma_wait3A_236 = tpu.memref_slice %arg2[%dma_wait3A_234, %dma_wait3A_235] : memref<32768x768xf32, #tpu.memory_space<hbm>> -> memref<32x768xf32, #tpu.memory_space<hbm>>
        %dma_wait3A_237 = tpu.memref_slice %arg13[%dma_wait3A_233] : memref<2x!tpu.dma_semaphore, #tpu.memory_space<semaphore_mem>> -> memref<1x!tpu.dma_semaphore, #tpu.memory_space<semaphore_mem>>
        %dma_wait3A_238 = tpu.memref_squeeze %dma_wait3A_237 : memref<1x!tpu.dma_semaphore, #tpu.memory_space<semaphore_mem>> -> memref<!tpu.dma_semaphore, #tpu.memory_space<semaphore_mem>>
        %dma_wait3A_239 = arith.constant 0 : i32
        %dma_wait3A_240 = arith.constant 0 : i32
        %dma_wait3A_241 = tpu.memref_slice %arg2[%dma_wait3A_239, %dma_wait3A_240] : memref<32768x768xf32, #tpu.memory_space<hbm>> -> memref<32x768xf32, #tpu.memory_space<hbm>>
        tpu.wait_dma2 semaphore(%dma_wait3A_238 : memref<!tpu.dma_semaphore, #tpu.memory_space<semaphore_mem>>) src(%dma_wait3A_241 : memref<32x768xf32, #tpu.memory_space<hbm>>) dst(%arg9 : memref<32x768xf32, #tpu.memory_space<vmem>>)
      } else {
      }
      %ge3A = arith.constant 2 : i32
      %ge3A_155 = arith.cmpi sge, %scan3A_102, %ge3A : i32
      %convert_element_type3A_156 = arith.extui %ge3A_155 : i1 to i32
      %cond3A_157 = arith.constant 0 : i32
      %cond3A_158 = arith.cmpi ne, %convert_element_type3A_156, %cond3A_157 : i32
      scf.if %cond3A_158 {
        %mul3A_233 = arith.constant 32 : i32
        %mul3A_234 = arith.muli %rem3A_104, %mul3A_233 : i32
        %dma_wait3A_235 = arith.constant 0 : i32
        %dma_wait3A_236 = tpu.memref_slice %arg8[%mul3A_234, %dma_wait3A_235] : memref<64x768xf32, #tpu.memory_space<vmem>> -> memref<32x768xf32, #tpu.memory_space<vmem>>
        %dma_wait3A_237 = arith.constant 0 : i32
        %dma_wait3A_238 = arith.constant 0 : i32
        %dma_wait3A_239 = tpu.memref_slice %arg2[%dma_wait3A_237, %dma_wait3A_238] : memref<32768x768xf32, #tpu.memory_space<hbm>> -> memref<32x768xf32, #tpu.memory_space<hbm>>
        %dma_wait3A_240 = tpu.memref_slice %arg14[%rem3A_104] : memref<2x!tpu.dma_semaphore, #tpu.memory_space<semaphore_mem>> -> memref<1x!tpu.dma_semaphore, #tpu.memory_space<semaphore_mem>>
        %dma_wait3A_241 = tpu.memref_squeeze %dma_wait3A_240 : memref<1x!tpu.dma_semaphore, #tpu.memory_space<semaphore_mem>> -> memref<!tpu.dma_semaphore, #tpu.memory_space<semaphore_mem>>
        %dma_wait3A_242 = arith.constant 0 : i32
        %dma_wait3A_243 = tpu.memref_slice %arg8[%mul3A_234, %dma_wait3A_242] : memref<64x768xf32, #tpu.memory_space<vmem>> -> memref<32x768xf32, #tpu.memory_space<vmem>>
        %dma_wait3A_244 = arith.constant 0 : i32
        %dma_wait3A_245 = arith.constant 0 : i32
        %dma_wait3A_246 = tpu.memref_slice %arg2[%dma_wait3A_244, %dma_wait3A_245] : memref<32768x768xf32, #tpu.memory_space<hbm>> -> memref<32x768xf32, #tpu.memory_space<hbm>>
        tpu.wait_dma2 semaphore(%dma_wait3A_241 : memref<!tpu.dma_semaphore, #tpu.memory_space<semaphore_mem>>) src(%dma_wait3A_246 : memref<32x768xf32, #tpu.memory_space<hbm>>) dst(%dma_wait3A_243 : memref<32x768xf32, #tpu.memory_space<vmem>>)
      } else {
      }
      %mul3A_159 = arith.constant 32 : i32
      %mul3A_160 = arith.muli %rem3A_104, %mul3A_159 : i32
      %scan3A_161 = arith.constant 0 : i32
      %scan3A_162 = arith.constant 0 : i32
      %scan3A_163 = arith.constant 32 : i32
      %scan3A_164 = arith.addi %scan3A_162, %scan3A_163 : i32
      %scan3A_165 = arith.constant 1 : i32
      scf.for %scan3A_233 = %scan3A_162 to %scan3A_164 step %scan3A_165  : i32 {
        %broadcast_in_dim3A = arith.constant 0.000000e+00 : f32
        %broadcast_in_dim3A_234 = vector.broadcast %broadcast_in_dim3A : f32 to vector<16xf32>
        %broadcast_in_dim3A_235 = arith.constant 0.000000e+00 : f32
        %broadcast_in_dim3A_236 = vector.broadcast %broadcast_in_dim3A_235 : f32 to vector<16xf32>
        %add3A_237 = arith.addi %mul3A_160, %scan3A_233 : i32
        %get3A = arith.index_cast %add3A_237 : i32 to index
        %get3A_238 = arith.constant 0 : index
        %get3A_239 = tpu.vector_load %arg7[%get3A, %get3A_238] {strides = array<i32>} : memref<64x768xf32, #tpu.memory_space<vmem>>, vector<1x16xf32>,
        %get3A_240 = vector.shape_cast %get3A_239 : vector<1x16xf32> to vector<16xf32>
        %get3A_241 = arith.index_cast %scan3A_233 : i32 to index
        %get3A_242 = arith.constant 0 : index
        %get3A_243 = tpu.vector_load %arg9[%get3A_241, %get3A_242] {strides = array<i32>} : memref<32x768xf32, #tpu.memory_space<vmem>>, vector<1x16xf32>,
        %get3A_244 = vector.shape_cast %get3A_243 : vector<1x16xf32> to vector<16xf32>
        %add3A_245 = arith.addf %get3A_240, %get3A_244 : vector<16xf32>
        %add3A_246 = arith.addf %broadcast_in_dim3A_234, %add3A_245 : vector<16xf32>
        %mul3A_247 = arith.mulf %add3A_245, %add3A_245 : vector<16xf32>
        %add3A_248 = arith.addf %broadcast_in_dim3A_236, %mul3A_247 : vector<16xf32>
        %add3A_249 = arith.addi %mul3A_160, %scan3A_233 : i32
        %get3A_250 = arith.index_cast %add3A_249 : i32 to index
        %get3A_251 = arith.constant 16 : index
        %get3A_252 = tpu.vector_load %arg7[%get3A_250, %get3A_251] {strides = array<i32>} : memref<64x768xf32, #tpu.memory_space<vmem>>, vector<1x16xf32>,
        %get3A_253 = vector.shape_cast %get3A_252 : vector<1x16xf32> to vector<16xf32>
        %get3A_254 = arith.index_cast %scan3A_233 : i32 to index
        %get3A_255 = arith.constant 16 : index
        %get3A_256 = tpu.vector_load %arg9[%get3A_254, %get3A_255] {strides = array<i32>} : memref<32x768xf32, #tpu.memory_space<vmem>>, vector<1x16xf32>,
        %get3A_257 = vector.shape_cast %get3A_256 : vector<1x16xf32> to vector<16xf32>
        %add3A_258 = arith.addf %get3A_253, %get3A_257 : vector<16xf32>
        %add3A_259 = arith.addf %add3A_246, %add3A_258 : vector<16xf32>
        %mul3A_260 = arith.mulf %add3A_258, %add3A_258 : vector<16xf32>
        %add3A_261 = arith.addf %add3A_248, %mul3A_260 : vector<16xf32>
        %add3A_262 = arith.addi %mul3A_160, %scan3A_233 : i32
        %get3A_263 = arith.index_cast %add3A_262 : i32 to index
        %get3A_264 = arith.constant 32 : index
        %get3A_265 = tpu.vector_load %arg7[%get3A_263, %get3A_264] {strides = array<i32>} : memref<64x768xf32, #tpu.memory_space<vmem>>, vector<1x16xf32>,
        %get3A_266 = vector.shape_cast %get3A_265 : vector<1x16xf32> to vector<16xf32>
        %get3A_267 = arith.index_cast %scan3A_233 : i32 to index
        %get3A_268 = arith.constant 32 : index
        %get3A_269 = tpu.vector_load %arg9[%get3A_267, %get3A_268] {strides = array<i32>} : memref<32x768xf32, #tpu.memory_space<vmem>>, vector<1x16xf32>,
        %get3A_270 = vector.shape_cast %get3A_269 : vector<1x16xf32> to vector<16xf32>
        %add3A_271 = arith.addf %get3A_266, %get3A_270 : vector<16xf32>
        %add3A_272 = arith.addf %add3A_259, %add3A_271 : vector<16xf32>
        %mul3A_273 = arith.mulf %add3A_271, %add3A_271 : vector<16xf32>
        %add3A_274 = arith.addf %add3A_261, %mul3A_273 : vector<16xf32>
        %add3A_275 = arith.addi %mul3A_160, %scan3A_233 : i32
        %get3A_276 = arith.index_cast %add3A_275 : i32 to index
        %get3A_277 = arith.constant 48 : index
        %get3A_278 = tpu.vector_load %arg7[%get3A_276, %get3A_277] {strides = array<i32>} : memref<64x768xf32, #tpu.memory_space<vmem>>, vector<1x16xf32>,
        %get3A_279 = vector.shape_cast %get3A_278 : vector<1x16xf32> to vector<16xf32>
        %get3A_280 = arith.index_cast %scan3A_233 : i32 to index
        %get3A_281 = arith.constant 48 : index
        %get3A_282 = tpu.vector_load %arg9[%get3A_280, %get3A_281] {strides = array<i32>} : memref<32x768xf32, #tpu.memory_space<vmem>>, vector<1x16xf32>,
        %get3A_283 = vector.shape_cast %get3A_282 : vector<1x16xf32> to vector<16xf32>
        %add3A_284 = arith.addf %get3A_279, %get3A_283 : vector<16xf32>
        %add3A_285 = arith.addf %add3A_272, %add3A_284 : vector<16xf32>
        %mul3A_286 = arith.mulf %add3A_284, %add3A_284 : vector<16xf32>
        %add3A_287 = arith.addf %add3A_274, %mul3A_286 : vector<16xf32>
        %add3A_288 = arith.addi %mul3A_160, %scan3A_233 : i32
        %get3A_289 = arith.index_cast %add3A_288 : i32 to index
        %get3A_290 = arith.constant 64 : index
        %get3A_291 = tpu.vector_load %arg7[%get3A_289, %get3A_290] {strides = array<i32>} : memref<64x768xf32, #tpu.memory_space<vmem>>, vector<1x16xf32>,
        %get3A_292 = vector.shape_cast %get3A_291 : vector<1x16xf32> to vector<16xf32>
        %get3A_293 = arith.index_cast %scan3A_233 : i32 to index
        %get3A_294 = arith.constant 64 : index
        %get3A_295 = tpu.vector_load %arg9[%get3A_293, %get3A_294] {strides = array<i32>} : memref<32x768xf32, #tpu.memory_space<vmem>>, vector<1x16xf32>,
        %get3A_296 = vector.shape_cast %get3A_295 : vector<1x16xf32> to vector<16xf32>
        %add3A_297 = arith.addf %get3A_292, %get3A_296 : vector<16xf32>
        %add3A_298 = arith.addf %add3A_285, %add3A_297 : vector<16xf32>
        %mul3A_299 = arith.mulf %add3A_297, %add3A_297 : vector<16xf32>
        %add3A_300 = arith.addf %add3A_287, %mul3A_299 : vector<16xf32>
        %add3A_301 = arith.addi %mul3A_160, %scan3A_233 : i32
        %get3A_302 = arith.index_cast %add3A_301 : i32 to index
        %get3A_303 = arith.constant 80 : index
        %get3A_304 = tpu.vector_load %arg7[%get3A_302, %get3A_303] {strides = array<i32>} : memref<64x768xf32, #tpu.memory_space<vmem>>, vector<1x16xf32>,
        %get3A_305 = vector.shape_cast %get3A_304 : vector<1x16xf32> to vector<16xf32>
        %get3A_306 = arith.index_cast %scan3A_233 : i32 to index
        %get3A_307 = arith.constant 80 : index
        %get3A_308 = tpu.vector_load %arg9[%get3A_306, %get3A_307] {strides = array<i32>} : memref<32x768xf32, #tpu.memory_space<vmem>>, vector<1x16xf32>,
        %get3A_309 = vector.shape_cast %get3A_308 : vector<1x16xf32> to vector<16xf32>
        %add3A_310 = arith.addf %get3A_305, %get3A_309 : vector<16xf32>
        %add3A_311 = arith.addf %add3A_298, %add3A_310 : vector<16xf32>
        %mul3A_312 = arith.mulf %add3A_310, %add3A_310 : vector<16xf32>
        %add3A_313 = arith.addf %add3A_300, %mul3A_312 : vector<16xf32>
        %add3A_314 = arith.addi %mul3A_160, %scan3A_233 : i32
        %get3A_315 = arith.index_cast %add3A_314 : i32 to index
        %get3A_316 = arith.constant 96 : index
        %get3A_317 = tpu.vector_load %arg7[%get3A_315, %get3A_316] {strides = array<i32>} : memref<64x768xf32, #tpu.memory_space<vmem>>, vector<1x16xf32>,
        %get3A_318 = vector.shape_cast %get3A_317 : vector<1x16xf32> to vector<16xf32>
        %get3A_319 = arith.index_cast %scan3A_233 : i32 to index
        %get3A_320 = arith.constant 96 : index
        %get3A_321 = tpu.vector_load %arg9[%get3A_319, %get3A_320] {strides = array<i32>} : memref<32x768xf32, #tpu.memory_space<vmem>>, vector<1x16xf32>,
        %get3A_322 = vector.shape_cast %get3A_321 : vector<1x16xf32> to vector<16xf32>
        %add3A_323 = arith.addf %get3A_318, %get3A_322 : vector<16xf32>
        %add3A_324 = arith.addf %add3A_311, %add3A_323 : vector<16xf32>
        %mul3A_325 = arith.mulf %add3A_323, %add3A_323 : vector<16xf32>
        %add3A_326 = arith.addf %add3A_313, %mul3A_325 : vector<16xf32>
        %add3A_327 = arith.addi %mul3A_160, %scan3A_233 : i32
        %get3A_328 = arith.index_cast %add3A_327 : i32 to index
        %get3A_329 = arith.constant 112 : index
        %get3A_330 = tpu.vector_load %arg7[%get3A_328, %get3A_329] {strides = array<i32>} : memref<64x768xf32, #tpu.memory_space<vmem>>, vector<1x16xf32>,
        %get3A_331 = vector.shape_cast %get3A_330 : vector<1x16xf32> to vector<16xf32>
        %get3A_332 = arith.index_cast %scan3A_233 : i32 to index
        %get3A_333 = arith.constant 112 : index
        %get3A_334 = tpu.vector_load %arg9[%get3A_332, %get3A_333] {strides = array<i32>} : memref<32x768xf32, #tpu.memory_space<vmem>>, vector<1x16xf32>,
        %get3A_335 = vector.shape_cast %get3A_334 : vector<1x16xf32> to vector<16xf32>
        %add3A_336 = arith.addf %get3A_331, %get3A_335 : vector<16xf32>
        %add3A_337 = arith.addf %add3A_324, %add3A_336 : vector<16xf32>
        %mul3A_338 = arith.mulf %add3A_336, %add3A_336 : vector<16xf32>
        %add3A_339 = arith.addf %add3A_326, %mul3A_338 : vector<16xf32>
        %add3A_340 = arith.addi %mul3A_160, %scan3A_233 : i32
        %get3A_341 = arith.index_cast %add3A_340 : i32 to index
        %get3A_342 = arith.constant 128 : index
        %get3A_343 = tpu.vector_load %arg7[%get3A_341, %get3A_342] {strides = array<i32>} : memref<64x768xf32, #tpu.memory_space<vmem>>, vector<1x16xf32>,
        %get3A_344 = vector.shape_cast %get3A_343 : vector<1x16xf32> to vector<16xf32>
        %get3A_345 = arith.index_cast %scan3A_233 : i32 to index
        %get3A_346 = arith.constant 128 : index
        %get3A_347 = tpu.vector_load %arg9[%get3A_345, %get3A_346] {strides = array<i32>} : memref<32x768xf32, #tpu.memory_space<vmem>>, vector<1x16xf32>,
        %get3A_348 = vector.shape_cast %get3A_347 : vector<1x16xf32> to vector<16xf32>
        %add3A_349 = arith.addf %get3A_344, %get3A_348 : vector<16xf32>
        %add3A_350 = arith.addf %add3A_337, %add3A_349 : vector<16xf32>
        %mul3A_351 = arith.mulf %add3A_349, %add3A_349 : vector<16xf32>
        %add3A_352 = arith.addf %add3A_339, %mul3A_351 : vector<16xf32>
        %add3A_353 = arith.addi %mul3A_160, %scan3A_233 : i32
        %get3A_354 = arith.index_cast %add3A_353 : i32 to index
        %get3A_355 = arith.constant 144 : index
        %get3A_356 = tpu.vector_load %arg7[%get3A_354, %get3A_355] {strides = array<i32>} : memref<64x768xf32, #tpu.memory_space<vmem>>, vector<1x16xf32>,
        %get3A_357 = vector.shape_cast %get3A_356 : vector<1x16xf32> to vector<16xf32>
        %get3A_358 = arith.index_cast %scan3A_233 : i32 to index
        %get3A_359 = arith.constant 144 : index
        %get3A_360 = tpu.vector_load %arg9[%get3A_358, %get3A_359] {strides = array<i32>} : memref<32x768xf32, #tpu.memory_space<vmem>>, vector<1x16xf32>,
        %get3A_361 = vector.shape_cast %get3A_360 : vector<1x16xf32> to vector<16xf32>
        %add3A_362 = arith.addf %get3A_357, %get3A_361 : vector<16xf32>
        %add3A_363 = arith.addf %add3A_350, %add3A_362 : vector<16xf32>
        %mul3A_364 = arith.mulf %add3A_362, %add3A_362 : vector<16xf32>
        %add3A_365 = arith.addf %add3A_352, %mul3A_364 : vector<16xf32>
        %add3A_366 = arith.addi %mul3A_160, %scan3A_233 : i32
        %get3A_367 = arith.index_cast %add3A_366 : i32 to index
        %get3A_368 = arith.constant 160 : index
        %get3A_369 = tpu.vector_load %arg7[%get3A_367, %get3A_368] {strides = array<i32>} : memref<64x768xf32, #tpu.memory_space<vmem>>, vector<1x16xf32>,
        %get3A_370 = vector.shape_cast %get3A_369 : vector<1x16xf32> to vector<16xf32>
        %get3A_371 = arith.index_cast %scan3A_233 : i32 to index
        %get3A_372 = arith.constant 160 : index
        %get3A_373 = tpu.vector_load %arg9[%get3A_371, %get3A_372] {strides = array<i32>} : memref<32x768xf32, #tpu.memory_space<vmem>>, vector<1x16xf32>,
        %get3A_374 = vector.shape_cast %get3A_373 : vector<1x16xf32> to vector<16xf32>
        %add3A_375 = arith.addf %get3A_370, %get3A_374 : vector<16xf32>
        %add3A_376 = arith.addf %add3A_363, %add3A_375 : vector<16xf32>
        %mul3A_377 = arith.mulf %add3A_375, %add3A_375 : vector<16xf32>
        %add3A_378 = arith.addf %add3A_365, %mul3A_377 : vector<16xf32>
        %add3A_379 = arith.addi %mul3A_160, %scan3A_233 : i32
        %get3A_380 = arith.index_cast %add3A_379 : i32 to index
        %get3A_381 = arith.constant 176 : index
        %get3A_382 = tpu.vector_load %arg7[%get3A_380, %get3A_381] {strides = array<i32>} : memref<64x768xf32, #tpu.memory_space<vmem>>, vector<1x16xf32>,
        %get3A_383 = vector.shape_cast %get3A_382 : vector<1x16xf32> to vector<16xf32>
        %get3A_384 = arith.index_cast %scan3A_233 : i32 to index
        %get3A_385 = arith.constant 176 : index
        %get3A_386 = tpu.vector_load %arg9[%get3A_384, %get3A_385] {strides = array<i32>} : memref<32x768xf32, #tpu.memory_space<vmem>>, vector<1x16xf32>,
        %get3A_387 = vector.shape_cast %get3A_386 : vector<1x16xf32> to vector<16xf32>
        %add3A_388 = arith.addf %get3A_383, %get3A_387 : vector<16xf32>
        %add3A_389 = arith.addf %add3A_376, %add3A_388 : vector<16xf32>
        %mul3A_390 = arith.mulf %add3A_388, %add3A_388 : vector<16xf32>
        %add3A_391 = arith.addf %add3A_378, %mul3A_390 : vector<16xf32>
        %add3A_392 = arith.addi %mul3A_160, %scan3A_233 : i32
        %get3A_393 = arith.index_cast %add3A_392 : i32 to index
        %get3A_394 = arith.constant 192 : index
        %get3A_395 = tpu.vector_load %arg7[%get3A_393, %get3A_394] {strides = array<i32>} : memref<64x768xf32, #tpu.memory_space<vmem>>, vector<1x16xf32>,
        %get3A_396 = vector.shape_cast %get3A_395 : vector<1x16xf32> to vector<16xf32>
        %get3A_397 = arith.index_cast %scan3A_233 : i32 to index
        %get3A_398 = arith.constant 192 : index
        %get3A_399 = tpu.vector_load %arg9[%get3A_397, %get3A_398] {strides = array<i32>} : memref<32x768xf32, #tpu.memory_space<vmem>>, vector<1x16xf32>,
        %get3A_400 = vector.shape_cast %get3A_399 : vector<1x16xf32> to vector<16xf32>
        %add3A_401 = arith.addf %get3A_396, %get3A_400 : vector<16xf32>
        %add3A_402 = arith.addf %add3A_389, %add3A_401 : vector<16xf32>
        %mul3A_403 = arith.mulf %add3A_401, %add3A_401 : vector<16xf32>
        %add3A_404 = arith.addf %add3A_391, %mul3A_403 : vector<16xf32>
        %add3A_405 = arith.addi %mul3A_160, %scan3A_233 : i32
        %get3A_406 = arith.index_cast %add3A_405 : i32 to index
        %get3A_407 = arith.constant 208 : index
        %get3A_408 = tpu.vector_load %arg7[%get3A_406, %get3A_407] {strides = array<i32>} : memref<64x768xf32, #tpu.memory_space<vmem>>, vector<1x16xf32>,
        %get3A_409 = vector.shape_cast %get3A_408 : vector<1x16xf32> to vector<16xf32>
        %get3A_410 = arith.index_cast %scan3A_233 : i32 to index
        %get3A_411 = arith.constant 208 : index
        %get3A_412 = tpu.vector_load %arg9[%get3A_410, %get3A_411] {strides = array<i32>} : memref<32x768xf32, #tpu.memory_space<vmem>>, vector<1x16xf32>,
        %get3A_413 = vector.shape_cast %get3A_412 : vector<1x16xf32> to vector<16xf32>
        %add3A_414 = arith.addf %get3A_409, %get3A_413 : vector<16xf32>
        %add3A_415 = arith.addf %add3A_402, %add3A_414 : vector<16xf32>
        %mul3A_416 = arith.mulf %add3A_414, %add3A_414 : vector<16xf32>
        %add3A_417 = arith.addf %add3A_404, %mul3A_416 : vector<16xf32>
        %add3A_418 = arith.addi %mul3A_160, %scan3A_233 : i32
        %get3A_419 = arith.index_cast %add3A_418 : i32 to index
        %get3A_420 = arith.constant 224 : index
        %get3A_421 = tpu.vector_load %arg7[%get3A_419, %get3A_420] {strides = array<i32>} : memref<64x768xf32, #tpu.memory_space<vmem>>, vector<1x16xf32>,
        %get3A_422 = vector.shape_cast %get3A_421 : vector<1x16xf32> to vector<16xf32>
        %get3A_423 = arith.index_cast %scan3A_233 : i32 to index
        %get3A_424 = arith.constant 224 : index
        %get3A_425 = tpu.vector_load %arg9[%get3A_423, %get3A_424] {strides = array<i32>} : memref<32x768xf32, #tpu.memory_space<vmem>>, vector<1x16xf32>,
        %get3A_426 = vector.shape_cast %get3A_425 : vector<1x16xf32> to vector<16xf32>
        %add3A_427 = arith.addf %get3A_422, %get3A_426 : vector<16xf32>
        %add3A_428 = arith.addf %add3A_415, %add3A_427 : vector<16xf32>
        %mul3A_429 = arith.mulf %add3A_427, %add3A_427 : vector<16xf32>
        %add3A_430 = arith.addf %add3A_417, %mul3A_429 : vector<16xf32>
        %add3A_431 = arith.addi %mul3A_160, %scan3A_233 : i32
        %get3A_432 = arith.index_cast %add3A_431 : i32 to index
        %get3A_433 = arith.constant 240 : index
        %get3A_434 = tpu.vector_load %arg7[%get3A_432, %get3A_433] {strides = array<i32>} : memref<64x768xf32, #tpu.memory_space<vmem>>, vector<1x16xf32>,
        %get3A_435 = vector.shape_cast %get3A_434 : vector<1x16xf32> to vector<16xf32>
        %get3A_436 = arith.index_cast %scan3A_233 : i32 to index
        %get3A_437 = arith.constant 240 : index
        %get3A_438 = tpu.vector_load %arg9[%get3A_436, %get3A_437] {strides = array<i32>} : memref<32x768xf32, #tpu.memory_space<vmem>>, vector<1x16xf32>,
        %get3A_439 = vector.shape_cast %get3A_438 : vector<1x16xf32> to vector<16xf32>
        %add3A_440 = arith.addf %get3A_435, %get3A_439 : vector<16xf32>
        %add3A_441 = arith.addf %add3A_428, %add3A_440 : vector<16xf32>
        %mul3A_442 = arith.mulf %add3A_440, %add3A_440 : vector<16xf32>
        %add3A_443 = arith.addf %add3A_430, %mul3A_442 : vector<16xf32>
        %add3A_444 = arith.addi %mul3A_160, %scan3A_233 : i32
        %get3A_445 = arith.index_cast %add3A_444 : i32 to index
        %get3A_446 = arith.constant 256 : index
        %get3A_447 = tpu.vector_load %arg7[%get3A_445, %get3A_446] {strides = array<i32>} : memref<64x768xf32, #tpu.memory_space<vmem>>, vector<1x16xf32>,
        %get3A_448 = vector.shape_cast %get3A_447 : vector<1x16xf32> to vector<16xf32>
        %get3A_449 = arith.index_cast %scan3A_233 : i32 to index
        %get3A_450 = arith.constant 256 : index
        %get3A_451 = tpu.vector_load %arg9[%get3A_449, %get3A_450] {strides = array<i32>} : memref<32x768xf32, #tpu.memory_space<vmem>>, vector<1x16xf32>,
        %get3A_452 = vector.shape_cast %get3A_451 : vector<1x16xf32> to vector<16xf32>
        %add3A_453 = arith.addf %get3A_448, %get3A_452 : vector<16xf32>
        %add3A_454 = arith.addf %add3A_441, %add3A_453 : vector<16xf32>
        %mul3A_455 = arith.mulf %add3A_453, %add3A_453 : vector<16xf32>
        %add3A_456 = arith.addf %add3A_443, %mul3A_455 : vector<16xf32>
        %add3A_457 = arith.addi %mul3A_160, %scan3A_233 : i32
        %get3A_458 = arith.index_cast %add3A_457 : i32 to index
        %get3A_459 = arith.constant 272 : index
        %get3A_460 = tpu.vector_load %arg7[%get3A_458, %get3A_459] {strides = array<i32>} : memref<64x768xf32, #tpu.memory_space<vmem>>, vector<1x16xf32>,
        %get3A_461 = vector.shape_cast %get3A_460 : vector<1x16xf32> to vector<16xf32>
        %get3A_462 = arith.index_cast %scan3A_233 : i32 to index
        %get3A_463 = arith.constant 272 : index
        %get3A_464 = tpu.vector_load %arg9[%get3A_462, %get3A_463] {strides = array<i32>} : memref<32x768xf32, #tpu.memory_space<vmem>>, vector<1x16xf32>,
        %get3A_465 = vector.shape_cast %get3A_464 : vector<1x16xf32> to vector<16xf32>
        %add3A_466 = arith.addf %get3A_461, %get3A_465 : vector<16xf32>
        %add3A_467 = arith.addf %add3A_454, %add3A_466 : vector<16xf32>
        %mul3A_468 = arith.mulf %add3A_466, %add3A_466 : vector<16xf32>
        %add3A_469 = arith.addf %add3A_456, %mul3A_468 : vector<16xf32>
        %add3A_470 = arith.addi %mul3A_160, %scan3A_233 : i32
        %get3A_471 = arith.index_cast %add3A_470 : i32 to index
        %get3A_472 = arith.constant 288 : index
        %get3A_473 = tpu.vector_load %arg7[%get3A_471, %get3A_472] {strides = array<i32>} : memref<64x768xf32, #tpu.memory_space<vmem>>, vector<1x16xf32>,
        %get3A_474 = vector.shape_cast %get3A_473 : vector<1x16xf32> to vector<16xf32>
        %get3A_475 = arith.index_cast %scan3A_233 : i32 to index
        %get3A_476 = arith.constant 288 : index
        %get3A_477 = tpu.vector_load %arg9[%get3A_475, %get3A_476] {strides = array<i32>} : memref<32x768xf32, #tpu.memory_space<vmem>>, vector<1x16xf32>,
        %get3A_478 = vector.shape_cast %get3A_477 : vector<1x16xf32> to vector<16xf32>
        %add3A_479 = arith.addf %get3A_474, %get3A_478 : vector<16xf32>
        %add3A_480 = arith.addf %add3A_467, %add3A_479 : vector<16xf32>
        %mul3A_481 = arith.mulf %add3A_479, %add3A_479 : vector<16xf32>
        %add3A_482 = arith.addf %add3A_469, %mul3A_481 : vector<16xf32>
        %add3A_483 = arith.addi %mul3A_160, %scan3A_233 : i32
        %get3A_484 = arith.index_cast %add3A_483 : i32 to index
        %get3A_485 = arith.constant 304 : index
        %get3A_486 = tpu.vector_load %arg7[%get3A_484, %get3A_485] {strides = array<i32>} : memref<64x768xf32, #tpu.memory_space<vmem>>, vector<1x16xf32>,
        %get3A_487 = vector.shape_cast %get3A_486 : vector<1x16xf32> to vector<16xf32>
        %get3A_488 = arith.index_cast %scan3A_233 : i32 to index
        %get3A_489 = arith.constant 304 : index
        %get3A_490 = tpu.vector_load %arg9[%get3A_488, %get3A_489] {strides = array<i32>} : memref<32x768xf32, #tpu.memory_space<vmem>>, vector<1x16xf32>,
        %get3A_491 = vector.shape_cast %get3A_490 : vector<1x16xf32> to vector<16xf32>
        %add3A_492 = arith.addf %get3A_487, %get3A_491 : vector<16xf32>
        %add3A_493 = arith.addf %add3A_480, %add3A_492 : vector<16xf32>
        %mul3A_494 = arith.mulf %add3A_492, %add3A_492 : vector<16xf32>
        %add3A_495 = arith.addf %add3A_482, %mul3A_494 : vector<16xf32>
        %add3A_496 = arith.addi %mul3A_160, %scan3A_233 : i32
        %get3A_497 = arith.index_cast %add3A_496 : i32 to index
        %get3A_498 = arith.constant 320 : index
        %get3A_499 = tpu.vector_load %arg7[%get3A_497, %get3A_498] {strides = array<i32>} : memref<64x768xf32, #tpu.memory_space<vmem>>, vector<1x16xf32>,
        %get3A_500 = vector.shape_cast %get3A_499 : vector<1x16xf32> to vector<16xf32>
        %get3A_501 = arith.index_cast %scan3A_233 : i32 to index
        %get3A_502 = arith.constant 320 : index
        %get3A_503 = tpu.vector_load %arg9[%get3A_501, %get3A_502] {strides = array<i32>} : memref<32x768xf32, #tpu.memory_space<vmem>>, vector<1x16xf32>,
        %get3A_504 = vector.shape_cast %get3A_503 : vector<1x16xf32> to vector<16xf32>
        %add3A_505 = arith.addf %get3A_500, %get3A_504 : vector<16xf32>
        %add3A_506 = arith.addf %add3A_493, %add3A_505 : vector<16xf32>
        %mul3A_507 = arith.mulf %add3A_505, %add3A_505 : vector<16xf32>
        %add3A_508 = arith.addf %add3A_495, %mul3A_507 : vector<16xf32>
        %add3A_509 = arith.addi %mul3A_160, %scan3A_233 : i32
        %get3A_510 = arith.index_cast %add3A_509 : i32 to index
        %get3A_511 = arith.constant 336 : index
        %get3A_512 = tpu.vector_load %arg7[%get3A_510, %get3A_511] {strides = array<i32>} : memref<64x768xf32, #tpu.memory_space<vmem>>, vector<1x16xf32>,
        %get3A_513 = vector.shape_cast %get3A_512 : vector<1x16xf32> to vector<16xf32>
        %get3A_514 = arith.index_cast %scan3A_233 : i32 to index
        %get3A_515 = arith.constant 336 : index
        %get3A_516 = tpu.vector_load %arg9[%get3A_514, %get3A_515] {strides = array<i32>} : memref<32x768xf32, #tpu.memory_space<vmem>>, vector<1x16xf32>,
        %get3A_517 = vector.shape_cast %get3A_516 : vector<1x16xf32> to vector<16xf32>
        %add3A_518 = arith.addf %get3A_513, %get3A_517 : vector<16xf32>
        %add3A_519 = arith.addf %add3A_506, %add3A_518 : vector<16xf32>
        %mul3A_520 = arith.mulf %add3A_518, %add3A_518 : vector<16xf32>
        %add3A_521 = arith.addf %add3A_508, %mul3A_520 : vector<16xf32>
        %add3A_522 = arith.addi %mul3A_160, %scan3A_233 : i32
        %get3A_523 = arith.index_cast %add3A_522 : i32 to index
        %get3A_524 = arith.constant 352 : index
        %get3A_525 = tpu.vector_load %arg7[%get3A_523, %get3A_524] {strides = array<i32>} : memref<64x768xf32, #tpu.memory_space<vmem>>, vector<1x16xf32>,
        %get3A_526 = vector.shape_cast %get3A_525 : vector<1x16xf32> to vector<16xf32>
        %get3A_527 = arith.index_cast %scan3A_233 : i32 to index
        %get3A_528 = arith.constant 352 : index
        %get3A_529 = tpu.vector_load %arg9[%get3A_527, %get3A_528] {strides = array<i32>} : memref<32x768xf32, #tpu.memory_space<vmem>>, vector<1x16xf32>,
        %get3A_530 = vector.shape_cast %get3A_529 : vector<1x16xf32> to vector<16xf32>
        %add3A_531 = arith.addf %get3A_526, %get3A_530 : vector<16xf32>
        %add3A_532 = arith.addf %add3A_519, %add3A_531 : vector<16xf32>
        %mul3A_533 = arith.mulf %add3A_531, %add3A_531 : vector<16xf32>
        %add3A_534 = arith.addf %add3A_521, %mul3A_533 : vector<16xf32>
        %add3A_535 = arith.addi %mul3A_160, %scan3A_233 : i32
        %get3A_536 = arith.index_cast %add3A_535 : i32 to index
        %get3A_537 = arith.constant 368 : index
        %get3A_538 = tpu.vector_load %arg7[%get3A_536, %get3A_537] {strides = array<i32>} : memref<64x768xf32, #tpu.memory_space<vmem>>, vector<1x16xf32>,
        %get3A_539 = vector.shape_cast %get3A_538 : vector<1x16xf32> to vector<16xf32>
        %get3A_540 = arith.index_cast %scan3A_233 : i32 to index
        %get3A_541 = arith.constant 368 : index
        %get3A_542 = tpu.vector_load %arg9[%get3A_540, %get3A_541] {strides = array<i32>} : memref<32x768xf32, #tpu.memory_space<vmem>>, vector<1x16xf32>,
        %get3A_543 = vector.shape_cast %get3A_542 : vector<1x16xf32> to vector<16xf32>
        %add3A_544 = arith.addf %get3A_539, %get3A_543 : vector<16xf32>
        %add3A_545 = arith.addf %add3A_532, %add3A_544 : vector<16xf32>
        %mul3A_546 = arith.mulf %add3A_544, %add3A_544 : vector<16xf32>
        %add3A_547 = arith.addf %add3A_534, %mul3A_546 : vector<16xf32>
        %add3A_548 = arith.addi %mul3A_160, %scan3A_233 : i32
        %get3A_549 = arith.index_cast %add3A_548 : i32 to index
        %get3A_550 = arith.constant 384 : index
        %get3A_551 = tpu.vector_load %arg7[%get3A_549, %get3A_550] {strides = array<i32>} : memref<64x768xf32, #tpu.memory_space<vmem>>, vector<1x16xf32>,
        %get3A_552 = vector.shape_cast %get3A_551 : vector<1x16xf32> to vector<16xf32>
        %get3A_553 = arith.index_cast %scan3A_233 : i32 to index
        %get3A_554 = arith.constant 384 : index
        %get3A_555 = tpu.vector_load %arg9[%get3A_553, %get3A_554] {strides = array<i32>} : memref<32x768xf32, #tpu.memory_space<vmem>>, vector<1x16xf32>,
        %get3A_556 = vector.shape_cast %get3A_555 : vector<1x16xf32> to vector<16xf32>
        %add3A_557 = arith.addf %get3A_552, %get3A_556 : vector<16xf32>
        %add3A_558 = arith.addf %add3A_545, %add3A_557 : vector<16xf32>
        %mul3A_559 = arith.mulf %add3A_557, %add3A_557 : vector<16xf32>
        %add3A_560 = arith.addf %add3A_547, %mul3A_559 : vector<16xf32>
        %add3A_561 = arith.addi %mul3A_160, %scan3A_233 : i32
        %get3A_562 = arith.index_cast %add3A_561 : i32 to index
        %get3A_563 = arith.constant 400 : index
        %get3A_564 = tpu.vector_load %arg7[%get3A_562, %get3A_563] {strides = array<i32>} : memref<64x768xf32, #tpu.memory_space<vmem>>, vector<1x16xf32>,
        %get3A_565 = vector.shape_cast %get3A_564 : vector<1x16xf32> to vector<16xf32>
        %get3A_566 = arith.index_cast %scan3A_233 : i32 to index
        %get3A_567 = arith.constant 400 : index
        %get3A_568 = tpu.vector_load %arg9[%get3A_566, %get3A_567] {strides = array<i32>} : memref<32x768xf32, #tpu.memory_space<vmem>>, vector<1x16xf32>,
        %get3A_569 = vector.shape_cast %get3A_568 : vector<1x16xf32> to vector<16xf32>
        %add3A_570 = arith.addf %get3A_565, %get3A_569 : vector<16xf32>
        %add3A_571 = arith.addf %add3A_558, %add3A_570 : vector<16xf32>
        %mul3A_572 = arith.mulf %add3A_570, %add3A_570 : vector<16xf32>
        %add3A_573 = arith.addf %add3A_560, %mul3A_572 : vector<16xf32>
        %add3A_574 = arith.addi %mul3A_160, %scan3A_233 : i32
        %get3A_575 = arith.index_cast %add3A_574 : i32 to index
        %get3A_576 = arith.constant 416 : index
        %get3A_577 = tpu.vector_load %arg7[%get3A_575, %get3A_576] {strides = array<i32>} : memref<64x768xf32, #tpu.memory_space<vmem>>, vector<1x16xf32>,
        %get3A_578 = vector.shape_cast %get3A_577 : vector<1x16xf32> to vector<16xf32>
        %get3A_579 = arith.index_cast %scan3A_233 : i32 to index
        %get3A_580 = arith.constant 416 : index
        %get3A_581 = tpu.vector_load %arg9[%get3A_579, %get3A_580] {strides = array<i32>} : memref<32x768xf32, #tpu.memory_space<vmem>>, vector<1x16xf32>,
        %get3A_582 = vector.shape_cast %get3A_581 : vector<1x16xf32> to vector<16xf32>
        %add3A_583 = arith.addf %get3A_578, %get3A_582 : vector<16xf32>
        %add3A_584 = arith.addf %add3A_571, %add3A_583 : vector<16xf32>
        %mul3A_585 = arith.mulf %add3A_583, %add3A_583 : vector<16xf32>
        %add3A_586 = arith.addf %add3A_573, %mul3A_585 : vector<16xf32>
        %add3A_587 = arith.addi %mul3A_160, %scan3A_233 : i32
        %get3A_588 = arith.index_cast %add3A_587 : i32 to index
        %get3A_589 = arith.constant 432 : index
        %get3A_590 = tpu.vector_load %arg7[%get3A_588, %get3A_589] {strides = array<i32>} : memref<64x768xf32, #tpu.memory_space<vmem>>, vector<1x16xf32>,
        %get3A_591 = vector.shape_cast %get3A_590 : vector<1x16xf32> to vector<16xf32>
        %get3A_592 = arith.index_cast %scan3A_233 : i32 to index
        %get3A_593 = arith.constant 432 : index
        %get3A_594 = tpu.vector_load %arg9[%get3A_592, %get3A_593] {strides = array<i32>} : memref<32x768xf32, #tpu.memory_space<vmem>>, vector<1x16xf32>,
        %get3A_595 = vector.shape_cast %get3A_594 : vector<1x16xf32> to vector<16xf32>
        %add3A_596 = arith.addf %get3A_591, %get3A_595 : vector<16xf32>
        %add3A_597 = arith.addf %add3A_584, %add3A_596 : vector<16xf32>
        %mul3A_598 = arith.mulf %add3A_596, %add3A_596 : vector<16xf32>
        %add3A_599 = arith.addf %add3A_586, %mul3A_598 : vector<16xf32>
        %add3A_600 = arith.addi %mul3A_160, %scan3A_233 : i32
        %get3A_601 = arith.index_cast %add3A_600 : i32 to index
        %get3A_602 = arith.constant 448 : index
        %get3A_603 = tpu.vector_load %arg7[%get3A_601, %get3A_602] {strides = array<i32>} : memref<64x768xf32, #tpu.memory_space<vmem>>, vector<1x16xf32>,
        %get3A_604 = vector.shape_cast %get3A_603 : vector<1x16xf32> to vector<16xf32>
        %get3A_605 = arith.index_cast %scan3A_233 : i32 to index
        %get3A_606 = arith.constant 448 : index
        %get3A_607 = tpu.vector_load %arg9[%get3A_605, %get3A_606] {strides = array<i32>} : memref<32x768xf32, #tpu.memory_space<vmem>>, vector<1x16xf32>,
        %get3A_608 = vector.shape_cast %get3A_607 : vector<1x16xf32> to vector<16xf32>
        %add3A_609 = arith.addf %get3A_604, %get3A_608 : vector<16xf32>
        %add3A_610 = arith.addf %add3A_597, %add3A_609 : vector<16xf32>
        %mul3A_611 = arith.mulf %add3A_609, %add3A_609 : vector<16xf32>
        %add3A_612 = arith.addf %add3A_599, %mul3A_611 : vector<16xf32>
        %add3A_613 = arith.addi %mul3A_160, %scan3A_233 : i32
        %get3A_614 = arith.index_cast %add3A_613 : i32 to index
        %get3A_615 = arith.constant 464 : index
        %get3A_616 = tpu.vector_load %arg7[%get3A_614, %get3A_615] {strides = array<i32>} : memref<64x768xf32, #tpu.memory_space<vmem>>, vector<1x16xf32>,
        %get3A_617 = vector.shape_cast %get3A_616 : vector<1x16xf32> to vector<16xf32>
        %get3A_618 = arith.index_cast %scan3A_233 : i32 to index
        %get3A_619 = arith.constant 464 : index
        %get3A_620 = tpu.vector_load %arg9[%get3A_618, %get3A_619] {strides = array<i32>} : memref<32x768xf32, #tpu.memory_space<vmem>>, vector<1x16xf32>,
        %get3A_621 = vector.shape_cast %get3A_620 : vector<1x16xf32> to vector<16xf32>
        %add3A_622 = arith.addf %get3A_617, %get3A_621 : vector<16xf32>
        %add3A_623 = arith.addf %add3A_610, %add3A_622 : vector<16xf32>
        %mul3A_624 = arith.mulf %add3A_622, %add3A_622 : vector<16xf32>
        %add3A_625 = arith.addf %add3A_612, %mul3A_624 : vector<16xf32>
        %add3A_626 = arith.addi %mul3A_160, %scan3A_233 : i32
        %get3A_627 = arith.index_cast %add3A_626 : i32 to index
        %get3A_628 = arith.constant 480 : index
        %get3A_629 = tpu.vector_load %arg7[%get3A_627, %get3A_628] {strides = array<i32>} : memref<64x768xf32, #tpu.memory_space<vmem>>, vector<1x16xf32>,
        %get3A_630 = vector.shape_cast %get3A_629 : vector<1x16xf32> to vector<16xf32>
        %get3A_631 = arith.index_cast %scan3A_233 : i32 to index
        %get3A_632 = arith.constant 480 : index
        %get3A_633 = tpu.vector_load %arg9[%get3A_631, %get3A_632] {strides = array<i32>} : memref<32x768xf32, #tpu.memory_space<vmem>>, vector<1x16xf32>,
        %get3A_634 = vector.shape_cast %get3A_633 : vector<1x16xf32> to vector<16xf32>
        %add3A_635 = arith.addf %get3A_630, %get3A_634 : vector<16xf32>
        %add3A_636 = arith.addf %add3A_623, %add3A_635 : vector<16xf32>
        %mul3A_637 = arith.mulf %add3A_635, %add3A_635 : vector<16xf32>
        %add3A_638 = arith.addf %add3A_625, %mul3A_637 : vector<16xf32>
        %add3A_639 = arith.addi %mul3A_160, %scan3A_233 : i32
        %get3A_640 = arith.index_cast %add3A_639 : i32 to index
        %get3A_641 = arith.constant 496 : index
        %get3A_642 = tpu.vector_load %arg7[%get3A_640, %get3A_641] {strides = array<i32>} : memref<64x768xf32, #tpu.memory_space<vmem>>, vector<1x16xf32>,
        %get3A_643 = vector.shape_cast %get3A_642 : vector<1x16xf32> to vector<16xf32>
        %get3A_644 = arith.index_cast %scan3A_233 : i32 to index
        %get3A_645 = arith.constant 496 : index
        %get3A_646 = tpu.vector_load %arg9[%get3A_644, %get3A_645] {strides = array<i32>} : memref<32x768xf32, #tpu.memory_space<vmem>>, vector<1x16xf32>,
        %get3A_647 = vector.shape_cast %get3A_646 : vector<1x16xf32> to vector<16xf32>
        %add3A_648 = arith.addf %get3A_643, %get3A_647 : vector<16xf32>
        %add3A_649 = arith.addf %add3A_636, %add3A_648 : vector<16xf32>
        %mul3A_650 = arith.mulf %add3A_648, %add3A_648 : vector<16xf32>
        %add3A_651 = arith.addf %add3A_638, %mul3A_650 : vector<16xf32>
        %add3A_652 = arith.addi %mul3A_160, %scan3A_233 : i32
        %get3A_653 = arith.index_cast %add3A_652 : i32 to index
        %get3A_654 = arith.constant 512 : index
        %get3A_655 = tpu.vector_load %arg7[%get3A_653, %get3A_654] {strides = array<i32>} : memref<64x768xf32, #tpu.memory_space<vmem>>, vector<1x16xf32>,
        %get3A_656 = vector.shape_cast %get3A_655 : vector<1x16xf32> to vector<16xf32>
        %get3A_657 = arith.index_cast %scan3A_233 : i32 to index
        %get3A_658 = arith.constant 512 : index
        %get3A_659 = tpu.vector_load %arg9[%get3A_657, %get3A_658] {strides = array<i32>} : memref<32x768xf32, #tpu.memory_space<vmem>>, vector<1x16xf32>,
        %get3A_660 = vector.shape_cast %get3A_659 : vector<1x16xf32> to vector<16xf32>
        %add3A_661 = arith.addf %get3A_656, %get3A_660 : vector<16xf32>
        %add3A_662 = arith.addf %add3A_649, %add3A_661 : vector<16xf32>
        %mul3A_663 = arith.mulf %add3A_661, %add3A_661 : vector<16xf32>
        %add3A_664 = arith.addf %add3A_651, %mul3A_663 : vector<16xf32>
        %add3A_665 = arith.addi %mul3A_160, %scan3A_233 : i32
        %get3A_666 = arith.index_cast %add3A_665 : i32 to index
        %get3A_667 = arith.constant 528 : index
        %get3A_668 = tpu.vector_load %arg7[%get3A_666, %get3A_667] {strides = array<i32>} : memref<64x768xf32, #tpu.memory_space<vmem>>, vector<1x16xf32>,
        %get3A_669 = vector.shape_cast %get3A_668 : vector<1x16xf32> to vector<16xf32>
        %get3A_670 = arith.index_cast %scan3A_233 : i32 to index
        %get3A_671 = arith.constant 528 : index
        %get3A_672 = tpu.vector_load %arg9[%get3A_670, %get3A_671] {strides = array<i32>} : memref<32x768xf32, #tpu.memory_space<vmem>>, vector<1x16xf32>,
        %get3A_673 = vector.shape_cast %get3A_672 : vector<1x16xf32> to vector<16xf32>
        %add3A_674 = arith.addf %get3A_669, %get3A_673 : vector<16xf32>
        %add3A_675 = arith.addf %add3A_662, %add3A_674 : vector<16xf32>
        %mul3A_676 = arith.mulf %add3A_674, %add3A_674 : vector<16xf32>
        %add3A_677 = arith.addf %add3A_664, %mul3A_676 : vector<16xf32>
        %add3A_678 = arith.addi %mul3A_160, %scan3A_233 : i32
        %get3A_679 = arith.index_cast %add3A_678 : i32 to index
        %get3A_680 = arith.constant 544 : index
        %get3A_681 = tpu.vector_load %arg7[%get3A_679, %get3A_680] {strides = array<i32>} : memref<64x768xf32, #tpu.memory_space<vmem>>, vector<1x16xf32>,
        %get3A_682 = vector.shape_cast %get3A_681 : vector<1x16xf32> to vector<16xf32>
        %get3A_683 = arith.index_cast %scan3A_233 : i32 to index
        %get3A_684 = arith.constant 544 : index
        %get3A_685 = tpu.vector_load %arg9[%get3A_683, %get3A_684] {strides = array<i32>} : memref<32x768xf32, #tpu.memory_space<vmem>>, vector<1x16xf32>,
        %get3A_686 = vector.shape_cast %get3A_685 : vector<1x16xf32> to vector<16xf32>
        %add3A_687 = arith.addf %get3A_682, %get3A_686 : vector<16xf32>
        %add3A_688 = arith.addf %add3A_675, %add3A_687 : vector<16xf32>
        %mul3A_689 = arith.mulf %add3A_687, %add3A_687 : vector<16xf32>
        %add3A_690 = arith.addf %add3A_677, %mul3A_689 : vector<16xf32>
        %add3A_691 = arith.addi %mul3A_160, %scan3A_233 : i32
        %get3A_692 = arith.index_cast %add3A_691 : i32 to index
        %get3A_693 = arith.constant 560 : index
        %get3A_694 = tpu.vector_load %arg7[%get3A_692, %get3A_693] {strides = array<i32>} : memref<64x768xf32, #tpu.memory_space<vmem>>, vector<1x16xf32>,
        %get3A_695 = vector.shape_cast %get3A_694 : vector<1x16xf32> to vector<16xf32>
        %get3A_696 = arith.index_cast %scan3A_233 : i32 to index
        %get3A_697 = arith.constant 560 : index
        %get3A_698 = tpu.vector_load %arg9[%get3A_696, %get3A_697] {strides = array<i32>} : memref<32x768xf32, #tpu.memory_space<vmem>>, vector<1x16xf32>,
        %get3A_699 = vector.shape_cast %get3A_698 : vector<1x16xf32> to vector<16xf32>
        %add3A_700 = arith.addf %get3A_695, %get3A_699 : vector<16xf32>
        %add3A_701 = arith.addf %add3A_688, %add3A_700 : vector<16xf32>
        %mul3A_702 = arith.mulf %add3A_700, %add3A_700 : vector<16xf32>
        %add3A_703 = arith.addf %add3A_690, %mul3A_702 : vector<16xf32>
        %add3A_704 = arith.addi %mul3A_160, %scan3A_233 : i32
        %get3A_705 = arith.index_cast %add3A_704 : i32 to index
        %get3A_706 = arith.constant 576 : index
        %get3A_707 = tpu.vector_load %arg7[%get3A_705, %get3A_706] {strides = array<i32>} : memref<64x768xf32, #tpu.memory_space<vmem>>, vector<1x16xf32>,
        %get3A_708 = vector.shape_cast %get3A_707 : vector<1x16xf32> to vector<16xf32>
        %get3A_709 = arith.index_cast %scan3A_233 : i32 to index
        %get3A_710 = arith.constant 576 : index
        %get3A_711 = tpu.vector_load %arg9[%get3A_709, %get3A_710] {strides = array<i32>} : memref<32x768xf32, #tpu.memory_space<vmem>>, vector<1x16xf32>,
        %get3A_712 = vector.shape_cast %get3A_711 : vector<1x16xf32> to vector<16xf32>
        %add3A_713 = arith.addf %get3A_708, %get3A_712 : vector<16xf32>
        %add3A_714 = arith.addf %add3A_701, %add3A_713 : vector<16xf32>
        %mul3A_715 = arith.mulf %add3A_713, %add3A_713 : vector<16xf32>
        %add3A_716 = arith.addf %add3A_703, %mul3A_715 : vector<16xf32>
        %add3A_717 = arith.addi %mul3A_160, %scan3A_233 : i32
        %get3A_718 = arith.index_cast %add3A_717 : i32 to index
        %get3A_719 = arith.constant 592 : index
        %get3A_720 = tpu.vector_load %arg7[%get3A_718, %get3A_719] {strides = array<i32>} : memref<64x768xf32, #tpu.memory_space<vmem>>, vector<1x16xf32>,
        %get3A_721 = vector.shape_cast %get3A_720 : vector<1x16xf32> to vector<16xf32>
        %get3A_722 = arith.index_cast %scan3A_233 : i32 to index
        %get3A_723 = arith.constant 592 : index
        %get3A_724 = tpu.vector_load %arg9[%get3A_722, %get3A_723] {strides = array<i32>} : memref<32x768xf32, #tpu.memory_space<vmem>>, vector<1x16xf32>,
        %get3A_725 = vector.shape_cast %get3A_724 : vector<1x16xf32> to vector<16xf32>
        %add3A_726 = arith.addf %get3A_721, %get3A_725 : vector<16xf32>
        %add3A_727 = arith.addf %add3A_714, %add3A_726 : vector<16xf32>
        %mul3A_728 = arith.mulf %add3A_726, %add3A_726 : vector<16xf32>
        %add3A_729 = arith.addf %add3A_716, %mul3A_728 : vector<16xf32>
        %add3A_730 = arith.addi %mul3A_160, %scan3A_233 : i32
        %get3A_731 = arith.index_cast %add3A_730 : i32 to index
        %get3A_732 = arith.constant 608 : index
        %get3A_733 = tpu.vector_load %arg7[%get3A_731, %get3A_732] {strides = array<i32>} : memref<64x768xf32, #tpu.memory_space<vmem>>, vector<1x16xf32>,
        %get3A_734 = vector.shape_cast %get3A_733 : vector<1x16xf32> to vector<16xf32>
        %get3A_735 = arith.index_cast %scan3A_233 : i32 to index
        %get3A_736 = arith.constant 608 : index
        %get3A_737 = tpu.vector_load %arg9[%get3A_735, %get3A_736] {strides = array<i32>} : memref<32x768xf32, #tpu.memory_space<vmem>>, vector<1x16xf32>,
        %get3A_738 = vector.shape_cast %get3A_737 : vector<1x16xf32> to vector<16xf32>
        %add3A_739 = arith.addf %get3A_734, %get3A_738 : vector<16xf32>
        %add3A_740 = arith.addf %add3A_727, %add3A_739 : vector<16xf32>
        %mul3A_741 = arith.mulf %add3A_739, %add3A_739 : vector<16xf32>
        %add3A_742 = arith.addf %add3A_729, %mul3A_741 : vector<16xf32>
        %add3A_743 = arith.addi %mul3A_160, %scan3A_233 : i32
        %get3A_744 = arith.index_cast %add3A_743 : i32 to index
        %get3A_745 = arith.constant 624 : index
        %get3A_746 = tpu.vector_load %arg7[%get3A_744, %get3A_745] {strides = array<i32>} : memref<64x768xf32, #tpu.memory_space<vmem>>, vector<1x16xf32>,
        %get3A_747 = vector.shape_cast %get3A_746 : vector<1x16xf32> to vector<16xf32>
        %get3A_748 = arith.index_cast %scan3A_233 : i32 to index
        %get3A_749 = arith.constant 624 : index
        %get3A_750 = tpu.vector_load %arg9[%get3A_748, %get3A_749] {strides = array<i32>} : memref<32x768xf32, #tpu.memory_space<vmem>>, vector<1x16xf32>,
        %get3A_751 = vector.shape_cast %get3A_750 : vector<1x16xf32> to vector<16xf32>
        %add3A_752 = arith.addf %get3A_747, %get3A_751 : vector<16xf32>
        %add3A_753 = arith.addf %add3A_740, %add3A_752 : vector<16xf32>
        %mul3A_754 = arith.mulf %add3A_752, %add3A_752 : vector<16xf32>
        %add3A_755 = arith.addf %add3A_742, %mul3A_754 : vector<16xf32>
        %add3A_756 = arith.addi %mul3A_160, %scan3A_233 : i32
        %get3A_757 = arith.index_cast %add3A_756 : i32 to index
        %get3A_758 = arith.constant 640 : index
        %get3A_759 = tpu.vector_load %arg7[%get3A_757, %get3A_758] {strides = array<i32>} : memref<64x768xf32, #tpu.memory_space<vmem>>, vector<1x16xf32>,
        %get3A_760 = vector.shape_cast %get3A_759 : vector<1x16xf32> to vector<16xf32>
        %get3A_761 = arith.index_cast %scan3A_233 : i32 to index
        %get3A_762 = arith.constant 640 : index
        %get3A_763 = tpu.vector_load %arg9[%get3A_761, %get3A_762] {strides = array<i32>} : memref<32x768xf32, #tpu.memory_space<vmem>>, vector<1x16xf32>,
        %get3A_764 = vector.shape_cast %get3A_763 : vector<1x16xf32> to vector<16xf32>
        %add3A_765 = arith.addf %get3A_760, %get3A_764 : vector<16xf32>
        %add3A_766 = arith.addf %add3A_753, %add3A_765 : vector<16xf32>
        %mul3A_767 = arith.mulf %add3A_765, %add3A_765 : vector<16xf32>
        %add3A_768 = arith.addf %add3A_755, %mul3A_767 : vector<16xf32>
        %add3A_769 = arith.addi %mul3A_160, %scan3A_233 : i32
        %get3A_770 = arith.index_cast %add3A_769 : i32 to index
        %get3A_771 = arith.constant 656 : index
        %get3A_772 = tpu.vector_load %arg7[%get3A_770, %get3A_771] {strides = array<i32>} : memref<64x768xf32, #tpu.memory_space<vmem>>, vector<1x16xf32>,
        %get3A_773 = vector.shape_cast %get3A_772 : vector<1x16xf32> to vector<16xf32>
        %get3A_774 = arith.index_cast %scan3A_233 : i32 to index
        %get3A_775 = arith.constant 656 : index
        %get3A_776 = tpu.vector_load %arg9[%get3A_774, %get3A_775] {strides = array<i32>} : memref<32x768xf32, #tpu.memory_space<vmem>>, vector<1x16xf32>,
        %get3A_777 = vector.shape_cast %get3A_776 : vector<1x16xf32> to vector<16xf32>
        %add3A_778 = arith.addf %get3A_773, %get3A_777 : vector<16xf32>
        %add3A_779 = arith.addf %add3A_766, %add3A_778 : vector<16xf32>
        %mul3A_780 = arith.mulf %add3A_778, %add3A_778 : vector<16xf32>
        %add3A_781 = arith.addf %add3A_768, %mul3A_780 : vector<16xf32>
        %add3A_782 = arith.addi %mul3A_160, %scan3A_233 : i32
        %get3A_783 = arith.index_cast %add3A_782 : i32 to index
        %get3A_784 = arith.constant 672 : index
        %get3A_785 = tpu.vector_load %arg7[%get3A_783, %get3A_784] {strides = array<i32>} : memref<64x768xf32, #tpu.memory_space<vmem>>, vector<1x16xf32>,
        %get3A_786 = vector.shape_cast %get3A_785 : vector<1x16xf32> to vector<16xf32>
        %get3A_787 = arith.index_cast %scan3A_233 : i32 to index
        %get3A_788 = arith.constant 672 : index
        %get3A_789 = tpu.vector_load %arg9[%get3A_787, %get3A_788] {strides = array<i32>} : memref<32x768xf32, #tpu.memory_space<vmem>>, vector<1x16xf32>,
        %get3A_790 = vector.shape_cast %get3A_789 : vector<1x16xf32> to vector<16xf32>
        %add3A_791 = arith.addf %get3A_786, %get3A_790 : vector<16xf32>
        %add3A_792 = arith.addf %add3A_779, %add3A_791 : vector<16xf32>
        %mul3A_793 = arith.mulf %add3A_791, %add3A_791 : vector<16xf32>
        %add3A_794 = arith.addf %add3A_781, %mul3A_793 : vector<16xf32>
        %add3A_795 = arith.addi %mul3A_160, %scan3A_233 : i32
        %get3A_796 = arith.index_cast %add3A_795 : i32 to index
        %get3A_797 = arith.constant 688 : index
        %get3A_798 = tpu.vector_load %arg7[%get3A_796, %get3A_797] {strides = array<i32>} : memref<64x768xf32, #tpu.memory_space<vmem>>, vector<1x16xf32>,
        %get3A_799 = vector.shape_cast %get3A_798 : vector<1x16xf32> to vector<16xf32>
        %get3A_800 = arith.index_cast %scan3A_233 : i32 to index
        %get3A_801 = arith.constant 688 : index
        %get3A_802 = tpu.vector_load %arg9[%get3A_800, %get3A_801] {strides = array<i32>} : memref<32x768xf32, #tpu.memory_space<vmem>>, vector<1x16xf32>,
        %get3A_803 = vector.shape_cast %get3A_802 : vector<1x16xf32> to vector<16xf32>
        %add3A_804 = arith.addf %get3A_799, %get3A_803 : vector<16xf32>
        %add3A_805 = arith.addf %add3A_792, %add3A_804 : vector<16xf32>
        %mul3A_806 = arith.mulf %add3A_804, %add3A_804 : vector<16xf32>
        %add3A_807 = arith.addf %add3A_794, %mul3A_806 : vector<16xf32>
        %add3A_808 = arith.addi %mul3A_160, %scan3A_233 : i32
        %get3A_809 = arith.index_cast %add3A_808 : i32 to index
        %get3A_810 = arith.constant 704 : index
        %get3A_811 = tpu.vector_load %arg7[%get3A_809, %get3A_810] {strides = array<i32>} : memref<64x768xf32, #tpu.memory_space<vmem>>, vector<1x16xf32>,
        %get3A_812 = vector.shape_cast %get3A_811 : vector<1x16xf32> to vector<16xf32>
        %get3A_813 = arith.index_cast %scan3A_233 : i32 to index
        %get3A_814 = arith.constant 704 : index
        %get3A_815 = tpu.vector_load %arg9[%get3A_813, %get3A_814] {strides = array<i32>} : memref<32x768xf32, #tpu.memory_space<vmem>>, vector<1x16xf32>,
        %get3A_816 = vector.shape_cast %get3A_815 : vector<1x16xf32> to vector<16xf32>
        %add3A_817 = arith.addf %get3A_812, %get3A_816 : vector<16xf32>
        %add3A_818 = arith.addf %add3A_805, %add3A_817 : vector<16xf32>
        %mul3A_819 = arith.mulf %add3A_817, %add3A_817 : vector<16xf32>
        %add3A_820 = arith.addf %add3A_807, %mul3A_819 : vector<16xf32>
        %add3A_821 = arith.addi %mul3A_160, %scan3A_233 : i32
        %get3A_822 = arith.index_cast %add3A_821 : i32 to index
        %get3A_823 = arith.constant 720 : index
        %get3A_824 = tpu.vector_load %arg7[%get3A_822, %get3A_823] {strides = array<i32>} : memref<64x768xf32, #tpu.memory_space<vmem>>, vector<1x16xf32>,
        %get3A_825 = vector.shape_cast %get3A_824 : vector<1x16xf32> to vector<16xf32>
        %get3A_826 = arith.index_cast %scan3A_233 : i32 to index
        %get3A_827 = arith.constant 720 : index
        %get3A_828 = tpu.vector_load %arg9[%get3A_826, %get3A_827] {strides = array<i32>} : memref<32x768xf32, #tpu.memory_space<vmem>>, vector<1x16xf32>,
        %get3A_829 = vector.shape_cast %get3A_828 : vector<1x16xf32> to vector<16xf32>
        %add3A_830 = arith.addf %get3A_825, %get3A_829 : vector<16xf32>
        %add3A_831 = arith.addf %add3A_818, %add3A_830 : vector<16xf32>
        %mul3A_832 = arith.mulf %add3A_830, %add3A_830 : vector<16xf32>
        %add3A_833 = arith.addf %add3A_820, %mul3A_832 : vector<16xf32>
        %add3A_834 = arith.addi %mul3A_160, %scan3A_233 : i32
        %get3A_835 = arith.index_cast %add3A_834 : i32 to index
        %get3A_836 = arith.constant 736 : index
        %get3A_837 = tpu.vector_load %arg7[%get3A_835, %get3A_836] {strides = array<i32>} : memref<64x768xf32, #tpu.memory_space<vmem>>, vector<1x16xf32>,
        %get3A_838 = vector.shape_cast %get3A_837 : vector<1x16xf32> to vector<16xf32>
        %get3A_839 = arith.index_cast %scan3A_233 : i32 to index
        %get3A_840 = arith.constant 736 : index
        %get3A_841 = tpu.vector_load %arg9[%get3A_839, %get3A_840] {strides = array<i32>} : memref<32x768xf32, #tpu.memory_space<vmem>>, vector<1x16xf32>,
        %get3A_842 = vector.shape_cast %get3A_841 : vector<1x16xf32> to vector<16xf32>
        %add3A_843 = arith.addf %get3A_838, %get3A_842 : vector<16xf32>
        %add3A_844 = arith.addf %add3A_831, %add3A_843 : vector<16xf32>
        %mul3A_845 = arith.mulf %add3A_843, %add3A_843 : vector<16xf32>
        %add3A_846 = arith.addf %add3A_833, %mul3A_845 : vector<16xf32>
        %add3A_847 = arith.addi %mul3A_160, %scan3A_233 : i32
        %get3A_848 = arith.index_cast %add3A_847 : i32 to index
        %get3A_849 = arith.constant 752 : index
        %get3A_850 = tpu.vector_load %arg7[%get3A_848, %get3A_849] {strides = array<i32>} : memref<64x768xf32, #tpu.memory_space<vmem>>, vector<1x16xf32>,
        %get3A_851 = vector.shape_cast %get3A_850 : vector<1x16xf32> to vector<16xf32>
        %get3A_852 = arith.index_cast %scan3A_233 : i32 to index
        %get3A_853 = arith.constant 752 : index
        %get3A_854 = tpu.vector_load %arg9[%get3A_852, %get3A_853] {strides = array<i32>} : memref<32x768xf32, #tpu.memory_space<vmem>>, vector<1x16xf32>,
        %get3A_855 = vector.shape_cast %get3A_854 : vector<1x16xf32> to vector<16xf32>
        %add3A_856 = arith.addf %get3A_851, %get3A_855 : vector<16xf32>
        %add3A_857 = arith.addf %add3A_844, %add3A_856 : vector<16xf32>
        %mul3A_858 = arith.mulf %add3A_856, %add3A_856 : vector<16xf32>
        %add3A_859 = arith.addf %add3A_846, %mul3A_858 : vector<16xf32>
        %iota3A = tpu.iota {dimensions = array<i32: 0>} : vector<16xi32>
        %xor3A = arith.constant 1 : i32
        %xor3A_860 = vector.broadcast %xor3A : i32 to vector<16xi32>
        %xor3A_861 = arith.xori %iota3A, %xor3A_860 : vector<16xi32>
        %reshape3A = vector.shape_cast %xor3A_861 : vector<16xi32> to vector<16x1xi32>
        %gather3A = vector.shape_cast %reshape3A : vector<16x1xi32> to vector<16xi32>
        %gather3A_862 = tpu.dynamic_gather %add3A_857[%gather3A] in [0] : vector<16xf32>, vector<16xi32> -> vector<16xf32>
        %add3A_863 = arith.addf %add3A_857, %gather3A_862 : vector<16xf32>
        %xor3A_864 = arith.constant 2 : i32
        %xor3A_865 = vector.broadcast %xor3A_864 : i32 to vector<16xi32>
        %xor3A_866 = arith.xori %iota3A, %xor3A_865 : vector<16xi32>
        %reshape3A_867 = vector.shape_cast %xor3A_866 : vector<16xi32> to vector<16x1xi32>
        %gather3A_868 = vector.shape_cast %reshape3A_867 : vector<16x1xi32> to vector<16xi32>
        %gather3A_869 = tpu.dynamic_gather %add3A_863[%gather3A_868] in [0] : vector<16xf32>, vector<16xi32> -> vector<16xf32>
        %add3A_870 = arith.addf %add3A_863, %gather3A_869 : vector<16xf32>
        %xor3A_871 = arith.constant 4 : i32
        %xor3A_872 = vector.broadcast %xor3A_871 : i32 to vector<16xi32>
        %xor3A_873 = arith.xori %iota3A, %xor3A_872 : vector<16xi32>
        %reshape3A_874 = vector.shape_cast %xor3A_873 : vector<16xi32> to vector<16x1xi32>
        %gather3A_875 = vector.shape_cast %reshape3A_874 : vector<16x1xi32> to vector<16xi32>
        %gather3A_876 = tpu.dynamic_gather %add3A_870[%gather3A_875] in [0] : vector<16xf32>, vector<16xi32> -> vector<16xf32>
        %add3A_877 = arith.addf %add3A_870, %gather3A_876 : vector<16xf32>
        %xor3A_878 = arith.constant 8 : i32
        %xor3A_879 = vector.broadcast %xor3A_878 : i32 to vector<16xi32>
        %xor3A_880 = arith.xori %iota3A, %xor3A_879 : vector<16xi32>
        %reshape3A_881 = vector.shape_cast %xor3A_880 : vector<16xi32> to vector<16x1xi32>
        %gather3A_882 = vector.shape_cast %reshape3A_881 : vector<16x1xi32> to vector<16xi32>
        %gather3A_883 = tpu.dynamic_gather %add3A_877[%gather3A_882] in [0] : vector<16xf32>, vector<16xi32> -> vector<16xf32>
        %add3A_884 = arith.addf %add3A_877, %gather3A_883 : vector<16xf32>
        %mul3A_885 = arith.constant 0.00130208337 : f32
        %mul3A_886 = vector.broadcast %mul3A_885 : f32 to vector<16xf32>
        %mul3A_887 = arith.mulf %add3A_884, %mul3A_886 : vector<16xf32>
        %iota3A_888 = tpu.iota {dimensions = array<i32: 0>} : vector<16xi32>
        %xor3A_889 = arith.constant 1 : i32
        %xor3A_890 = vector.broadcast %xor3A_889 : i32 to vector<16xi32>
        %xor3A_891 = arith.xori %iota3A_888, %xor3A_890 : vector<16xi32>
        %reshape3A_892 = vector.shape_cast %xor3A_891 : vector<16xi32> to vector<16x1xi32>
        %gather3A_893 = vector.shape_cast %reshape3A_892 : vector<16x1xi32> to vector<16xi32>
        %gather3A_894 = tpu.dynamic_gather %add3A_859[%gather3A_893] in [0] : vector<16xf32>, vector<16xi32> -> vector<16xf32>
        %add3A_895 = arith.addf %add3A_859, %gather3A_894 : vector<16xf32>
        %xor3A_896 = arith.constant 2 : i32
        %xor3A_897 = vector.broadcast %xor3A_896 : i32 to vector<16xi32>
        %xor3A_898 = arith.xori %iota3A_888, %xor3A_897 : vector<16xi32>
        %reshape3A_899 = vector.shape_cast %xor3A_898 : vector<16xi32> to vector<16x1xi32>
        %gather3A_900 = vector.shape_cast %reshape3A_899 : vector<16x1xi32> to vector<16xi32>
        %gather3A_901 = tpu.dynamic_gather %add3A_895[%gather3A_900] in [0] : vector<16xf32>, vector<16xi32> -> vector<16xf32>
        %add3A_902 = arith.addf %add3A_895, %gather3A_901 : vector<16xf32>
        %xor3A_903 = arith.constant 4 : i32
        %xor3A_904 = vector.broadcast %xor3A_903 : i32 to vector<16xi32>
        %xor3A_905 = arith.xori %iota3A_888, %xor3A_904 : vector<16xi32>
        %reshape3A_906 = vector.shape_cast %xor3A_905 : vector<16xi32> to vector<16x1xi32>
        %gather3A_907 = vector.shape_cast %reshape3A_906 : vector<16x1xi32> to vector<16xi32>
        %gather3A_908 = tpu.dynamic_gather %add3A_902[%gather3A_907] in [0] : vector<16xf32>, vector<16xi32> -> vector<16xf32>
        %add3A_909 = arith.addf %add3A_902, %gather3A_908 : vector<16xf32>
        %xor3A_910 = arith.constant 8 : i32
        %xor3A_911 = vector.broadcast %xor3A_910 : i32 to vector<16xi32>
        %xor3A_912 = arith.xori %iota3A_888, %xor3A_911 : vector<16xi32>
        %reshape3A_913 = vector.shape_cast %xor3A_912 : vector<16xi32> to vector<16x1xi32>
        %gather3A_914 = vector.shape_cast %reshape3A_913 : vector<16x1xi32> to vector<16xi32>
        %gather3A_915 = tpu.dynamic_gather %add3A_909[%gather3A_914] in [0] : vector<16xf32>, vector<16xi32> -> vector<16xf32>
        %add3A_916 = arith.addf %add3A_909, %gather3A_915 : vector<16xf32>
        %mul3A_917 = arith.constant 0.00130208337 : f32
        %mul3A_918 = vector.broadcast %mul3A_917 : f32 to vector<16xf32>
        %mul3A_919 = arith.mulf %add3A_916, %mul3A_918 : vector<16xf32>
        %mul3A_920 = arith.mulf %mul3A_887, %mul3A_887 : vector<16xf32>
        %sub3A_921 = arith.subf %mul3A_919, %mul3A_920 : vector<16xf32>
        %add3A_922 = arith.constant 9.99999974E-6 : f32
        %add3A_923 = vector.broadcast %add3A_922 : f32 to vector<16xf32>
        %add3A_924 = arith.addf %sub3A_921, %add3A_923 : vector<16xf32>
        %bitcast_convert_type3A = tpu.bitcast %add3A_924 : vector<16xf32> -> vector<16xi32>
        %shift_right_logical3A = arith.constant 1 : i32
        %shift_right_logical3A_925 = vector.broadcast %shift_right_logical3A : i32 to vector<16xi32>
        %shift_right_logical3A_926 = arith.shrui %bitcast_convert_type3A, %shift_right_logical3A_925 : vector<16xi32>
        %sub3A_927 = arith.constant 1597463007 : i32
        %sub3A_928 = vector.broadcast %sub3A_927 : i32 to vector<16xi32>
        %sub3A_929 = arith.subi %sub3A_928, %shift_right_logical3A_926 : vector<16xi32>
        %bitcast_convert_type3A_930 = tpu.bitcast %sub3A_929 : vector<16xi32> -> vector<16xf32>
        %mul3A_931 = arith.constant 5.000000e-01 : f32
        %mul3A_932 = vector.broadcast %mul3A_931 : f32 to vector<16xf32>
        %mul3A_933 = arith.mulf %mul3A_932, %add3A_924 : vector<16xf32>
        %mul3A_934 = arith.mulf %mul3A_933, %bitcast_convert_type3A_930 : vector<16xf32>
        %mul3A_935 = arith.mulf %mul3A_934, %bitcast_convert_type3A_930 : vector<16xf32>
        %sub3A_936 = arith.constant 1.500000e+00 : f32
        %sub3A_937 = vector.broadcast %sub3A_936 : f32 to vector<16xf32>
        %sub3A_938 = arith.subf %sub3A_937, %mul3A_935 : vector<16xf32>
        %mul3A_939 = arith.mulf %bitcast_convert_type3A_930, %sub3A_938 : vector<16xf32>
        %mul3A_940 = arith.constant 5.000000e-01 : f32
        %mul3A_941 = vector.broadcast %mul3A_940 : f32 to vector<16xf32>
        %mul3A_942 = arith.mulf %mul3A_941, %add3A_924 : vector<16xf32>
        %mul3A_943 = arith.mulf %mul3A_942, %mul3A_939 : vector<16xf32>
        %mul3A_944 = arith.mulf %mul3A_943, %mul3A_939 : vector<16xf32>
        %sub3A_945 = arith.constant 1.500000e+00 : f32
        %sub3A_946 = vector.broadcast %sub3A_945 : f32 to vector<16xf32>
        %sub3A_947 = arith.subf %sub3A_946, %mul3A_944 : vector<16xf32>
        %mul3A_948 = arith.mulf %mul3A_939, %sub3A_947 : vector<16xf32>
        %mul3A_949 = arith.constant 5.000000e-01 : f32
        %mul3A_950 = vector.broadcast %mul3A_949 : f32 to vector<16xf32>
        %mul3A_951 = arith.mulf %mul3A_950, %add3A_924 : vector<16xf32>
        %mul3A_952 = arith.mulf %mul3A_951, %mul3A_948 : vector<16xf32>
        %mul3A_953 = arith.mulf %mul3A_952, %mul3A_948 : vector<16xf32>
        %sub3A_954 = arith.constant 1.500000e+00 : f32
        %sub3A_955 = vector.broadcast %sub3A_954 : f32 to vector<16xf32>
        %sub3A_956 = arith.subf %sub3A_955, %mul3A_953 : vector<16xf32>
        %mul3A_957 = arith.mulf %mul3A_948, %sub3A_956 : vector<16xf32>
        %sub3A_958 = arith.subf %add3A_245, %mul3A_887 : vector<16xf32>
        %mul3A_959 = arith.mulf %sub3A_958, %mul3A_957 : vector<16xf32>
        %get3A_960 = arith.constant 0 : index
        %get3A_961 = tpu.vector_load %arg10[%get3A_960] {strides = array<i32>} : memref<768xf32, #tpu.memory_space<vmem>>, vector<16xf32>,
        %get3A_962 = vector.shape_cast %get3A_961 : vector<16xf32> to vector<16xf32>
        %mul3A_963 = arith.mulf %mul3A_959, %get3A_962 : vector<16xf32>
        %get3A_964 = arith.constant 0 : index
        %get3A_965 = tpu.vector_load %arg11[%get3A_964] {strides = array<i32>} : memref<768xf32, #tpu.memory_space<vmem>>, vector<16xf32>,
        %get3A_966 = vector.shape_cast %get3A_965 : vector<16xf32> to vector<16xf32>
        %add3A_967 = arith.addf %mul3A_963, %get3A_966 : vector<16xf32>
        %add3A_968 = arith.addi %mul3A_160, %scan3A_233 : i32
        %swap3A = arith.index_cast %add3A_968 : i32 to index
        %swap3A_969 = arith.constant 0 : index
        %swap3A_970 = tpu.vector_load %arg8[%swap3A, %swap3A_969] {strides = array<i32>} : memref<64x768xf32, #tpu.memory_space<vmem>>, vector<1x16xf32>,
        %swap3A_971 = vector.shape_cast %swap3A_970 : vector<1x16xf32> to vector<16xf32>
        %swap3A_972 = vector.shape_cast %add3A_967 : vector<16xf32> to vector<1x16xf32>
        tpu.vector_store %arg8[%swap3A, %swap3A_969], %swap3A_972 {strides = array<i32>} : memref<64x768xf32, #tpu.memory_space<vmem>>, vector<1x16xf32>,
        %sub3A_973 = arith.subf %add3A_258, %mul3A_887 : vector<16xf32>
        %mul3A_974 = arith.mulf %sub3A_973, %mul3A_957 : vector<16xf32>
        %get3A_975 = arith.constant 16 : index
        %get3A_976 = tpu.vector_load %arg10[%get3A_975] {strides = array<i32>} : memref<768xf32, #tpu.memory_space<vmem>>, vector<16xf32>,
        %get3A_977 = vector.shape_cast %get3A_976 : vector<16xf32> to vector<16xf32>
        %mul3A_978 = arith.mulf %mul3A_974, %get3A_977 : vector<16xf32>
        %get3A_979 = arith.constant 16 : index
        %get3A_980 = tpu.vector_load %arg11[%get3A_979] {strides = array<i32>} : memref<768xf32, #tpu.memory_space<vmem>>, vector<16xf32>,
        %get3A_981 = vector.shape_cast %get3A_980 : vector<16xf32> to vector<16xf32>
        %add3A_982 = arith.addf %mul3A_978, %get3A_981 : vector<16xf32>
        %add3A_983 = arith.addi %mul3A_160, %scan3A_233 : i32
        %swap3A_984 = arith.index_cast %add3A_983 : i32 to index
        %swap3A_985 = arith.constant 16 : index
        %swap3A_986 = tpu.vector_load %arg8[%swap3A_984, %swap3A_985] {strides = array<i32>} : memref<64x768xf32, #tpu.memory_space<vmem>>, vector<1x16xf32>,
        %swap3A_987 = vector.shape_cast %swap3A_986 : vector<1x16xf32> to vector<16xf32>
        %swap3A_988 = vector.shape_cast %add3A_982 : vector<16xf32> to vector<1x16xf32>
        tpu.vector_store %arg8[%swap3A_984, %swap3A_985], %swap3A_988 {strides = array<i32>} : memref<64x768xf32, #tpu.memory_space<vmem>>, vector<1x16xf32>,
        %sub3A_989 = arith.subf %add3A_271, %mul3A_887 : vector<16xf32>
        %mul3A_990 = arith.mulf %sub3A_989, %mul3A_957 : vector<16xf32>
        %get3A_991 = arith.constant 32 : index
        %get3A_992 = tpu.vector_load %arg10[%get3A_991] {strides = array<i32>} : memref<768xf32, #tpu.memory_space<vmem>>, vector<16xf32>,
        %get3A_993 = vector.shape_cast %get3A_992 : vector<16xf32> to vector<16xf32>
        %mul3A_994 = arith.mulf %mul3A_990, %get3A_993 : vector<16xf32>
        %get3A_995 = arith.constant 32 : index
        %get3A_996 = tpu.vector_load %arg11[%get3A_995] {strides = array<i32>} : memref<768xf32, #tpu.memory_space<vmem>>, vector<16xf32>,
        %get3A_997 = vector.shape_cast %get3A_996 : vector<16xf32> to vector<16xf32>
        %add3A_998 = arith.addf %mul3A_994, %get3A_997 : vector<16xf32>
        %add3A_999 = arith.addi %mul3A_160, %scan3A_233 : i32
        %swap3A_1000 = arith.index_cast %add3A_999 : i32 to index
        %swap3A_1001 = arith.constant 32 : index
        %swap3A_1002 = tpu.vector_load %arg8[%swap3A_1000, %swap3A_1001] {strides = array<i32>} : memref<64x768xf32, #tpu.memory_space<vmem>>, vector<1x16xf32>,
        %swap3A_1003 = vector.shape_cast %swap3A_1002 : vector<1x16xf32> to vector<16xf32>
        %swap3A_1004 = vector.shape_cast %add3A_998 : vector<16xf32> to vector<1x16xf32>
        tpu.vector_store %arg8[%swap3A_1000, %swap3A_1001], %swap3A_1004 {strides = array<i32>} : memref<64x768xf32, #tpu.memory_space<vmem>>, vector<1x16xf32>,
        %sub3A_1005 = arith.subf %add3A_284, %mul3A_887 : vector<16xf32>
        %mul3A_1006 = arith.mulf %sub3A_1005, %mul3A_957 : vector<16xf32>
        %get3A_1007 = arith.constant 48 : index
        %get3A_1008 = tpu.vector_load %arg10[%get3A_1007] {strides = array<i32>} : memref<768xf32, #tpu.memory_space<vmem>>, vector<16xf32>,
        %get3A_1009 = vector.shape_cast %get3A_1008 : vector<16xf32> to vector<16xf32>
        %mul3A_1010 = arith.mulf %mul3A_1006, %get3A_1009 : vector<16xf32>
        %get3A_1011 = arith.constant 48 : index
        %get3A_1012 = tpu.vector_load %arg11[%get3A_1011] {strides = array<i32>} : memref<768xf32, #tpu.memory_space<vmem>>, vector<16xf32>,
        %get3A_1013 = vector.shape_cast %get3A_1012 : vector<16xf32> to vector<16xf32>
        %add3A_1014 = arith.addf %mul3A_1010, %get3A_1013 : vector<16xf32>
        %add3A_1015 = arith.addi %mul3A_160, %scan3A_233 : i32
        %swap3A_1016 = arith.index_cast %add3A_1015 : i32 to index
        %swap3A_1017 = arith.constant 48 : index
        %swap3A_1018 = tpu.vector_load %arg8[%swap3A_1016, %swap3A_1017] {strides = array<i32>} : memref<64x768xf32, #tpu.memory_space<vmem>>, vector<1x16xf32>,
        %swap3A_1019 = vector.shape_cast %swap3A_1018 : vector<1x16xf32> to vector<16xf32>
        %swap3A_1020 = vector.shape_cast %add3A_1014 : vector<16xf32> to vector<1x16xf32>
        tpu.vector_store %arg8[%swap3A_1016, %swap3A_1017], %swap3A_1020 {strides = array<i32>} : memref<64x768xf32, #tpu.memory_space<vmem>>, vector<1x16xf32>,
        %sub3A_1021 = arith.subf %add3A_297, %mul3A_887 : vector<16xf32>
        %mul3A_1022 = arith.mulf %sub3A_1021, %mul3A_957 : vector<16xf32>
        %get3A_1023 = arith.constant 64 : index
        %get3A_1024 = tpu.vector_load %arg10[%get3A_1023] {strides = array<i32>} : memref<768xf32, #tpu.memory_space<vmem>>, vector<16xf32>,
        %get3A_1025 = vector.shape_cast %get3A_1024 : vector<16xf32> to vector<16xf32>
        %mul3A_1026 = arith.mulf %mul3A_1022, %get3A_1025 : vector<16xf32>
        %get3A_1027 = arith.constant 64 : index
        %get3A_1028 = tpu.vector_load %arg11[%get3A_1027] {strides = array<i32>} : memref<768xf32, #tpu.memory_space<vmem>>, vector<16xf32>,
        %get3A_1029 = vector.shape_cast %get3A_1028 : vector<16xf32> to vector<16xf32>
        %add3A_1030 = arith.addf %mul3A_1026, %get3A_1029 : vector<16xf32>
        %add3A_1031 = arith.addi %mul3A_160, %scan3A_233 : i32
        %swap3A_1032 = arith.index_cast %add3A_1031 : i32 to index
        %swap3A_1033 = arith.constant 64 : index
        %swap3A_1034 = tpu.vector_load %arg8[%swap3A_1032, %swap3A_1033] {strides = array<i32>} : memref<64x768xf32, #tpu.memory_space<vmem>>, vector<1x16xf32>,
        %swap3A_1035 = vector.shape_cast %swap3A_1034 : vector<1x16xf32> to vector<16xf32>
        %swap3A_1036 = vector.shape_cast %add3A_1030 : vector<16xf32> to vector<1x16xf32>
        tpu.vector_store %arg8[%swap3A_1032, %swap3A_1033], %swap3A_1036 {strides = array<i32>} : memref<64x768xf32, #tpu.memory_space<vmem>>, vector<1x16xf32>,
        %sub3A_1037 = arith.subf %add3A_310, %mul3A_887 : vector<16xf32>
        %mul3A_1038 = arith.mulf %sub3A_1037, %mul3A_957 : vector<16xf32>
        %get3A_1039 = arith.constant 80 : index
        %get3A_1040 = tpu.vector_load %arg10[%get3A_1039] {strides = array<i32>} : memref<768xf32, #tpu.memory_space<vmem>>, vector<16xf32>,
        %get3A_1041 = vector.shape_cast %get3A_1040 : vector<16xf32> to vector<16xf32>
        %mul3A_1042 = arith.mulf %mul3A_1038, %get3A_1041 : vector<16xf32>
        %get3A_1043 = arith.constant 80 : index
        %get3A_1044 = tpu.vector_load %arg11[%get3A_1043] {strides = array<i32>} : memref<768xf32, #tpu.memory_space<vmem>>, vector<16xf32>,
        %get3A_1045 = vector.shape_cast %get3A_1044 : vector<16xf32> to vector<16xf32>
        %add3A_1046 = arith.addf %mul3A_1042, %get3A_1045 : vector<16xf32>
        %add3A_1047 = arith.addi %mul3A_160, %scan3A_233 : i32
        %swap3A_1048 = arith.index_cast %add3A_1047 : i32 to index
        %swap3A_1049 = arith.constant 80 : index
        %swap3A_1050 = tpu.vector_load %arg8[%swap3A_1048, %swap3A_1049] {strides = array<i32>} : memref<64x768xf32, #tpu.memory_space<vmem>>, vector<1x16xf32>,
        %swap3A_1051 = vector.shape_cast %swap3A_1050 : vector<1x16xf32> to vector<16xf32>
        %swap3A_1052 = vector.shape_cast %add3A_1046 : vector<16xf32> to vector<1x16xf32>
        tpu.vector_store %arg8[%swap3A_1048, %swap3A_1049], %swap3A_1052 {strides = array<i32>} : memref<64x768xf32, #tpu.memory_space<vmem>>, vector<1x16xf32>,
        %sub3A_1053 = arith.subf %add3A_323, %mul3A_887 : vector<16xf32>
        %mul3A_1054 = arith.mulf %sub3A_1053, %mul3A_957 : vector<16xf32>
        %get3A_1055 = arith.constant 96 : index
        %get3A_1056 = tpu.vector_load %arg10[%get3A_1055] {strides = array<i32>} : memref<768xf32, #tpu.memory_space<vmem>>, vector<16xf32>,
        %get3A_1057 = vector.shape_cast %get3A_1056 : vector<16xf32> to vector<16xf32>
        %mul3A_1058 = arith.mulf %mul3A_1054, %get3A_1057 : vector<16xf32>
        %get3A_1059 = arith.constant 96 : index
        %get3A_1060 = tpu.vector_load %arg11[%get3A_1059] {strides = array<i32>} : memref<768xf32, #tpu.memory_space<vmem>>, vector<16xf32>,
        %get3A_1061 = vector.shape_cast %get3A_1060 : vector<16xf32> to vector<16xf32>
        %add3A_1062 = arith.addf %mul3A_1058, %get3A_1061 : vector<16xf32>
        %add3A_1063 = arith.addi %mul3A_160, %scan3A_233 : i32
        %swap3A_1064 = arith.index_cast %add3A_1063 : i32 to index
        %swap3A_1065 = arith.constant 96 : index
        %swap3A_1066 = tpu.vector_load %arg8[%swap3A_1064, %swap3A_1065] {strides = array<i32>} : memref<64x768xf32, #tpu.memory_space<vmem>>, vector<1x16xf32>,
        %swap3A_1067 = vector.shape_cast %swap3A_1066 : vector<1x16xf32> to vector<16xf32>
        %swap3A_1068 = vector.shape_cast %add3A_1062 : vector<16xf32> to vector<1x16xf32>
        tpu.vector_store %arg8[%swap3A_1064, %swap3A_1065], %swap3A_1068 {strides = array<i32>} : memref<64x768xf32, #tpu.memory_space<vmem>>, vector<1x16xf32>,
        %sub3A_1069 = arith.subf %add3A_336, %mul3A_887 : vector<16xf32>
        %mul3A_1070 = arith.mulf %sub3A_1069, %mul3A_957 : vector<16xf32>
        %get3A_1071 = arith.constant 112 : index
        %get3A_1072 = tpu.vector_load %arg10[%get3A_1071] {strides = array<i32>} : memref<768xf32, #tpu.memory_space<vmem>>, vector<16xf32>,
        %get3A_1073 = vector.shape_cast %get3A_1072 : vector<16xf32> to vector<16xf32>
        %mul3A_1074 = arith.mulf %mul3A_1070, %get3A_1073 : vector<16xf32>
        %get3A_1075 = arith.constant 112 : index
        %get3A_1076 = tpu.vector_load %arg11[%get3A_1075] {strides = array<i32>} : memref<768xf32, #tpu.memory_space<vmem>>, vector<16xf32>,
        %get3A_1077 = vector.shape_cast %get3A_1076 : vector<16xf32> to vector<16xf32>
        %add3A_1078 = arith.addf %mul3A_1074, %get3A_1077 : vector<16xf32>
        %add3A_1079 = arith.addi %mul3A_160, %scan3A_233 : i32
        %swap3A_1080 = arith.index_cast %add3A_1079 : i32 to index
        %swap3A_1081 = arith.constant 112 : index
        %swap3A_1082 = tpu.vector_load %arg8[%swap3A_1080, %swap3A_1081] {strides = array<i32>} : memref<64x768xf32, #tpu.memory_space<vmem>>, vector<1x16xf32>,
        %swap3A_1083 = vector.shape_cast %swap3A_1082 : vector<1x16xf32> to vector<16xf32>
        %swap3A_1084 = vector.shape_cast %add3A_1078 : vector<16xf32> to vector<1x16xf32>
        tpu.vector_store %arg8[%swap3A_1080, %swap3A_1081], %swap3A_1084 {strides = array<i32>} : memref<64x768xf32, #tpu.memory_space<vmem>>, vector<1x16xf32>,
        %sub3A_1085 = arith.subf %add3A_349, %mul3A_887 : vector<16xf32>
        %mul3A_1086 = arith.mulf %sub3A_1085, %mul3A_957 : vector<16xf32>
        %get3A_1087 = arith.constant 128 : index
        %get3A_1088 = tpu.vector_load %arg10[%get3A_1087] {strides = array<i32>} : memref<768xf32, #tpu.memory_space<vmem>>, vector<16xf32>,
        %get3A_1089 = vector.shape_cast %get3A_1088 : vector<16xf32> to vector<16xf32>
        %mul3A_1090 = arith.mulf %mul3A_1086, %get3A_1089 : vector<16xf32>
        %get3A_1091 = arith.constant 128 : index
        %get3A_1092 = tpu.vector_load %arg11[%get3A_1091] {strides = array<i32>} : memref<768xf32, #tpu.memory_space<vmem>>, vector<16xf32>,
        %get3A_1093 = vector.shape_cast %get3A_1092 : vector<16xf32> to vector<16xf32>
        %add3A_1094 = arith.addf %mul3A_1090, %get3A_1093 : vector<16xf32>
        %add3A_1095 = arith.addi %mul3A_160, %scan3A_233 : i32
        %swap3A_1096 = arith.index_cast %add3A_1095 : i32 to index
        %swap3A_1097 = arith.constant 128 : index
        %swap3A_1098 = tpu.vector_load %arg8[%swap3A_1096, %swap3A_1097] {strides = array<i32>} : memref<64x768xf32, #tpu.memory_space<vmem>>, vector<1x16xf32>,
        %swap3A_1099 = vector.shape_cast %swap3A_1098 : vector<1x16xf32> to vector<16xf32>
        %swap3A_1100 = vector.shape_cast %add3A_1094 : vector<16xf32> to vector<1x16xf32>
        tpu.vector_store %arg8[%swap3A_1096, %swap3A_1097], %swap3A_1100 {strides = array<i32>} : memref<64x768xf32, #tpu.memory_space<vmem>>, vector<1x16xf32>,
        %sub3A_1101 = arith.subf %add3A_362, %mul3A_887 : vector<16xf32>
        %mul3A_1102 = arith.mulf %sub3A_1101, %mul3A_957 : vector<16xf32>
        %get3A_1103 = arith.constant 144 : index
        %get3A_1104 = tpu.vector_load %arg10[%get3A_1103] {strides = array<i32>} : memref<768xf32, #tpu.memory_space<vmem>>, vector<16xf32>,
        %get3A_1105 = vector.shape_cast %get3A_1104 : vector<16xf32> to vector<16xf32>
        %mul3A_1106 = arith.mulf %mul3A_1102, %get3A_1105 : vector<16xf32>
        %get3A_1107 = arith.constant 144 : index
        %get3A_1108 = tpu.vector_load %arg11[%get3A_1107] {strides = array<i32>} : memref<768xf32, #tpu.memory_space<vmem>>, vector<16xf32>,
        %get3A_1109 = vector.shape_cast %get3A_1108 : vector<16xf32> to vector<16xf32>
        %add3A_1110 = arith.addf %mul3A_1106, %get3A_1109 : vector<16xf32>
        %add3A_1111 = arith.addi %mul3A_160, %scan3A_233 : i32
        %swap3A_1112 = arith.index_cast %add3A_1111 : i32 to index
        %swap3A_1113 = arith.constant 144 : index
        %swap3A_1114 = tpu.vector_load %arg8[%swap3A_1112, %swap3A_1113] {strides = array<i32>} : memref<64x768xf32, #tpu.memory_space<vmem>>, vector<1x16xf32>,
        %swap3A_1115 = vector.shape_cast %swap3A_1114 : vector<1x16xf32> to vector<16xf32>
        %swap3A_1116 = vector.shape_cast %add3A_1110 : vector<16xf32> to vector<1x16xf32>
        tpu.vector_store %arg8[%swap3A_1112, %swap3A_1113], %swap3A_1116 {strides = array<i32>} : memref<64x768xf32, #tpu.memory_space<vmem>>, vector<1x16xf32>,
        %sub3A_1117 = arith.subf %add3A_375, %mul3A_887 : vector<16xf32>
        %mul3A_1118 = arith.mulf %sub3A_1117, %mul3A_957 : vector<16xf32>
        %get3A_1119 = arith.constant 160 : index
        %get3A_1120 = tpu.vector_load %arg10[%get3A_1119] {strides = array<i32>} : memref<768xf32, #tpu.memory_space<vmem>>, vector<16xf32>,
        %get3A_1121 = vector.shape_cast %get3A_1120 : vector<16xf32> to vector<16xf32>
        %mul3A_1122 = arith.mulf %mul3A_1118, %get3A_1121 : vector<16xf32>
        %get3A_1123 = arith.constant 160 : index
        %get3A_1124 = tpu.vector_load %arg11[%get3A_1123] {strides = array<i32>} : memref<768xf32, #tpu.memory_space<vmem>>, vector<16xf32>,
        %get3A_1125 = vector.shape_cast %get3A_1124 : vector<16xf32> to vector<16xf32>
        %add3A_1126 = arith.addf %mul3A_1122, %get3A_1125 : vector<16xf32>
        %add3A_1127 = arith.addi %mul3A_160, %scan3A_233 : i32
        %swap3A_1128 = arith.index_cast %add3A_1127 : i32 to index
        %swap3A_1129 = arith.constant 160 : index
        %swap3A_1130 = tpu.vector_load %arg8[%swap3A_1128, %swap3A_1129] {strides = array<i32>} : memref<64x768xf32, #tpu.memory_space<vmem>>, vector<1x16xf32>,
        %swap3A_1131 = vector.shape_cast %swap3A_1130 : vector<1x16xf32> to vector<16xf32>
        %swap3A_1132 = vector.shape_cast %add3A_1126 : vector<16xf32> to vector<1x16xf32>
        tpu.vector_store %arg8[%swap3A_1128, %swap3A_1129], %swap3A_1132 {strides = array<i32>} : memref<64x768xf32, #tpu.memory_space<vmem>>, vector<1x16xf32>,
        %sub3A_1133 = arith.subf %add3A_388, %mul3A_887 : vector<16xf32>
        %mul3A_1134 = arith.mulf %sub3A_1133, %mul3A_957 : vector<16xf32>
        %get3A_1135 = arith.constant 176 : index
        %get3A_1136 = tpu.vector_load %arg10[%get3A_1135] {strides = array<i32>} : memref<768xf32, #tpu.memory_space<vmem>>, vector<16xf32>,
        %get3A_1137 = vector.shape_cast %get3A_1136 : vector<16xf32> to vector<16xf32>
        %mul3A_1138 = arith.mulf %mul3A_1134, %get3A_1137 : vector<16xf32>
        %get3A_1139 = arith.constant 176 : index
        %get3A_1140 = tpu.vector_load %arg11[%get3A_1139] {strides = array<i32>} : memref<768xf32, #tpu.memory_space<vmem>>, vector<16xf32>,
        %get3A_1141 = vector.shape_cast %get3A_1140 : vector<16xf32> to vector<16xf32>
        %add3A_1142 = arith.addf %mul3A_1138, %get3A_1141 : vector<16xf32>
        %add3A_1143 = arith.addi %mul3A_160, %scan3A_233 : i32
        %swap3A_1144 = arith.index_cast %add3A_1143 : i32 to index
        %swap3A_1145 = arith.constant 176 : index
        %swap3A_1146 = tpu.vector_load %arg8[%swap3A_1144, %swap3A_1145] {strides = array<i32>} : memref<64x768xf32, #tpu.memory_space<vmem>>, vector<1x16xf32>,
        %swap3A_1147 = vector.shape_cast %swap3A_1146 : vector<1x16xf32> to vector<16xf32>
        %swap3A_1148 = vector.shape_cast %add3A_1142 : vector<16xf32> to vector<1x16xf32>
        tpu.vector_store %arg8[%swap3A_1144, %swap3A_1145], %swap3A_1148 {strides = array<i32>} : memref<64x768xf32, #tpu.memory_space<vmem>>, vector<1x16xf32>,
        %sub3A_1149 = arith.subf %add3A_401, %mul3A_887 : vector<16xf32>
        %mul3A_1150 = arith.mulf %sub3A_1149, %mul3A_957 : vector<16xf32>
        %get3A_1151 = arith.constant 192 : index
        %get3A_1152 = tpu.vector_load %arg10[%get3A_1151] {strides = array<i32>} : memref<768xf32, #tpu.memory_space<vmem>>, vector<16xf32>,
        %get3A_1153 = vector.shape_cast %get3A_1152 : vector<16xf32> to vector<16xf32>
        %mul3A_1154 = arith.mulf %mul3A_1150, %get3A_1153 : vector<16xf32>
        %get3A_1155 = arith.constant 192 : index
        %get3A_1156 = tpu.vector_load %arg11[%get3A_1155] {strides = array<i32>} : memref<768xf32, #tpu.memory_space<vmem>>, vector<16xf32>,
        %get3A_1157 = vector.shape_cast %get3A_1156 : vector<16xf32> to vector<16xf32>
        %add3A_1158 = arith.addf %mul3A_1154, %get3A_1157 : vector<16xf32>
        %add3A_1159 = arith.addi %mul3A_160, %scan3A_233 : i32
        %swap3A_1160 = arith.index_cast %add3A_1159 : i32 to index
        %swap3A_1161 = arith.constant 192 : index
        %swap3A_1162 = tpu.vector_load %arg8[%swap3A_1160, %swap3A_1161] {strides = array<i32>} : memref<64x768xf32, #tpu.memory_space<vmem>>, vector<1x16xf32>,
        %swap3A_1163 = vector.shape_cast %swap3A_1162 : vector<1x16xf32> to vector<16xf32>
        %swap3A_1164 = vector.shape_cast %add3A_1158 : vector<16xf32> to vector<1x16xf32>
        tpu.vector_store %arg8[%swap3A_1160, %swap3A_1161], %swap3A_1164 {strides = array<i32>} : memref<64x768xf32, #tpu.memory_space<vmem>>, vector<1x16xf32>,
        %sub3A_1165 = arith.subf %add3A_414, %mul3A_887 : vector<16xf32>
        %mul3A_1166 = arith.mulf %sub3A_1165, %mul3A_957 : vector<16xf32>
        %get3A_1167 = arith.constant 208 : index
        %get3A_1168 = tpu.vector_load %arg10[%get3A_1167] {strides = array<i32>} : memref<768xf32, #tpu.memory_space<vmem>>, vector<16xf32>,
        %get3A_1169 = vector.shape_cast %get3A_1168 : vector<16xf32> to vector<16xf32>
        %mul3A_1170 = arith.mulf %mul3A_1166, %get3A_1169 : vector<16xf32>
        %get3A_1171 = arith.constant 208 : index
        %get3A_1172 = tpu.vector_load %arg11[%get3A_1171] {strides = array<i32>} : memref<768xf32, #tpu.memory_space<vmem>>, vector<16xf32>,
        %get3A_1173 = vector.shape_cast %get3A_1172 : vector<16xf32> to vector<16xf32>
        %add3A_1174 = arith.addf %mul3A_1170, %get3A_1173 : vector<16xf32>
        %add3A_1175 = arith.addi %mul3A_160, %scan3A_233 : i32
        %swap3A_1176 = arith.index_cast %add3A_1175 : i32 to index
        %swap3A_1177 = arith.constant 208 : index
        %swap3A_1178 = tpu.vector_load %arg8[%swap3A_1176, %swap3A_1177] {strides = array<i32>} : memref<64x768xf32, #tpu.memory_space<vmem>>, vector<1x16xf32>,
        %swap3A_1179 = vector.shape_cast %swap3A_1178 : vector<1x16xf32> to vector<16xf32>
        %swap3A_1180 = vector.shape_cast %add3A_1174 : vector<16xf32> to vector<1x16xf32>
        tpu.vector_store %arg8[%swap3A_1176, %swap3A_1177], %swap3A_1180 {strides = array<i32>} : memref<64x768xf32, #tpu.memory_space<vmem>>, vector<1x16xf32>,
        %sub3A_1181 = arith.subf %add3A_427, %mul3A_887 : vector<16xf32>
        %mul3A_1182 = arith.mulf %sub3A_1181, %mul3A_957 : vector<16xf32>
        %get3A_1183 = arith.constant 224 : index
        %get3A_1184 = tpu.vector_load %arg10[%get3A_1183] {strides = array<i32>} : memref<768xf32, #tpu.memory_space<vmem>>, vector<16xf32>,
        %get3A_1185 = vector.shape_cast %get3A_1184 : vector<16xf32> to vector<16xf32>
        %mul3A_1186 = arith.mulf %mul3A_1182, %get3A_1185 : vector<16xf32>
        %get3A_1187 = arith.constant 224 : index
        %get3A_1188 = tpu.vector_load %arg11[%get3A_1187] {strides = array<i32>} : memref<768xf32, #tpu.memory_space<vmem>>, vector<16xf32>,
        %get3A_1189 = vector.shape_cast %get3A_1188 : vector<16xf32> to vector<16xf32>
        %add3A_1190 = arith.addf %mul3A_1186, %get3A_1189 : vector<16xf32>
        %add3A_1191 = arith.addi %mul3A_160, %scan3A_233 : i32
        %swap3A_1192 = arith.index_cast %add3A_1191 : i32 to index
        %swap3A_1193 = arith.constant 224 : index
        %swap3A_1194 = tpu.vector_load %arg8[%swap3A_1192, %swap3A_1193] {strides = array<i32>} : memref<64x768xf32, #tpu.memory_space<vmem>>, vector<1x16xf32>,
        %swap3A_1195 = vector.shape_cast %swap3A_1194 : vector<1x16xf32> to vector<16xf32>
        %swap3A_1196 = vector.shape_cast %add3A_1190 : vector<16xf32> to vector<1x16xf32>
        tpu.vector_store %arg8[%swap3A_1192, %swap3A_1193], %swap3A_1196 {strides = array<i32>} : memref<64x768xf32, #tpu.memory_space<vmem>>, vector<1x16xf32>,
        %sub3A_1197 = arith.subf %add3A_440, %mul3A_887 : vector<16xf32>
        %mul3A_1198 = arith.mulf %sub3A_1197, %mul3A_957 : vector<16xf32>
        %get3A_1199 = arith.constant 240 : index
        %get3A_1200 = tpu.vector_load %arg10[%get3A_1199] {strides = array<i32>} : memref<768xf32, #tpu.memory_space<vmem>>, vector<16xf32>,
        %get3A_1201 = vector.shape_cast %get3A_1200 : vector<16xf32> to vector<16xf32>
        %mul3A_1202 = arith.mulf %mul3A_1198, %get3A_1201 : vector<16xf32>
        %get3A_1203 = arith.constant 240 : index
        %get3A_1204 = tpu.vector_load %arg11[%get3A_1203] {strides = array<i32>} : memref<768xf32, #tpu.memory_space<vmem>>, vector<16xf32>,
        %get3A_1205 = vector.shape_cast %get3A_1204 : vector<16xf32> to vector<16xf32>
        %add3A_1206 = arith.addf %mul3A_1202, %get3A_1205 : vector<16xf32>
        %add3A_1207 = arith.addi %mul3A_160, %scan3A_233 : i32
        %swap3A_1208 = arith.index_cast %add3A_1207 : i32 to index
        %swap3A_1209 = arith.constant 240 : index
        %swap3A_1210 = tpu.vector_load %arg8[%swap3A_1208, %swap3A_1209] {strides = array<i32>} : memref<64x768xf32, #tpu.memory_space<vmem>>, vector<1x16xf32>,
        %swap3A_1211 = vector.shape_cast %swap3A_1210 : vector<1x16xf32> to vector<16xf32>
        %swap3A_1212 = vector.shape_cast %add3A_1206 : vector<16xf32> to vector<1x16xf32>
        tpu.vector_store %arg8[%swap3A_1208, %swap3A_1209], %swap3A_1212 {strides = array<i32>} : memref<64x768xf32, #tpu.memory_space<vmem>>, vector<1x16xf32>,
        %sub3A_1213 = arith.subf %add3A_453, %mul3A_887 : vector<16xf32>
        %mul3A_1214 = arith.mulf %sub3A_1213, %mul3A_957 : vector<16xf32>
        %get3A_1215 = arith.constant 256 : index
        %get3A_1216 = tpu.vector_load %arg10[%get3A_1215] {strides = array<i32>} : memref<768xf32, #tpu.memory_space<vmem>>, vector<16xf32>,
        %get3A_1217 = vector.shape_cast %get3A_1216 : vector<16xf32> to vector<16xf32>
        %mul3A_1218 = arith.mulf %mul3A_1214, %get3A_1217 : vector<16xf32>
        %get3A_1219 = arith.constant 256 : index
        %get3A_1220 = tpu.vector_load %arg11[%get3A_1219] {strides = array<i32>} : memref<768xf32, #tpu.memory_space<vmem>>, vector<16xf32>,
        %get3A_1221 = vector.shape_cast %get3A_1220 : vector<16xf32> to vector<16xf32>
        %add3A_1222 = arith.addf %mul3A_1218, %get3A_1221 : vector<16xf32>
        %add3A_1223 = arith.addi %mul3A_160, %scan3A_233 : i32
        %swap3A_1224 = arith.index_cast %add3A_1223 : i32 to index
        %swap3A_1225 = arith.constant 256 : index
        %swap3A_1226 = tpu.vector_load %arg8[%swap3A_1224, %swap3A_1225] {strides = array<i32>} : memref<64x768xf32, #tpu.memory_space<vmem>>, vector<1x16xf32>,
        %swap3A_1227 = vector.shape_cast %swap3A_1226 : vector<1x16xf32> to vector<16xf32>
        %swap3A_1228 = vector.shape_cast %add3A_1222 : vector<16xf32> to vector<1x16xf32>
        tpu.vector_store %arg8[%swap3A_1224, %swap3A_1225], %swap3A_1228 {strides = array<i32>} : memref<64x768xf32, #tpu.memory_space<vmem>>, vector<1x16xf32>,
        %sub3A_1229 = arith.subf %add3A_466, %mul3A_887 : vector<16xf32>
        %mul3A_1230 = arith.mulf %sub3A_1229, %mul3A_957 : vector<16xf32>
        %get3A_1231 = arith.constant 272 : index
        %get3A_1232 = tpu.vector_load %arg10[%get3A_1231] {strides = array<i32>} : memref<768xf32, #tpu.memory_space<vmem>>, vector<16xf32>,
        %get3A_1233 = vector.shape_cast %get3A_1232 : vector<16xf32> to vector<16xf32>
        %mul3A_1234 = arith.mulf %mul3A_1230, %get3A_1233 : vector<16xf32>
        %get3A_1235 = arith.constant 272 : index
        %get3A_1236 = tpu.vector_load %arg11[%get3A_1235] {strides = array<i32>} : memref<768xf32, #tpu.memory_space<vmem>>, vector<16xf32>,
        %get3A_1237 = vector.shape_cast %get3A_1236 : vector<16xf32> to vector<16xf32>
        %add3A_1238 = arith.addf %mul3A_1234, %get3A_1237 : vector<16xf32>
        %add3A_1239 = arith.addi %mul3A_160, %scan3A_233 : i32
        %swap3A_1240 = arith.index_cast %add3A_1239 : i32 to index
        %swap3A_1241 = arith.constant 272 : index
        %swap3A_1242 = tpu.vector_load %arg8[%swap3A_1240, %swap3A_1241] {strides = array<i32>} : memref<64x768xf32, #tpu.memory_space<vmem>>, vector<1x16xf32>,
        %swap3A_1243 = vector.shape_cast %swap3A_1242 : vector<1x16xf32> to vector<16xf32>
        %swap3A_1244 = vector.shape_cast %add3A_1238 : vector<16xf32> to vector<1x16xf32>
        tpu.vector_store %arg8[%swap3A_1240, %swap3A_1241], %swap3A_1244 {strides = array<i32>} : memref<64x768xf32, #tpu.memory_space<vmem>>, vector<1x16xf32>,
        %sub3A_1245 = arith.subf %add3A_479, %mul3A_887 : vector<16xf32>
        %mul3A_1246 = arith.mulf %sub3A_1245, %mul3A_957 : vector<16xf32>
        %get3A_1247 = arith.constant 288 : index
        %get3A_1248 = tpu.vector_load %arg10[%get3A_1247] {strides = array<i32>} : memref<768xf32, #tpu.memory_space<vmem>>, vector<16xf32>,
        %get3A_1249 = vector.shape_cast %get3A_1248 : vector<16xf32> to vector<16xf32>
        %mul3A_1250 = arith.mulf %mul3A_1246, %get3A_1249 : vector<16xf32>
        %get3A_1251 = arith.constant 288 : index
        %get3A_1252 = tpu.vector_load %arg11[%get3A_1251] {strides = array<i32>} : memref<768xf32, #tpu.memory_space<vmem>>, vector<16xf32>,
        %get3A_1253 = vector.shape_cast %get3A_1252 : vector<16xf32> to vector<16xf32>
        %add3A_1254 = arith.addf %mul3A_1250, %get3A_1253 : vector<16xf32>
        %add3A_1255 = arith.addi %mul3A_160, %scan3A_233 : i32
        %swap3A_1256 = arith.index_cast %add3A_1255 : i32 to index
        %swap3A_1257 = arith.constant 288 : index
        %swap3A_1258 = tpu.vector_load %arg8[%swap3A_1256, %swap3A_1257] {strides = array<i32>} : memref<64x768xf32, #tpu.memory_space<vmem>>, vector<1x16xf32>,
        %swap3A_1259 = vector.shape_cast %swap3A_1258 : vector<1x16xf32> to vector<16xf32>
        %swap3A_1260 = vector.shape_cast %add3A_1254 : vector<16xf32> to vector<1x16xf32>
        tpu.vector_store %arg8[%swap3A_1256, %swap3A_1257], %swap3A_1260 {strides = array<i32>} : memref<64x768xf32, #tpu.memory_space<vmem>>, vector<1x16xf32>,
        %sub3A_1261 = arith.subf %add3A_492, %mul3A_887 : vector<16xf32>
        %mul3A_1262 = arith.mulf %sub3A_1261, %mul3A_957 : vector<16xf32>
        %get3A_1263 = arith.constant 304 : index
        %get3A_1264 = tpu.vector_load %arg10[%get3A_1263] {strides = array<i32>} : memref<768xf32, #tpu.memory_space<vmem>>, vector<16xf32>,
        %get3A_1265 = vector.shape_cast %get3A_1264 : vector<16xf32> to vector<16xf32>
        %mul3A_1266 = arith.mulf %mul3A_1262, %get3A_1265 : vector<16xf32>
        %get3A_1267 = arith.constant 304 : index
        %get3A_1268 = tpu.vector_load %arg11[%get3A_1267] {strides = array<i32>} : memref<768xf32, #tpu.memory_space<vmem>>, vector<16xf32>,
        %get3A_1269 = vector.shape_cast %get3A_1268 : vector<16xf32> to vector<16xf32>
        %add3A_1270 = arith.addf %mul3A_1266, %get3A_1269 : vector<16xf32>
        %add3A_1271 = arith.addi %mul3A_160, %scan3A_233 : i32
        %swap3A_1272 = arith.index_cast %add3A_1271 : i32 to index
        %swap3A_1273 = arith.constant 304 : index
        %swap3A_1274 = tpu.vector_load %arg8[%swap3A_1272, %swap3A_1273] {strides = array<i32>} : memref<64x768xf32, #tpu.memory_space<vmem>>, vector<1x16xf32>,
        %swap3A_1275 = vector.shape_cast %swap3A_1274 : vector<1x16xf32> to vector<16xf32>
        %swap3A_1276 = vector.shape_cast %add3A_1270 : vector<16xf32> to vector<1x16xf32>
        tpu.vector_store %arg8[%swap3A_1272, %swap3A_1273], %swap3A_1276 {strides = array<i32>} : memref<64x768xf32, #tpu.memory_space<vmem>>, vector<1x16xf32>,
        %sub3A_1277 = arith.subf %add3A_505, %mul3A_887 : vector<16xf32>
        %mul3A_1278 = arith.mulf %sub3A_1277, %mul3A_957 : vector<16xf32>
        %get3A_1279 = arith.constant 320 : index
        %get3A_1280 = tpu.vector_load %arg10[%get3A_1279] {strides = array<i32>} : memref<768xf32, #tpu.memory_space<vmem>>, vector<16xf32>,
        %get3A_1281 = vector.shape_cast %get3A_1280 : vector<16xf32> to vector<16xf32>
        %mul3A_1282 = arith.mulf %mul3A_1278, %get3A_1281 : vector<16xf32>
        %get3A_1283 = arith.constant 320 : index
        %get3A_1284 = tpu.vector_load %arg11[%get3A_1283] {strides = array<i32>} : memref<768xf32, #tpu.memory_space<vmem>>, vector<16xf32>,
        %get3A_1285 = vector.shape_cast %get3A_1284 : vector<16xf32> to vector<16xf32>
        %add3A_1286 = arith.addf %mul3A_1282, %get3A_1285 : vector<16xf32>
        %add3A_1287 = arith.addi %mul3A_160, %scan3A_233 : i32
        %swap3A_1288 = arith.index_cast %add3A_1287 : i32 to index
        %swap3A_1289 = arith.constant 320 : index
        %swap3A_1290 = tpu.vector_load %arg8[%swap3A_1288, %swap3A_1289] {strides = array<i32>} : memref<64x768xf32, #tpu.memory_space<vmem>>, vector<1x16xf32>,
        %swap3A_1291 = vector.shape_cast %swap3A_1290 : vector<1x16xf32> to vector<16xf32>
        %swap3A_1292 = vector.shape_cast %add3A_1286 : vector<16xf32> to vector<1x16xf32>
        tpu.vector_store %arg8[%swap3A_1288, %swap3A_1289], %swap3A_1292 {strides = array<i32>} : memref<64x768xf32, #tpu.memory_space<vmem>>, vector<1x16xf32>,
        %sub3A_1293 = arith.subf %add3A_518, %mul3A_887 : vector<16xf32>
        %mul3A_1294 = arith.mulf %sub3A_1293, %mul3A_957 : vector<16xf32>
        %get3A_1295 = arith.constant 336 : index
        %get3A_1296 = tpu.vector_load %arg10[%get3A_1295] {strides = array<i32>} : memref<768xf32, #tpu.memory_space<vmem>>, vector<16xf32>,
        %get3A_1297 = vector.shape_cast %get3A_1296 : vector<16xf32> to vector<16xf32>
        %mul3A_1298 = arith.mulf %mul3A_1294, %get3A_1297 : vector<16xf32>
        %get3A_1299 = arith.constant 336 : index
        %get3A_1300 = tpu.vector_load %arg11[%get3A_1299] {strides = array<i32>} : memref<768xf32, #tpu.memory_space<vmem>>, vector<16xf32>,
        %get3A_1301 = vector.shape_cast %get3A_1300 : vector<16xf32> to vector<16xf32>
        %add3A_1302 = arith.addf %mul3A_1298, %get3A_1301 : vector<16xf32>
        %add3A_1303 = arith.addi %mul3A_160, %scan3A_233 : i32
        %swap3A_1304 = arith.index_cast %add3A_1303 : i32 to index
        %swap3A_1305 = arith.constant 336 : index
        %swap3A_1306 = tpu.vector_load %arg8[%swap3A_1304, %swap3A_1305] {strides = array<i32>} : memref<64x768xf32, #tpu.memory_space<vmem>>, vector<1x16xf32>,
        %swap3A_1307 = vector.shape_cast %swap3A_1306 : vector<1x16xf32> to vector<16xf32>
        %swap3A_1308 = vector.shape_cast %add3A_1302 : vector<16xf32> to vector<1x16xf32>
        tpu.vector_store %arg8[%swap3A_1304, %swap3A_1305], %swap3A_1308 {strides = array<i32>} : memref<64x768xf32, #tpu.memory_space<vmem>>, vector<1x16xf32>,
        %sub3A_1309 = arith.subf %add3A_531, %mul3A_887 : vector<16xf32>
        %mul3A_1310 = arith.mulf %sub3A_1309, %mul3A_957 : vector<16xf32>
        %get3A_1311 = arith.constant 352 : index
        %get3A_1312 = tpu.vector_load %arg10[%get3A_1311] {strides = array<i32>} : memref<768xf32, #tpu.memory_space<vmem>>, vector<16xf32>,
        %get3A_1313 = vector.shape_cast %get3A_1312 : vector<16xf32> to vector<16xf32>
        %mul3A_1314 = arith.mulf %mul3A_1310, %get3A_1313 : vector<16xf32>
        %get3A_1315 = arith.constant 352 : index
        %get3A_1316 = tpu.vector_load %arg11[%get3A_1315] {strides = array<i32>} : memref<768xf32, #tpu.memory_space<vmem>>, vector<16xf32>,
        %get3A_1317 = vector.shape_cast %get3A_1316 : vector<16xf32> to vector<16xf32>
        %add3A_1318 = arith.addf %mul3A_1314, %get3A_1317 : vector<16xf32>
        %add3A_1319 = arith.addi %mul3A_160, %scan3A_233 : i32
        %swap3A_1320 = arith.index_cast %add3A_1319 : i32 to index
        %swap3A_1321 = arith.constant 352 : index
        %swap3A_1322 = tpu.vector_load %arg8[%swap3A_1320, %swap3A_1321] {strides = array<i32>} : memref<64x768xf32, #tpu.memory_space<vmem>>, vector<1x16xf32>,
        %swap3A_1323 = vector.shape_cast %swap3A_1322 : vector<1x16xf32> to vector<16xf32>
        %swap3A_1324 = vector.shape_cast %add3A_1318 : vector<16xf32> to vector<1x16xf32>
        tpu.vector_store %arg8[%swap3A_1320, %swap3A_1321], %swap3A_1324 {strides = array<i32>} : memref<64x768xf32, #tpu.memory_space<vmem>>, vector<1x16xf32>,
        %sub3A_1325 = arith.subf %add3A_544, %mul3A_887 : vector<16xf32>
        %mul3A_1326 = arith.mulf %sub3A_1325, %mul3A_957 : vector<16xf32>
        %get3A_1327 = arith.constant 368 : index
        %get3A_1328 = tpu.vector_load %arg10[%get3A_1327] {strides = array<i32>} : memref<768xf32, #tpu.memory_space<vmem>>, vector<16xf32>,
        %get3A_1329 = vector.shape_cast %get3A_1328 : vector<16xf32> to vector<16xf32>
        %mul3A_1330 = arith.mulf %mul3A_1326, %get3A_1329 : vector<16xf32>
        %get3A_1331 = arith.constant 368 : index
        %get3A_1332 = tpu.vector_load %arg11[%get3A_1331] {strides = array<i32>} : memref<768xf32, #tpu.memory_space<vmem>>, vector<16xf32>,
        %get3A_1333 = vector.shape_cast %get3A_1332 : vector<16xf32> to vector<16xf32>
        %add3A_1334 = arith.addf %mul3A_1330, %get3A_1333 : vector<16xf32>
        %add3A_1335 = arith.addi %mul3A_160, %scan3A_233 : i32
        %swap3A_1336 = arith.index_cast %add3A_1335 : i32 to index
        %swap3A_1337 = arith.constant 368 : index
        %swap3A_1338 = tpu.vector_load %arg8[%swap3A_1336, %swap3A_1337] {strides = array<i32>} : memref<64x768xf32, #tpu.memory_space<vmem>>, vector<1x16xf32>,
        %swap3A_1339 = vector.shape_cast %swap3A_1338 : vector<1x16xf32> to vector<16xf32>
        %swap3A_1340 = vector.shape_cast %add3A_1334 : vector<16xf32> to vector<1x16xf32>
        tpu.vector_store %arg8[%swap3A_1336, %swap3A_1337], %swap3A_1340 {strides = array<i32>} : memref<64x768xf32, #tpu.memory_space<vmem>>, vector<1x16xf32>,
        %sub3A_1341 = arith.subf %add3A_557, %mul3A_887 : vector<16xf32>
        %mul3A_1342 = arith.mulf %sub3A_1341, %mul3A_957 : vector<16xf32>
        %get3A_1343 = arith.constant 384 : index
        %get3A_1344 = tpu.vector_load %arg10[%get3A_1343] {strides = array<i32>} : memref<768xf32, #tpu.memory_space<vmem>>, vector<16xf32>,
        %get3A_1345 = vector.shape_cast %get3A_1344 : vector<16xf32> to vector<16xf32>
        %mul3A_1346 = arith.mulf %mul3A_1342, %get3A_1345 : vector<16xf32>
        %get3A_1347 = arith.constant 384 : index
        %get3A_1348 = tpu.vector_load %arg11[%get3A_1347] {strides = array<i32>} : memref<768xf32, #tpu.memory_space<vmem>>, vector<16xf32>,
        %get3A_1349 = vector.shape_cast %get3A_1348 : vector<16xf32> to vector<16xf32>
        %add3A_1350 = arith.addf %mul3A_1346, %get3A_1349 : vector<16xf32>
        %add3A_1351 = arith.addi %mul3A_160, %scan3A_233 : i32
        %swap3A_1352 = arith.index_cast %add3A_1351 : i32 to index
        %swap3A_1353 = arith.constant 384 : index
        %swap3A_1354 = tpu.vector_load %arg8[%swap3A_1352, %swap3A_1353] {strides = array<i32>} : memref<64x768xf32, #tpu.memory_space<vmem>>, vector<1x16xf32>,
        %swap3A_1355 = vector.shape_cast %swap3A_1354 : vector<1x16xf32> to vector<16xf32>
        %swap3A_1356 = vector.shape_cast %add3A_1350 : vector<16xf32> to vector<1x16xf32>
        tpu.vector_store %arg8[%swap3A_1352, %swap3A_1353], %swap3A_1356 {strides = array<i32>} : memref<64x768xf32, #tpu.memory_space<vmem>>, vector<1x16xf32>,
        %sub3A_1357 = arith.subf %add3A_570, %mul3A_887 : vector<16xf32>
        %mul3A_1358 = arith.mulf %sub3A_1357, %mul3A_957 : vector<16xf32>
        %get3A_1359 = arith.constant 400 : index
        %get3A_1360 = tpu.vector_load %arg10[%get3A_1359] {strides = array<i32>} : memref<768xf32, #tpu.memory_space<vmem>>, vector<16xf32>,
        %get3A_1361 = vector.shape_cast %get3A_1360 : vector<16xf32> to vector<16xf32>
        %mul3A_1362 = arith.mulf %mul3A_1358, %get3A_1361 : vector<16xf32>
        %get3A_1363 = arith.constant 400 : index
        %get3A_1364 = tpu.vector_load %arg11[%get3A_1363] {strides = array<i32>} : memref<768xf32, #tpu.memory_space<vmem>>, vector<16xf32>,
        %get3A_1365 = vector.shape_cast %get3A_1364 : vector<16xf32> to vector<16xf32>
        %add3A_1366 = arith.addf %mul3A_1362, %get3A_1365 : vector<16xf32>
        %add3A_1367 = arith.addi %mul3A_160, %scan3A_233 : i32
        %swap3A_1368 = arith.index_cast %add3A_1367 : i32 to index
        %swap3A_1369 = arith.constant 400 : index
        %swap3A_1370 = tpu.vector_load %arg8[%swap3A_1368, %swap3A_1369] {strides = array<i32>} : memref<64x768xf32, #tpu.memory_space<vmem>>, vector<1x16xf32>,
        %swap3A_1371 = vector.shape_cast %swap3A_1370 : vector<1x16xf32> to vector<16xf32>
        %swap3A_1372 = vector.shape_cast %add3A_1366 : vector<16xf32> to vector<1x16xf32>
        tpu.vector_store %arg8[%swap3A_1368, %swap3A_1369], %swap3A_1372 {strides = array<i32>} : memref<64x768xf32, #tpu.memory_space<vmem>>, vector<1x16xf32>,
        %sub3A_1373 = arith.subf %add3A_583, %mul3A_887 : vector<16xf32>
        %mul3A_1374 = arith.mulf %sub3A_1373, %mul3A_957 : vector<16xf32>
        %get3A_1375 = arith.constant 416 : index
        %get3A_1376 = tpu.vector_load %arg10[%get3A_1375] {strides = array<i32>} : memref<768xf32, #tpu.memory_space<vmem>>, vector<16xf32>,
        %get3A_1377 = vector.shape_cast %get3A_1376 : vector<16xf32> to vector<16xf32>
        %mul3A_1378 = arith.mulf %mul3A_1374, %get3A_1377 : vector<16xf32>
        %get3A_1379 = arith.constant 416 : index
        %get3A_1380 = tpu.vector_load %arg11[%get3A_1379] {strides = array<i32>} : memref<768xf32, #tpu.memory_space<vmem>>, vector<16xf32>,
        %get3A_1381 = vector.shape_cast %get3A_1380 : vector<16xf32> to vector<16xf32>
        %add3A_1382 = arith.addf %mul3A_1378, %get3A_1381 : vector<16xf32>
        %add3A_1383 = arith.addi %mul3A_160, %scan3A_233 : i32
        %swap3A_1384 = arith.index_cast %add3A_1383 : i32 to index
        %swap3A_1385 = arith.constant 416 : index
        %swap3A_1386 = tpu.vector_load %arg8[%swap3A_1384, %swap3A_1385] {strides = array<i32>} : memref<64x768xf32, #tpu.memory_space<vmem>>, vector<1x16xf32>,
        %swap3A_1387 = vector.shape_cast %swap3A_1386 : vector<1x16xf32> to vector<16xf32>
        %swap3A_1388 = vector.shape_cast %add3A_1382 : vector<16xf32> to vector<1x16xf32>
        tpu.vector_store %arg8[%swap3A_1384, %swap3A_1385], %swap3A_1388 {strides = array<i32>} : memref<64x768xf32, #tpu.memory_space<vmem>>, vector<1x16xf32>,
        %sub3A_1389 = arith.subf %add3A_596, %mul3A_887 : vector<16xf32>
        %mul3A_1390 = arith.mulf %sub3A_1389, %mul3A_957 : vector<16xf32>
        %get3A_1391 = arith.constant 432 : index
        %get3A_1392 = tpu.vector_load %arg10[%get3A_1391] {strides = array<i32>} : memref<768xf32, #tpu.memory_space<vmem>>, vector<16xf32>,
        %get3A_1393 = vector.shape_cast %get3A_1392 : vector<16xf32> to vector<16xf32>
        %mul3A_1394 = arith.mulf %mul3A_1390, %get3A_1393 : vector<16xf32>
        %get3A_1395 = arith.constant 432 : index
        %get3A_1396 = tpu.vector_load %arg11[%get3A_1395] {strides = array<i32>} : memref<768xf32, #tpu.memory_space<vmem>>, vector<16xf32>,
        %get3A_1397 = vector.shape_cast %get3A_1396 : vector<16xf32> to vector<16xf32>
        %add3A_1398 = arith.addf %mul3A_1394, %get3A_1397 : vector<16xf32>
        %add3A_1399 = arith.addi %mul3A_160, %scan3A_233 : i32
        %swap3A_1400 = arith.index_cast %add3A_1399 : i32 to index
        %swap3A_1401 = arith.constant 432 : index
        %swap3A_1402 = tpu.vector_load %arg8[%swap3A_1400, %swap3A_1401] {strides = array<i32>} : memref<64x768xf32, #tpu.memory_space<vmem>>, vector<1x16xf32>,
        %swap3A_1403 = vector.shape_cast %swap3A_1402 : vector<1x16xf32> to vector<16xf32>
        %swap3A_1404 = vector.shape_cast %add3A_1398 : vector<16xf32> to vector<1x16xf32>
        tpu.vector_store %arg8[%swap3A_1400, %swap3A_1401], %swap3A_1404 {strides = array<i32>} : memref<64x768xf32, #tpu.memory_space<vmem>>, vector<1x16xf32>,
        %sub3A_1405 = arith.subf %add3A_609, %mul3A_887 : vector<16xf32>
        %mul3A_1406 = arith.mulf %sub3A_1405, %mul3A_957 : vector<16xf32>
        %get3A_1407 = arith.constant 448 : index
        %get3A_1408 = tpu.vector_load %arg10[%get3A_1407] {strides = array<i32>} : memref<768xf32, #tpu.memory_space<vmem>>, vector<16xf32>,
        %get3A_1409 = vector.shape_cast %get3A_1408 : vector<16xf32> to vector<16xf32>
        %mul3A_1410 = arith.mulf %mul3A_1406, %get3A_1409 : vector<16xf32>
        %get3A_1411 = arith.constant 448 : index
        %get3A_1412 = tpu.vector_load %arg11[%get3A_1411] {strides = array<i32>} : memref<768xf32, #tpu.memory_space<vmem>>, vector<16xf32>,
        %get3A_1413 = vector.shape_cast %get3A_1412 : vector<16xf32> to vector<16xf32>
        %add3A_1414 = arith.addf %mul3A_1410, %get3A_1413 : vector<16xf32>
        %add3A_1415 = arith.addi %mul3A_160, %scan3A_233 : i32
        %swap3A_1416 = arith.index_cast %add3A_1415 : i32 to index
        %swap3A_1417 = arith.constant 448 : index
        %swap3A_1418 = tpu.vector_load %arg8[%swap3A_1416, %swap3A_1417] {strides = array<i32>} : memref<64x768xf32, #tpu.memory_space<vmem>>, vector<1x16xf32>,
        %swap3A_1419 = vector.shape_cast %swap3A_1418 : vector<1x16xf32> to vector<16xf32>
        %swap3A_1420 = vector.shape_cast %add3A_1414 : vector<16xf32> to vector<1x16xf32>
        tpu.vector_store %arg8[%swap3A_1416, %swap3A_1417], %swap3A_1420 {strides = array<i32>} : memref<64x768xf32, #tpu.memory_space<vmem>>, vector<1x16xf32>,
        %sub3A_1421 = arith.subf %add3A_622, %mul3A_887 : vector<16xf32>
        %mul3A_1422 = arith.mulf %sub3A_1421, %mul3A_957 : vector<16xf32>
        %get3A_1423 = arith.constant 464 : index
        %get3A_1424 = tpu.vector_load %arg10[%get3A_1423] {strides = array<i32>} : memref<768xf32, #tpu.memory_space<vmem>>, vector<16xf32>,
        %get3A_1425 = vector.shape_cast %get3A_1424 : vector<16xf32> to vector<16xf32>
        %mul3A_1426 = arith.mulf %mul3A_1422, %get3A_1425 : vector<16xf32>
        %get3A_1427 = arith.constant 464 : index
        %get3A_1428 = tpu.vector_load %arg11[%get3A_1427] {strides = array<i32>} : memref<768xf32, #tpu.memory_space<vmem>>, vector<16xf32>,
        %get3A_1429 = vector.shape_cast %get3A_1428 : vector<16xf32> to vector<16xf32>
        %add3A_1430 = arith.addf %mul3A_1426, %get3A_1429 : vector<16xf32>
        %add3A_1431 = arith.addi %mul3A_160, %scan3A_233 : i32
        %swap3A_1432 = arith.index_cast %add3A_1431 : i32 to index
        %swap3A_1433 = arith.constant 464 : index
        %swap3A_1434 = tpu.vector_load %arg8[%swap3A_1432, %swap3A_1433] {strides = array<i32>} : memref<64x768xf32, #tpu.memory_space<vmem>>, vector<1x16xf32>,
        %swap3A_1435 = vector.shape_cast %swap3A_1434 : vector<1x16xf32> to vector<16xf32>
        %swap3A_1436 = vector.shape_cast %add3A_1430 : vector<16xf32> to vector<1x16xf32>
        tpu.vector_store %arg8[%swap3A_1432, %swap3A_1433], %swap3A_1436 {strides = array<i32>} : memref<64x768xf32, #tpu.memory_space<vmem>>, vector<1x16xf32>,
        %sub3A_1437 = arith.subf %add3A_635, %mul3A_887 : vector<16xf32>
        %mul3A_1438 = arith.mulf %sub3A_1437, %mul3A_957 : vector<16xf32>
        %get3A_1439 = arith.constant 480 : index
        %get3A_1440 = tpu.vector_load %arg10[%get3A_1439] {strides = array<i32>} : memref<768xf32, #tpu.memory_space<vmem>>, vector<16xf32>,
        %get3A_1441 = vector.shape_cast %get3A_1440 : vector<16xf32> to vector<16xf32>
        %mul3A_1442 = arith.mulf %mul3A_1438, %get3A_1441 : vector<16xf32>
        %get3A_1443 = arith.constant 480 : index
        %get3A_1444 = tpu.vector_load %arg11[%get3A_1443] {strides = array<i32>} : memref<768xf32, #tpu.memory_space<vmem>>, vector<16xf32>,
        %get3A_1445 = vector.shape_cast %get3A_1444 : vector<16xf32> to vector<16xf32>
        %add3A_1446 = arith.addf %mul3A_1442, %get3A_1445 : vector<16xf32>
        %add3A_1447 = arith.addi %mul3A_160, %scan3A_233 : i32
        %swap3A_1448 = arith.index_cast %add3A_1447 : i32 to index
        %swap3A_1449 = arith.constant 480 : index
        %swap3A_1450 = tpu.vector_load %arg8[%swap3A_1448, %swap3A_1449] {strides = array<i32>} : memref<64x768xf32, #tpu.memory_space<vmem>>, vector<1x16xf32>,
        %swap3A_1451 = vector.shape_cast %swap3A_1450 : vector<1x16xf32> to vector<16xf32>
        %swap3A_1452 = vector.shape_cast %add3A_1446 : vector<16xf32> to vector<1x16xf32>
        tpu.vector_store %arg8[%swap3A_1448, %swap3A_1449], %swap3A_1452 {strides = array<i32>} : memref<64x768xf32, #tpu.memory_space<vmem>>, vector<1x16xf32>,
        %sub3A_1453 = arith.subf %add3A_648, %mul3A_887 : vector<16xf32>
        %mul3A_1454 = arith.mulf %sub3A_1453, %mul3A_957 : vector<16xf32>
        %get3A_1455 = arith.constant 496 : index
        %get3A_1456 = tpu.vector_load %arg10[%get3A_1455] {strides = array<i32>} : memref<768xf32, #tpu.memory_space<vmem>>, vector<16xf32>,
        %get3A_1457 = vector.shape_cast %get3A_1456 : vector<16xf32> to vector<16xf32>
        %mul3A_1458 = arith.mulf %mul3A_1454, %get3A_1457 : vector<16xf32>
        %get3A_1459 = arith.constant 496 : index
        %get3A_1460 = tpu.vector_load %arg11[%get3A_1459] {strides = array<i32>} : memref<768xf32, #tpu.memory_space<vmem>>, vector<16xf32>,
        %get3A_1461 = vector.shape_cast %get3A_1460 : vector<16xf32> to vector<16xf32>
        %add3A_1462 = arith.addf %mul3A_1458, %get3A_1461 : vector<16xf32>
        %add3A_1463 = arith.addi %mul3A_160, %scan3A_233 : i32
        %swap3A_1464 = arith.index_cast %add3A_1463 : i32 to index
        %swap3A_1465 = arith.constant 496 : index
        %swap3A_1466 = tpu.vector_load %arg8[%swap3A_1464, %swap3A_1465] {strides = array<i32>} : memref<64x768xf32, #tpu.memory_space<vmem>>, vector<1x16xf32>,
        %swap3A_1467 = vector.shape_cast %swap3A_1466 : vector<1x16xf32> to vector<16xf32>
        %swap3A_1468 = vector.shape_cast %add3A_1462 : vector<16xf32> to vector<1x16xf32>
        tpu.vector_store %arg8[%swap3A_1464, %swap3A_1465], %swap3A_1468 {strides = array<i32>} : memref<64x768xf32, #tpu.memory_space<vmem>>, vector<1x16xf32>,
        %sub3A_1469 = arith.subf %add3A_661, %mul3A_887 : vector<16xf32>
        %mul3A_1470 = arith.mulf %sub3A_1469, %mul3A_957 : vector<16xf32>
        %get3A_1471 = arith.constant 512 : index
        %get3A_1472 = tpu.vector_load %arg10[%get3A_1471] {strides = array<i32>} : memref<768xf32, #tpu.memory_space<vmem>>, vector<16xf32>,
        %get3A_1473 = vector.shape_cast %get3A_1472 : vector<16xf32> to vector<16xf32>
        %mul3A_1474 = arith.mulf %mul3A_1470, %get3A_1473 : vector<16xf32>
        %get3A_1475 = arith.constant 512 : index
        %get3A_1476 = tpu.vector_load %arg11[%get3A_1475] {strides = array<i32>} : memref<768xf32, #tpu.memory_space<vmem>>, vector<16xf32>,
        %get3A_1477 = vector.shape_cast %get3A_1476 : vector<16xf32> to vector<16xf32>
        %add3A_1478 = arith.addf %mul3A_1474, %get3A_1477 : vector<16xf32>
        %add3A_1479 = arith.addi %mul3A_160, %scan3A_233 : i32
        %swap3A_1480 = arith.index_cast %add3A_1479 : i32 to index
        %swap3A_1481 = arith.constant 512 : index
        %swap3A_1482 = tpu.vector_load %arg8[%swap3A_1480, %swap3A_1481] {strides = array<i32>} : memref<64x768xf32, #tpu.memory_space<vmem>>, vector<1x16xf32>,
        %swap3A_1483 = vector.shape_cast %swap3A_1482 : vector<1x16xf32> to vector<16xf32>
        %swap3A_1484 = vector.shape_cast %add3A_1478 : vector<16xf32> to vector<1x16xf32>
        tpu.vector_store %arg8[%swap3A_1480, %swap3A_1481], %swap3A_1484 {strides = array<i32>} : memref<64x768xf32, #tpu.memory_space<vmem>>, vector<1x16xf32>,
        %sub3A_1485 = arith.subf %add3A_674, %mul3A_887 : vector<16xf32>
        %mul3A_1486 = arith.mulf %sub3A_1485, %mul3A_957 : vector<16xf32>
        %get3A_1487 = arith.constant 528 : index
        %get3A_1488 = tpu.vector_load %arg10[%get3A_1487] {strides = array<i32>} : memref<768xf32, #tpu.memory_space<vmem>>, vector<16xf32>,
        %get3A_1489 = vector.shape_cast %get3A_1488 : vector<16xf32> to vector<16xf32>
        %mul3A_1490 = arith.mulf %mul3A_1486, %get3A_1489 : vector<16xf32>
        %get3A_1491 = arith.constant 528 : index
        %get3A_1492 = tpu.vector_load %arg11[%get3A_1491] {strides = array<i32>} : memref<768xf32, #tpu.memory_space<vmem>>, vector<16xf32>,
        %get3A_1493 = vector.shape_cast %get3A_1492 : vector<16xf32> to vector<16xf32>
        %add3A_1494 = arith.addf %mul3A_1490, %get3A_1493 : vector<16xf32>
        %add3A_1495 = arith.addi %mul3A_160, %scan3A_233 : i32
        %swap3A_1496 = arith.index_cast %add3A_1495 : i32 to index
        %swap3A_1497 = arith.constant 528 : index
        %swap3A_1498 = tpu.vector_load %arg8[%swap3A_1496, %swap3A_1497] {strides = array<i32>} : memref<64x768xf32, #tpu.memory_space<vmem>>, vector<1x16xf32>,
        %swap3A_1499 = vector.shape_cast %swap3A_1498 : vector<1x16xf32> to vector<16xf32>
        %swap3A_1500 = vector.shape_cast %add3A_1494 : vector<16xf32> to vector<1x16xf32>
        tpu.vector_store %arg8[%swap3A_1496, %swap3A_1497], %swap3A_1500 {strides = array<i32>} : memref<64x768xf32, #tpu.memory_space<vmem>>, vector<1x16xf32>,
        %sub3A_1501 = arith.subf %add3A_687, %mul3A_887 : vector<16xf32>
        %mul3A_1502 = arith.mulf %sub3A_1501, %mul3A_957 : vector<16xf32>
        %get3A_1503 = arith.constant 544 : index
        %get3A_1504 = tpu.vector_load %arg10[%get3A_1503] {strides = array<i32>} : memref<768xf32, #tpu.memory_space<vmem>>, vector<16xf32>,
        %get3A_1505 = vector.shape_cast %get3A_1504 : vector<16xf32> to vector<16xf32>
        %mul3A_1506 = arith.mulf %mul3A_1502, %get3A_1505 : vector<16xf32>
        %get3A_1507 = arith.constant 544 : index
        %get3A_1508 = tpu.vector_load %arg11[%get3A_1507] {strides = array<i32>} : memref<768xf32, #tpu.memory_space<vmem>>, vector<16xf32>,
        %get3A_1509 = vector.shape_cast %get3A_1508 : vector<16xf32> to vector<16xf32>
        %add3A_1510 = arith.addf %mul3A_1506, %get3A_1509 : vector<16xf32>
        %add3A_1511 = arith.addi %mul3A_160, %scan3A_233 : i32
        %swap3A_1512 = arith.index_cast %add3A_1511 : i32 to index
        %swap3A_1513 = arith.constant 544 : index
        %swap3A_1514 = tpu.vector_load %arg8[%swap3A_1512, %swap3A_1513] {strides = array<i32>} : memref<64x768xf32, #tpu.memory_space<vmem>>, vector<1x16xf32>,
        %swap3A_1515 = vector.shape_cast %swap3A_1514 : vector<1x16xf32> to vector<16xf32>
        %swap3A_1516 = vector.shape_cast %add3A_1510 : vector<16xf32> to vector<1x16xf32>
        tpu.vector_store %arg8[%swap3A_1512, %swap3A_1513], %swap3A_1516 {strides = array<i32>} : memref<64x768xf32, #tpu.memory_space<vmem>>, vector<1x16xf32>,
        %sub3A_1517 = arith.subf %add3A_700, %mul3A_887 : vector<16xf32>
        %mul3A_1518 = arith.mulf %sub3A_1517, %mul3A_957 : vector<16xf32>
        %get3A_1519 = arith.constant 560 : index
        %get3A_1520 = tpu.vector_load %arg10[%get3A_1519] {strides = array<i32>} : memref<768xf32, #tpu.memory_space<vmem>>, vector<16xf32>,
        %get3A_1521 = vector.shape_cast %get3A_1520 : vector<16xf32> to vector<16xf32>
        %mul3A_1522 = arith.mulf %mul3A_1518, %get3A_1521 : vector<16xf32>
        %get3A_1523 = arith.constant 560 : index
        %get3A_1524 = tpu.vector_load %arg11[%get3A_1523] {strides = array<i32>} : memref<768xf32, #tpu.memory_space<vmem>>, vector<16xf32>,
        %get3A_1525 = vector.shape_cast %get3A_1524 : vector<16xf32> to vector<16xf32>
        %add3A_1526 = arith.addf %mul3A_1522, %get3A_1525 : vector<16xf32>
        %add3A_1527 = arith.addi %mul3A_160, %scan3A_233 : i32
        %swap3A_1528 = arith.index_cast %add3A_1527 : i32 to index
        %swap3A_1529 = arith.constant 560 : index
        %swap3A_1530 = tpu.vector_load %arg8[%swap3A_1528, %swap3A_1529] {strides = array<i32>} : memref<64x768xf32, #tpu.memory_space<vmem>>, vector<1x16xf32>,
        %swap3A_1531 = vector.shape_cast %swap3A_1530 : vector<1x16xf32> to vector<16xf32>
        %swap3A_1532 = vector.shape_cast %add3A_1526 : vector<16xf32> to vector<1x16xf32>
        tpu.vector_store %arg8[%swap3A_1528, %swap3A_1529], %swap3A_1532 {strides = array<i32>} : memref<64x768xf32, #tpu.memory_space<vmem>>, vector<1x16xf32>,
        %sub3A_1533 = arith.subf %add3A_713, %mul3A_887 : vector<16xf32>
        %mul3A_1534 = arith.mulf %sub3A_1533, %mul3A_957 : vector<16xf32>
        %get3A_1535 = arith.constant 576 : index
        %get3A_1536 = tpu.vector_load %arg10[%get3A_1535] {strides = array<i32>} : memref<768xf32, #tpu.memory_space<vmem>>, vector<16xf32>,
        %get3A_1537 = vector.shape_cast %get3A_1536 : vector<16xf32> to vector<16xf32>
        %mul3A_1538 = arith.mulf %mul3A_1534, %get3A_1537 : vector<16xf32>
        %get3A_1539 = arith.constant 576 : index
        %get3A_1540 = tpu.vector_load %arg11[%get3A_1539] {strides = array<i32>} : memref<768xf32, #tpu.memory_space<vmem>>, vector<16xf32>,
        %get3A_1541 = vector.shape_cast %get3A_1540 : vector<16xf32> to vector<16xf32>
        %add3A_1542 = arith.addf %mul3A_1538, %get3A_1541 : vector<16xf32>
        %add3A_1543 = arith.addi %mul3A_160, %scan3A_233 : i32
        %swap3A_1544 = arith.index_cast %add3A_1543 : i32 to index
        %swap3A_1545 = arith.constant 576 : index
        %swap3A_1546 = tpu.vector_load %arg8[%swap3A_1544, %swap3A_1545] {strides = array<i32>} : memref<64x768xf32, #tpu.memory_space<vmem>>, vector<1x16xf32>,
        %swap3A_1547 = vector.shape_cast %swap3A_1546 : vector<1x16xf32> to vector<16xf32>
        %swap3A_1548 = vector.shape_cast %add3A_1542 : vector<16xf32> to vector<1x16xf32>
        tpu.vector_store %arg8[%swap3A_1544, %swap3A_1545], %swap3A_1548 {strides = array<i32>} : memref<64x768xf32, #tpu.memory_space<vmem>>, vector<1x16xf32>,
        %sub3A_1549 = arith.subf %add3A_726, %mul3A_887 : vector<16xf32>
        %mul3A_1550 = arith.mulf %sub3A_1549, %mul3A_957 : vector<16xf32>
        %get3A_1551 = arith.constant 592 : index
        %get3A_1552 = tpu.vector_load %arg10[%get3A_1551] {strides = array<i32>} : memref<768xf32, #tpu.memory_space<vmem>>, vector<16xf32>,
        %get3A_1553 = vector.shape_cast %get3A_1552 : vector<16xf32> to vector<16xf32>
        %mul3A_1554 = arith.mulf %mul3A_1550, %get3A_1553 : vector<16xf32>
        %get3A_1555 = arith.constant 592 : index
        %get3A_1556 = tpu.vector_load %arg11[%get3A_1555] {strides = array<i32>} : memref<768xf32, #tpu.memory_space<vmem>>, vector<16xf32>,
        %get3A_1557 = vector.shape_cast %get3A_1556 : vector<16xf32> to vector<16xf32>
        %add3A_1558 = arith.addf %mul3A_1554, %get3A_1557 : vector<16xf32>
        %add3A_1559 = arith.addi %mul3A_160, %scan3A_233 : i32
        %swap3A_1560 = arith.index_cast %add3A_1559 : i32 to index
        %swap3A_1561 = arith.constant 592 : index
        %swap3A_1562 = tpu.vector_load %arg8[%swap3A_1560, %swap3A_1561] {strides = array<i32>} : memref<64x768xf32, #tpu.memory_space<vmem>>, vector<1x16xf32>,
        %swap3A_1563 = vector.shape_cast %swap3A_1562 : vector<1x16xf32> to vector<16xf32>
        %swap3A_1564 = vector.shape_cast %add3A_1558 : vector<16xf32> to vector<1x16xf32>
        tpu.vector_store %arg8[%swap3A_1560, %swap3A_1561], %swap3A_1564 {strides = array<i32>} : memref<64x768xf32, #tpu.memory_space<vmem>>, vector<1x16xf32>,
        %sub3A_1565 = arith.subf %add3A_739, %mul3A_887 : vector<16xf32>
        %mul3A_1566 = arith.mulf %sub3A_1565, %mul3A_957 : vector<16xf32>
        %get3A_1567 = arith.constant 608 : index
        %get3A_1568 = tpu.vector_load %arg10[%get3A_1567] {strides = array<i32>} : memref<768xf32, #tpu.memory_space<vmem>>, vector<16xf32>,
        %get3A_1569 = vector.shape_cast %get3A_1568 : vector<16xf32> to vector<16xf32>
        %mul3A_1570 = arith.mulf %mul3A_1566, %get3A_1569 : vector<16xf32>
        %get3A_1571 = arith.constant 608 : index
        %get3A_1572 = tpu.vector_load %arg11[%get3A_1571] {strides = array<i32>} : memref<768xf32, #tpu.memory_space<vmem>>, vector<16xf32>,
        %get3A_1573 = vector.shape_cast %get3A_1572 : vector<16xf32> to vector<16xf32>
        %add3A_1574 = arith.addf %mul3A_1570, %get3A_1573 : vector<16xf32>
        %add3A_1575 = arith.addi %mul3A_160, %scan3A_233 : i32
        %swap3A_1576 = arith.index_cast %add3A_1575 : i32 to index
        %swap3A_1577 = arith.constant 608 : index
        %swap3A_1578 = tpu.vector_load %arg8[%swap3A_1576, %swap3A_1577] {strides = array<i32>} : memref<64x768xf32, #tpu.memory_space<vmem>>, vector<1x16xf32>,
        %swap3A_1579 = vector.shape_cast %swap3A_1578 : vector<1x16xf32> to vector<16xf32>
        %swap3A_1580 = vector.shape_cast %add3A_1574 : vector<16xf32> to vector<1x16xf32>
        tpu.vector_store %arg8[%swap3A_1576, %swap3A_1577], %swap3A_1580 {strides = array<i32>} : memref<64x768xf32, #tpu.memory_space<vmem>>, vector<1x16xf32>,
        %sub3A_1581 = arith.subf %add3A_752, %mul3A_887 : vector<16xf32>
        %mul3A_1582 = arith.mulf %sub3A_1581, %mul3A_957 : vector<16xf32>
        %get3A_1583 = arith.constant 624 : index
        %get3A_1584 = tpu.vector_load %arg10[%get3A_1583] {strides = array<i32>} : memref<768xf32, #tpu.memory_space<vmem>>, vector<16xf32>,
        %get3A_1585 = vector.shape_cast %get3A_1584 : vector<16xf32> to vector<16xf32>
        %mul3A_1586 = arith.mulf %mul3A_1582, %get3A_1585 : vector<16xf32>
        %get3A_1587 = arith.constant 624 : index
        %get3A_1588 = tpu.vector_load %arg11[%get3A_1587] {strides = array<i32>} : memref<768xf32, #tpu.memory_space<vmem>>, vector<16xf32>,
        %get3A_1589 = vector.shape_cast %get3A_1588 : vector<16xf32> to vector<16xf32>
        %add3A_1590 = arith.addf %mul3A_1586, %get3A_1589 : vector<16xf32>
        %add3A_1591 = arith.addi %mul3A_160, %scan3A_233 : i32
        %swap3A_1592 = arith.index_cast %add3A_1591 : i32 to index
        %swap3A_1593 = arith.constant 624 : index
        %swap3A_1594 = tpu.vector_load %arg8[%swap3A_1592, %swap3A_1593] {strides = array<i32>} : memref<64x768xf32, #tpu.memory_space<vmem>>, vector<1x16xf32>,
        %swap3A_1595 = vector.shape_cast %swap3A_1594 : vector<1x16xf32> to vector<16xf32>
        %swap3A_1596 = vector.shape_cast %add3A_1590 : vector<16xf32> to vector<1x16xf32>
        tpu.vector_store %arg8[%swap3A_1592, %swap3A_1593], %swap3A_1596 {strides = array<i32>} : memref<64x768xf32, #tpu.memory_space<vmem>>, vector<1x16xf32>,
        %sub3A_1597 = arith.subf %add3A_765, %mul3A_887 : vector<16xf32>
        %mul3A_1598 = arith.mulf %sub3A_1597, %mul3A_957 : vector<16xf32>
        %get3A_1599 = arith.constant 640 : index
        %get3A_1600 = tpu.vector_load %arg10[%get3A_1599] {strides = array<i32>} : memref<768xf32, #tpu.memory_space<vmem>>, vector<16xf32>,
        %get3A_1601 = vector.shape_cast %get3A_1600 : vector<16xf32> to vector<16xf32>
        %mul3A_1602 = arith.mulf %mul3A_1598, %get3A_1601 : vector<16xf32>
        %get3A_1603 = arith.constant 640 : index
        %get3A_1604 = tpu.vector_load %arg11[%get3A_1603] {strides = array<i32>} : memref<768xf32, #tpu.memory_space<vmem>>, vector<16xf32>,
        %get3A_1605 = vector.shape_cast %get3A_1604 : vector<16xf32> to vector<16xf32>
        %add3A_1606 = arith.addf %mul3A_1602, %get3A_1605 : vector<16xf32>
        %add3A_1607 = arith.addi %mul3A_160, %scan3A_233 : i32
        %swap3A_1608 = arith.index_cast %add3A_1607 : i32 to index
        %swap3A_1609 = arith.constant 640 : index
        %swap3A_1610 = tpu.vector_load %arg8[%swap3A_1608, %swap3A_1609] {strides = array<i32>} : memref<64x768xf32, #tpu.memory_space<vmem>>, vector<1x16xf32>,
        %swap3A_1611 = vector.shape_cast %swap3A_1610 : vector<1x16xf32> to vector<16xf32>
        %swap3A_1612 = vector.shape_cast %add3A_1606 : vector<16xf32> to vector<1x16xf32>
        tpu.vector_store %arg8[%swap3A_1608, %swap3A_1609], %swap3A_1612 {strides = array<i32>} : memref<64x768xf32, #tpu.memory_space<vmem>>, vector<1x16xf32>,
        %sub3A_1613 = arith.subf %add3A_778, %mul3A_887 : vector<16xf32>
        %mul3A_1614 = arith.mulf %sub3A_1613, %mul3A_957 : vector<16xf32>
        %get3A_1615 = arith.constant 656 : index
        %get3A_1616 = tpu.vector_load %arg10[%get3A_1615] {strides = array<i32>} : memref<768xf32, #tpu.memory_space<vmem>>, vector<16xf32>,
        %get3A_1617 = vector.shape_cast %get3A_1616 : vector<16xf32> to vector<16xf32>
        %mul3A_1618 = arith.mulf %mul3A_1614, %get3A_1617 : vector<16xf32>
        %get3A_1619 = arith.constant 656 : index
        %get3A_1620 = tpu.vector_load %arg11[%get3A_1619] {strides = array<i32>} : memref<768xf32, #tpu.memory_space<vmem>>, vector<16xf32>,
        %get3A_1621 = vector.shape_cast %get3A_1620 : vector<16xf32> to vector<16xf32>
        %add3A_1622 = arith.addf %mul3A_1618, %get3A_1621 : vector<16xf32>
        %add3A_1623 = arith.addi %mul3A_160, %scan3A_233 : i32
        %swap3A_1624 = arith.index_cast %add3A_1623 : i32 to index
        %swap3A_1625 = arith.constant 656 : index
        %swap3A_1626 = tpu.vector_load %arg8[%swap3A_1624, %swap3A_1625] {strides = array<i32>} : memref<64x768xf32, #tpu.memory_space<vmem>>, vector<1x16xf32>,
        %swap3A_1627 = vector.shape_cast %swap3A_1626 : vector<1x16xf32> to vector<16xf32>
        %swap3A_1628 = vector.shape_cast %add3A_1622 : vector<16xf32> to vector<1x16xf32>
        tpu.vector_store %arg8[%swap3A_1624, %swap3A_1625], %swap3A_1628 {strides = array<i32>} : memref<64x768xf32, #tpu.memory_space<vmem>>, vector<1x16xf32>,
        %sub3A_1629 = arith.subf %add3A_791, %mul3A_887 : vector<16xf32>
        %mul3A_1630 = arith.mulf %sub3A_1629, %mul3A_957 : vector<16xf32>
        %get3A_1631 = arith.constant 672 : index
        %get3A_1632 = tpu.vector_load %arg10[%get3A_1631] {strides = array<i32>} : memref<768xf32, #tpu.memory_space<vmem>>, vector<16xf32>,
        %get3A_1633 = vector.shape_cast %get3A_1632 : vector<16xf32> to vector<16xf32>
        %mul3A_1634 = arith.mulf %mul3A_1630, %get3A_1633 : vector<16xf32>
        %get3A_1635 = arith.constant 672 : index
        %get3A_1636 = tpu.vector_load %arg11[%get3A_1635] {strides = array<i32>} : memref<768xf32, #tpu.memory_space<vmem>>, vector<16xf32>,
        %get3A_1637 = vector.shape_cast %get3A_1636 : vector<16xf32> to vector<16xf32>
        %add3A_1638 = arith.addf %mul3A_1634, %get3A_1637 : vector<16xf32>
        %add3A_1639 = arith.addi %mul3A_160, %scan3A_233 : i32
        %swap3A_1640 = arith.index_cast %add3A_1639 : i32 to index
        %swap3A_1641 = arith.constant 672 : index
        %swap3A_1642 = tpu.vector_load %arg8[%swap3A_1640, %swap3A_1641] {strides = array<i32>} : memref<64x768xf32, #tpu.memory_space<vmem>>, vector<1x16xf32>,
        %swap3A_1643 = vector.shape_cast %swap3A_1642 : vector<1x16xf32> to vector<16xf32>
        %swap3A_1644 = vector.shape_cast %add3A_1638 : vector<16xf32> to vector<1x16xf32>
        tpu.vector_store %arg8[%swap3A_1640, %swap3A_1641], %swap3A_1644 {strides = array<i32>} : memref<64x768xf32, #tpu.memory_space<vmem>>, vector<1x16xf32>,
        %sub3A_1645 = arith.subf %add3A_804, %mul3A_887 : vector<16xf32>
        %mul3A_1646 = arith.mulf %sub3A_1645, %mul3A_957 : vector<16xf32>
        %get3A_1647 = arith.constant 688 : index
        %get3A_1648 = tpu.vector_load %arg10[%get3A_1647] {strides = array<i32>} : memref<768xf32, #tpu.memory_space<vmem>>, vector<16xf32>,
        %get3A_1649 = vector.shape_cast %get3A_1648 : vector<16xf32> to vector<16xf32>
        %mul3A_1650 = arith.mulf %mul3A_1646, %get3A_1649 : vector<16xf32>
        %get3A_1651 = arith.constant 688 : index
        %get3A_1652 = tpu.vector_load %arg11[%get3A_1651] {strides = array<i32>} : memref<768xf32, #tpu.memory_space<vmem>>, vector<16xf32>,
        %get3A_1653 = vector.shape_cast %get3A_1652 : vector<16xf32> to vector<16xf32>
        %add3A_1654 = arith.addf %mul3A_1650, %get3A_1653 : vector<16xf32>
        %add3A_1655 = arith.addi %mul3A_160, %scan3A_233 : i32
        %swap3A_1656 = arith.index_cast %add3A_1655 : i32 to index
        %swap3A_1657 = arith.constant 688 : index
        %swap3A_1658 = tpu.vector_load %arg8[%swap3A_1656, %swap3A_1657] {strides = array<i32>} : memref<64x768xf32, #tpu.memory_space<vmem>>, vector<1x16xf32>,
        %swap3A_1659 = vector.shape_cast %swap3A_1658 : vector<1x16xf32> to vector<16xf32>
        %swap3A_1660 = vector.shape_cast %add3A_1654 : vector<16xf32> to vector<1x16xf32>
        tpu.vector_store %arg8[%swap3A_1656, %swap3A_1657], %swap3A_1660 {strides = array<i32>} : memref<64x768xf32, #tpu.memory_space<vmem>>, vector<1x16xf32>,
        %sub3A_1661 = arith.subf %add3A_817, %mul3A_887 : vector<16xf32>
        %mul3A_1662 = arith.mulf %sub3A_1661, %mul3A_957 : vector<16xf32>
        %get3A_1663 = arith.constant 704 : index
        %get3A_1664 = tpu.vector_load %arg10[%get3A_1663] {strides = array<i32>} : memref<768xf32, #tpu.memory_space<vmem>>, vector<16xf32>,
        %get3A_1665 = vector.shape_cast %get3A_1664 : vector<16xf32> to vector<16xf32>
        %mul3A_1666 = arith.mulf %mul3A_1662, %get3A_1665 : vector<16xf32>
        %get3A_1667 = arith.constant 704 : index
        %get3A_1668 = tpu.vector_load %arg11[%get3A_1667] {strides = array<i32>} : memref<768xf32, #tpu.memory_space<vmem>>, vector<16xf32>,
        %get3A_1669 = vector.shape_cast %get3A_1668 : vector<16xf32> to vector<16xf32>
        %add3A_1670 = arith.addf %mul3A_1666, %get3A_1669 : vector<16xf32>
        %add3A_1671 = arith.addi %mul3A_160, %scan3A_233 : i32
        %swap3A_1672 = arith.index_cast %add3A_1671 : i32 to index
        %swap3A_1673 = arith.constant 704 : index
        %swap3A_1674 = tpu.vector_load %arg8[%swap3A_1672, %swap3A_1673] {strides = array<i32>} : memref<64x768xf32, #tpu.memory_space<vmem>>, vector<1x16xf32>,
        %swap3A_1675 = vector.shape_cast %swap3A_1674 : vector<1x16xf32> to vector<16xf32>
        %swap3A_1676 = vector.shape_cast %add3A_1670 : vector<16xf32> to vector<1x16xf32>
        tpu.vector_store %arg8[%swap3A_1672, %swap3A_1673], %swap3A_1676 {strides = array<i32>} : memref<64x768xf32, #tpu.memory_space<vmem>>, vector<1x16xf32>,
        %sub3A_1677 = arith.subf %add3A_830, %mul3A_887 : vector<16xf32>
        %mul3A_1678 = arith.mulf %sub3A_1677, %mul3A_957 : vector<16xf32>
        %get3A_1679 = arith.constant 720 : index
        %get3A_1680 = tpu.vector_load %arg10[%get3A_1679] {strides = array<i32>} : memref<768xf32, #tpu.memory_space<vmem>>, vector<16xf32>,
        %get3A_1681 = vector.shape_cast %get3A_1680 : vector<16xf32> to vector<16xf32>
        %mul3A_1682 = arith.mulf %mul3A_1678, %get3A_1681 : vector<16xf32>
        %get3A_1683 = arith.constant 720 : index
        %get3A_1684 = tpu.vector_load %arg11[%get3A_1683] {strides = array<i32>} : memref<768xf32, #tpu.memory_space<vmem>>, vector<16xf32>,
        %get3A_1685 = vector.shape_cast %get3A_1684 : vector<16xf32> to vector<16xf32>
        %add3A_1686 = arith.addf %mul3A_1682, %get3A_1685 : vector<16xf32>
        %add3A_1687 = arith.addi %mul3A_160, %scan3A_233 : i32
        %swap3A_1688 = arith.index_cast %add3A_1687 : i32 to index
        %swap3A_1689 = arith.constant 720 : index
        %swap3A_1690 = tpu.vector_load %arg8[%swap3A_1688, %swap3A_1689] {strides = array<i32>} : memref<64x768xf32, #tpu.memory_space<vmem>>, vector<1x16xf32>,
        %swap3A_1691 = vector.shape_cast %swap3A_1690 : vector<1x16xf32> to vector<16xf32>
        %swap3A_1692 = vector.shape_cast %add3A_1686 : vector<16xf32> to vector<1x16xf32>
        tpu.vector_store %arg8[%swap3A_1688, %swap3A_1689], %swap3A_1692 {strides = array<i32>} : memref<64x768xf32, #tpu.memory_space<vmem>>, vector<1x16xf32>,
        %sub3A_1693 = arith.subf %add3A_843, %mul3A_887 : vector<16xf32>
        %mul3A_1694 = arith.mulf %sub3A_1693, %mul3A_957 : vector<16xf32>
        %get3A_1695 = arith.constant 736 : index
        %get3A_1696 = tpu.vector_load %arg10[%get3A_1695] {strides = array<i32>} : memref<768xf32, #tpu.memory_space<vmem>>, vector<16xf32>,
        %get3A_1697 = vector.shape_cast %get3A_1696 : vector<16xf32> to vector<16xf32>
        %mul3A_1698 = arith.mulf %mul3A_1694, %get3A_1697 : vector<16xf32>
        %get3A_1699 = arith.constant 736 : index
        %get3A_1700 = tpu.vector_load %arg11[%get3A_1699] {strides = array<i32>} : memref<768xf32, #tpu.memory_space<vmem>>, vector<16xf32>,
        %get3A_1701 = vector.shape_cast %get3A_1700 : vector<16xf32> to vector<16xf32>
        %add3A_1702 = arith.addf %mul3A_1698, %get3A_1701 : vector<16xf32>
        %add3A_1703 = arith.addi %mul3A_160, %scan3A_233 : i32
        %swap3A_1704 = arith.index_cast %add3A_1703 : i32 to index
        %swap3A_1705 = arith.constant 736 : index
        %swap3A_1706 = tpu.vector_load %arg8[%swap3A_1704, %swap3A_1705] {strides = array<i32>} : memref<64x768xf32, #tpu.memory_space<vmem>>, vector<1x16xf32>,
        %swap3A_1707 = vector.shape_cast %swap3A_1706 : vector<1x16xf32> to vector<16xf32>
        %swap3A_1708 = vector.shape_cast %add3A_1702 : vector<16xf32> to vector<1x16xf32>
        tpu.vector_store %arg8[%swap3A_1704, %swap3A_1705], %swap3A_1708 {strides = array<i32>} : memref<64x768xf32, #tpu.memory_space<vmem>>, vector<1x16xf32>,
        %sub3A_1709 = arith.subf %add3A_856, %mul3A_887 : vector<16xf32>
        %mul3A_1710 = arith.mulf %sub3A_1709, %mul3A_957 : vector<16xf32>
        %get3A_1711 = arith.constant 752 : index
        %get3A_1712 = tpu.vector_load %arg10[%get3A_1711] {strides = array<i32>} : memref<768xf32, #tpu.memory_space<vmem>>, vector<16xf32>,
        %get3A_1713 = vector.shape_cast %get3A_1712 : vector<16xf32> to vector<16xf32>
        %mul3A_1714 = arith.mulf %mul3A_1710, %get3A_1713 : vector<16xf32>
        %get3A_1715 = arith.constant 752 : index
        %get3A_1716 = tpu.vector_load %arg11[%get3A_1715] {strides = array<i32>} : memref<768xf32, #tpu.memory_space<vmem>>, vector<16xf32>,
        %get3A_1717 = vector.shape_cast %get3A_1716 : vector<16xf32> to vector<16xf32>
        %add3A_1718 = arith.addf %mul3A_1714, %get3A_1717 : vector<16xf32>
        %add3A_1719 = arith.addi %mul3A_160, %scan3A_233 : i32
        %swap3A_1720 = arith.index_cast %add3A_1719 : i32 to index
        %swap3A_1721 = arith.constant 752 : index
        %swap3A_1722 = tpu.vector_load %arg8[%swap3A_1720, %swap3A_1721] {strides = array<i32>} : memref<64x768xf32, #tpu.memory_space<vmem>>, vector<1x16xf32>,
        %swap3A_1723 = vector.shape_cast %swap3A_1722 : vector<1x16xf32> to vector<16xf32>
        %swap3A_1724 = vector.shape_cast %add3A_1718 : vector<16xf32> to vector<1x16xf32>
        tpu.vector_store %arg8[%swap3A_1720, %swap3A_1721], %swap3A_1724 {strides = array<i32>} : memref<64x768xf32, #tpu.memory_space<vmem>>, vector<1x16xf32>,
      }
      %scan3A_166 = arith.constant 32 : i32
      %jit3A_167 = arith.constant 1 : i32
      %eq3A_168 = arith.constant 0 : i32
      %eq3A_169 = arith.cmpi eq, %jit3A_167, %eq3A_168 : i32
      %jit3A_170 = arith.constant 1 : i32
      %select_n3A_171 = arith.select %eq3A_169, %jit3A_170, %jit3A_167 : i32
      %rem3A_172 = arith.remsi %scan3A_102, %select_n3A_171 : i32
      %ne3A_173 = arith.constant 0 : i32
      %ne3A_174 = arith.cmpi ne, %rem3A_172, %ne3A_173 : i32
      %lt3A_175 = arith.constant 0 : i32
      %lt3A_176 = arith.cmpi slt, %rem3A_172, %lt3A_175 : i32
      %lt3A_177 = arith.constant 0 : i32
      %lt3A_178 = arith.cmpi slt, %select_n3A_171, %lt3A_177 : i32
      %ne3A_179 = arith.xori %lt3A_176, %lt3A_178 : i1
      %and3A_180 = arith.andi %ne3A_179, %ne3A_174 : i1
      %add3A_181 = arith.addi %rem3A_172, %select_n3A_171 : i32
      %select_n3A_182 = arith.select %and3A_180, %add3A_181, %rem3A_172 : i32
      %mul3A_183 = arith.constant 8192 : i32
      %mul3A_184 = arith.muli %select_n3A_182, %mul3A_183 : i32
      %add3A_185 = arith.addi %mul3A_184, %mul3A_2 : i32
      %jit3A_186 = arith.constant 1 : i32
      %div3A_187 = arith.divsi %scan3A_102, %jit3A_186 : i32
      %sign3A_188 = arith.constant 0 : i32
      %sign3A_189 = arith.cmpi sgt, %scan3A_102, %sign3A_188 : i32
      %sign3A_190 = arith.extui %sign3A_189 : i1 to i32
      %sign3A_191 = arith.constant 0 : i32
      %sign3A_192 = arith.cmpi slt, %scan3A_102, %sign3A_191 : i32
      %sign3A_193 = arith.extui %sign3A_192 : i1 to i32
      %sign3A_194 = arith.subi %sign3A_190, %sign3A_193 : i32
      %sign3A_195 = arith.constant 0 : i32
      %sign3A_196 = arith.cmpi sgt, %jit3A_186, %sign3A_195 : i32
      %sign3A_197 = arith.extui %sign3A_196 : i1 to i32
      %sign3A_198 = arith.constant 0 : i32
      %sign3A_199 = arith.cmpi slt, %jit3A_186, %sign3A_198 : i32
      %sign3A_200 = arith.extui %sign3A_199 : i1 to i32
      %sign3A_201 = arith.subi %sign3A_197, %sign3A_200 : i32
      %ne3A_202 = arith.cmpi ne, %sign3A_194, %sign3A_201 : i32
      %rem3A_203 = arith.remsi %scan3A_102, %jit3A_186 : i32
      %ne3A_204 = arith.constant 0 : i32
      %ne3A_205 = arith.cmpi ne, %rem3A_203, %ne3A_204 : i32
      %and3A_206 = arith.andi %ne3A_202, %ne3A_205 : i1
      %sub3A_207 = arith.constant 1 : i32
      %sub3A_208 = arith.subi %div3A_187, %sub3A_207 : i32
      %select_n3A_209 = arith.select %and3A_206, %sub3A_208, %div3A_187 : i32
      %mul3A_210 = arith.constant 32 : i32
      %mul3A_211 = arith.muli %select_n3A_209, %mul3A_210 : i32
      %add3A_212 = arith.addi %add3A_185, %mul3A_211 : i32
      %dma_start3A_213 = arith.constant 0 : i32
      %dma_start3A_214 = tpu.memref_slice %arg8[%mul3A_160, %dma_start3A_213] : memref<64x768xf32, #tpu.memory_space<vmem>> -> memref<32x768xf32, #tpu.memory_space<vmem>>
      %dma_start3A_215 = arith.constant 0 : i32
      %dma_start3A_216 = tpu.memref_slice %arg6[%add3A_212, %dma_start3A_215] : memref<8192x768xf32, #tpu.memory_space<hbm>> -> memref<32x768xf32, #tpu.memory_space<hbm>>
      %dma_start3A_217 = tpu.memref_slice %arg14[%rem3A_104] : memref<2x!tpu.dma_semaphore, #tpu.memory_space<semaphore_mem>> -> memref<1x!tpu.dma_semaphore, #tpu.memory_space<semaphore_mem>>
      %dma_start3A_218 = tpu.memref_squeeze %dma_start3A_217 : memref<1x!tpu.dma_semaphore, #tpu.memory_space<semaphore_mem>> -> memref<!tpu.dma_semaphore, #tpu.memory_space<semaphore_mem>>
      %dma_start3A_219 = arith.constant 0 : i32
      %dma_start3A_220 = tpu.memref_slice %arg6[%add3A_212, %dma_start3A_219] : memref<8192x768xf32, #tpu.memory_space<hbm>> -> memref<32x768xf32, #tpu.memory_space<hbm>>
      %dma_start3A_221 = arith.constant 0 : i32
      %dma_start3A_222 = tpu.memref_slice %arg8[%mul3A_160, %dma_start3A_221] : memref<64x768xf32, #tpu.memory_space<vmem>> -> memref<32x768xf32, #tpu.memory_space<vmem>>
      tpu.enqueue_dma source(%dma_start3A_222 : memref<32x768xf32, #tpu.memory_space<vmem>>) target(%dma_start3A_220 : memref<32x768xf32, #tpu.memory_space<hbm>>) target_semaphore(%dma_start3A_218 : memref<!tpu.dma_semaphore, #tpu.memory_space<semaphore_mem>>)
      %eq3A_223 = arith.constant 0 : i32
      %eq3A_224 = arith.cmpi eq, %rem3A_130, %eq3A_223 : i32
      %add3A_225 = arith.constant 1 : i32
      %add3A_226 = arith.addi %select_n3A_128, %add3A_225 : i32
      %lt3A_227 = arith.constant 8 : i32
      %lt3A_228 = arith.cmpi slt, %add3A_226, %lt3A_227 : i32
      %and3A_229 = arith.andi %eq3A_224, %lt3A_228 : i1
      %convert_element_type3A_230 = arith.extui %and3A_229 : i1 to i32
      %cond3A_231 = arith.constant 0 : i32
      %cond3A_232 = arith.cmpi ne, %convert_element_type3A_230, %cond3A_231 : i32
      scf.if %cond3A_232 {
        %add3A_233 = arith.constant 1 : i32
        %add3A_234 = arith.addi %select_n3A_128, %add3A_233 : i32
        %mul3A_235 = arith.constant 32 : i32
        %mul3A_236 = arith.muli %add3A_234, %mul3A_235 : i32
        %add3A_237 = arith.addi %mul3A_2, %mul3A_236 : i32
        %dma_start3A_238 = arith.constant 0 : i32
        %dma_start3A_239 = arith.constant 0 : i32
        %dma_start3A_240 = tpu.memref_slice %arg3[%add3A_237, %dma_start3A_239] : memref<8192x768xf32, #tpu.memory_space<hbm>> -> memref<32x768xf32, #tpu.memory_space<hbm>>
        %dma_start3A_241 = tpu.memref_slice %arg13[%dma_start3A_238] : memref<2x!tpu.dma_semaphore, #tpu.memory_space<semaphore_mem>> -> memref<1x!tpu.dma_semaphore, #tpu.memory_space<semaphore_mem>>
        %dma_start3A_242 = tpu.memref_squeeze %dma_start3A_241 : memref<1x!tpu.dma_semaphore, #tpu.memory_space<semaphore_mem>> -> memref<!tpu.dma_semaphore, #tpu.memory_space<semaphore_mem>>
        %dma_start3A_243 = arith.constant 0 : i32
        %dma_start3A_244 = tpu.memref_slice %arg3[%add3A_237, %dma_start3A_243] : memref<8192x768xf32, #tpu.memory_space<hbm>> -> memref<32x768xf32, #tpu.memory_space<hbm>>
        tpu.enqueue_dma source(%dma_start3A_244 : memref<32x768xf32, #tpu.memory_space<hbm>>) target(%arg9 : memref<32x768xf32, #tpu.memory_space<vmem>>) target_semaphore(%dma_start3A_242 : memref<!tpu.dma_semaphore, #tpu.memory_space<semaphore_mem>>)
      } else {
      }
    }
    %scan3A_72 = arith.constant 8 : i32
    %dma_wait3A = arith.constant 0 : i32
    %dma_wait3A_73 = arith.constant 0 : i32
    %dma_wait3A_74 = arith.constant 0 : i32
    %dma_wait3A_75 = tpu.memref_slice %arg8[%dma_wait3A_73, %dma_wait3A_74] : memref<64x768xf32, #tpu.memory_space<vmem>> -> memref<32x768xf32, #tpu.memory_space<vmem>>
    %dma_wait3A_76 = arith.constant 0 : i32
    %dma_wait3A_77 = arith.constant 0 : i32
    %dma_wait3A_78 = tpu.memref_slice %arg2[%dma_wait3A_76, %dma_wait3A_77] : memref<32768x768xf32, #tpu.memory_space<hbm>> -> memref<32x768xf32, #tpu.memory_space<hbm>>
    %dma_wait3A_79 = tpu.memref_slice %arg14[%dma_wait3A] : memref<2x!tpu.dma_semaphore, #tpu.memory_space<semaphore_mem>> -> memref<1x!tpu.dma_semaphore, #tpu.memory_space<semaphore_mem>>
    %dma_wait3A_80 = tpu.memref_squeeze %dma_wait3A_79 : memref<1x!tpu.dma_semaphore, #tpu.memory_space<semaphore_mem>> -> memref<!tpu.dma_semaphore, #tpu.memory_space<semaphore_mem>>
    %dma_wait3A_81 = arith.constant 0 : i32
    %dma_wait3A_82 = arith.constant 0 : i32
    %dma_wait3A_83 = tpu.memref_slice %arg8[%dma_wait3A_81, %dma_wait3A_82] : memref<64x768xf32, #tpu.memory_space<vmem>> -> memref<32x768xf32, #tpu.memory_space<vmem>>
    %dma_wait3A_84 = arith.constant 0 : i32
    %dma_wait3A_85 = arith.constant 0 : i32
    %dma_wait3A_86 = tpu.memref_slice %arg2[%dma_wait3A_84, %dma_wait3A_85] : memref<32768x768xf32, #tpu.memory_space<hbm>> -> memref<32x768xf32, #tpu.memory_space<hbm>>
    tpu.wait_dma2 semaphore(%dma_wait3A_80 : memref<!tpu.dma_semaphore, #tpu.memory_space<semaphore_mem>>) src(%dma_wait3A_86 : memref<32x768xf32, #tpu.memory_space<hbm>>) dst(%dma_wait3A_83 : memref<32x768xf32, #tpu.memory_space<vmem>>)
    %dma_wait3A_87 = arith.constant 1 : i32
    %dma_wait3A_88 = arith.constant 32 : i32
    %dma_wait3A_89 = arith.constant 0 : i32
    %dma_wait3A_90 = tpu.memref_slice %arg8[%dma_wait3A_88, %dma_wait3A_89] : memref<64x768xf32, #tpu.memory_space<vmem>> -> memref<32x768xf32, #tpu.memory_space<vmem>>
    %dma_wait3A_91 = arith.constant 0 : i32
    %dma_wait3A_92 = arith.constant 0 : i32
    %dma_wait3A_93 = tpu.memref_slice %arg2[%dma_wait3A_91, %dma_wait3A_92] : memref<32768x768xf32, #tpu.memory_space<hbm>> -> memref<32x768xf32, #tpu.memory_space<hbm>>
    %dma_wait3A_94 = tpu.memref_slice %arg14[%dma_wait3A_87] : memref<2x!tpu.dma_semaphore, #tpu.memory_space<semaphore_mem>> -> memref<1x!tpu.dma_semaphore, #tpu.memory_space<semaphore_mem>>
    %dma_wait3A_95 = tpu.memref_squeeze %dma_wait3A_94 : memref<1x!tpu.dma_semaphore, #tpu.memory_space<semaphore_mem>> -> memref<!tpu.dma_semaphore, #tpu.memory_space<semaphore_mem>>
    %dma_wait3A_96 = arith.constant 32 : i32
    %dma_wait3A_97 = arith.constant 0 : i32
    %dma_wait3A_98 = tpu.memref_slice %arg8[%dma_wait3A_96, %dma_wait3A_97] : memref<64x768xf32, #tpu.memory_space<vmem>> -> memref<32x768xf32, #tpu.memory_space<vmem>>
    %dma_wait3A_99 = arith.constant 0 : i32
    %dma_wait3A_100 = arith.constant 0 : i32
    %dma_wait3A_101 = tpu.memref_slice %arg2[%dma_wait3A_99, %dma_wait3A_100] : memref<32768x768xf32, #tpu.memory_space<hbm>> -> memref<32x768xf32, #tpu.memory_space<hbm>>
    tpu.wait_dma2 semaphore(%dma_wait3A_95 : memref<!tpu.dma_semaphore, #tpu.memory_space<semaphore_mem>>) src(%dma_wait3A_101 : memref<32x768xf32, #tpu.memory_space<hbm>>) dst(%dma_wait3A_98 : memref<32x768xf32, #tpu.memory_space<vmem>>)
    return
  }
}

module attributes {stable_mosaic.version = 14 : i64} {
  func.func @_ln_body(%arg0: i32, %arg1: i32, %arg2: memref<1x2048x768xf32, #tpu.memory_space<vmem>>, %arg3: memref<2048x768xf32, #tpu.memory_space<vmem>>, %arg4: memref<1x768xf32, #tpu.memory_space<vmem>>, %arg5: memref<1x768xf32, #tpu.memory_space<vmem>>, %arg6: memref<1x2048x768xf32, #tpu.memory_space<vmem>>) attributes {dimension_semantics = [#tpu.dimension_semantics<arbitrary>, #tpu.dimension_semantics<arbitrary>], iteration_bounds = array<i64: 4, 3>, scalar_prefetch = 0 : i64, scratch_operands = 0 : i64, tpu.core_type = #tpu.core_type<tc>, window_params = [{transform_indices = @transform_0, window_bounds = array<i64: 1, 2048, 768>}, {transform_indices = @transform_1, window_bounds = array<i64: 2048, 768>}, {pipeline_mode = #tpu.pipeline_mode<synchronous>, transform_indices = @transform_2, window_bounds = array<i64: 1, 768>}, {pipeline_mode = #tpu.pipeline_mode<synchronous>, transform_indices = @transform_3, window_bounds = array<i64: 1, 768>}, {transform_indices = @transform_4, window_bounds = array<i64: 1, 2048, 768>}]} {
    %get3A = arith.constant 0 : index
    %get3A_0 = arith.constant 0 : index
    %get3A_1 = arith.constant 0 : index
    %get3A_2 = vector.load %arg2[%get3A, %get3A_0, %get3A_1] : memref<1x2048x768xf32, #tpu.memory_space<vmem>>, vector<1x2048x768xf32>
    %get3A_3 = vector.shape_cast %get3A_2 : vector<1x2048x768xf32> to vector<2048x768xf32>
    %get3A_4 = arith.constant 0 : index
    %get3A_5 = arith.constant 0 : index
    %get3A_6 = vector.load %arg3[%get3A_4, %get3A_5] : memref<2048x768xf32, #tpu.memory_space<vmem>>, vector<2048x768xf32>
    %add3A = arith.addf %get3A_3, %get3A_6 : vector<2048x768xf32>
    %reduce_sum3A = arith.constant dense<0.000000e+00> : vector<2048xf32>
    %reduce_sum3A_7 = vector.multi_reduction <add>, %add3A, %reduce_sum3A [1] : vector<2048x768xf32> to vector<2048xf32>
    %broadcast_in_dim3A = vector.shape_cast %reduce_sum3A_7 : vector<2048xf32> to vector<2048x1xf32>
    %div3A = arith.constant 7.680000e+02 : f32
    %div3A_8 = vector.broadcast %div3A : f32 to vector<2048x1xf32>
    %div3A_9 = arith.divf %broadcast_in_dim3A, %div3A_8 : vector<2048x1xf32>
    %sub3A = vector.broadcast %div3A_9 : vector<2048x1xf32> to vector<2048x768xf32>
    %sub3A_10 = arith.subf %add3A, %sub3A : vector<2048x768xf32>
    %mul3A = arith.mulf %sub3A_10, %sub3A_10 : vector<2048x768xf32>
    %reduce_sum3A_11 = arith.constant dense<0.000000e+00> : vector<2048xf32>
    %reduce_sum3A_12 = vector.multi_reduction <add>, %mul3A, %reduce_sum3A_11 [1] : vector<2048x768xf32> to vector<2048xf32>
    %broadcast_in_dim3A_13 = vector.shape_cast %reduce_sum3A_12 : vector<2048xf32> to vector<2048x1xf32>
    %div3A_14 = arith.constant 7.680000e+02 : f32
    %div3A_15 = vector.broadcast %div3A_14 : f32 to vector<2048x1xf32>
    %div3A_16 = arith.divf %broadcast_in_dim3A_13, %div3A_15 : vector<2048x1xf32>
    %add3A_17 = arith.constant 9.99999974E-6 : f32
    %add3A_18 = vector.broadcast %add3A_17 : f32 to vector<2048x1xf32>
    %add3A_19 = arith.addf %div3A_16, %add3A_18 : vector<2048x1xf32>
    %rsqrt3A = math.rsqrt %add3A_19 : vector<2048x1xf32>
    %mul3A_20 = vector.broadcast %rsqrt3A : vector<2048x1xf32> to vector<2048x768xf32>
    %mul3A_21 = arith.mulf %sub3A_10, %mul3A_20 : vector<2048x768xf32>
    %get3A_22 = arith.constant 0 : index
    %get3A_23 = arith.constant 0 : index
    %get3A_24 = vector.load %arg4[%get3A_22, %get3A_23] : memref<1x768xf32, #tpu.memory_space<vmem>>, vector<1x768xf32>
    %mul3A_25 = vector.broadcast %get3A_24 : vector<1x768xf32> to vector<2048x768xf32>
    %mul3A_26 = arith.mulf %mul3A_21, %mul3A_25 : vector<2048x768xf32>
    %get3A_27 = arith.constant 0 : index
    %get3A_28 = arith.constant 0 : index
    %get3A_29 = vector.load %arg5[%get3A_27, %get3A_28] : memref<1x768xf32, #tpu.memory_space<vmem>>, vector<1x768xf32>
    %add3A_30 = vector.broadcast %get3A_29 : vector<1x768xf32> to vector<2048x768xf32>
    %add3A_31 = arith.addf %mul3A_26, %add3A_30 : vector<2048x768xf32>
    %swap3A = arith.constant 0 : index
    %swap3A_32 = arith.constant 0 : index
    %swap3A_33 = arith.constant 0 : index
    %swap3A_34 = vector.load %arg6[%swap3A, %swap3A_32, %swap3A_33] : memref<1x2048x768xf32, #tpu.memory_space<vmem>>, vector<1x2048x768xf32>
    %swap3A_35 = vector.shape_cast %swap3A_34 : vector<1x2048x768xf32> to vector<2048x768xf32>
    %swap3A_36 = vector.shape_cast %add3A_31 : vector<2048x768xf32> to vector<1x2048x768xf32>
    tpu.vector_store %arg6[%swap3A, %swap3A_32, %swap3A_33], %swap3A_36 {strides = array<i32>} : memref<1x2048x768xf32, #tpu.memory_space<vmem>>, vector<1x2048x768xf32>,
    return
  }
  func.func @transform_0(%arg0: i32, %arg1: i32) -> (i32, i32, i32) {
    %c0_i32 = arith.constant 0 : i32
    %c0_i32_0 = arith.constant 0 : i32
    return %arg1, %arg0, %c0_i32 : i32, i32, i32
  }
  func.func @transform_1(%arg0: i32, %arg1: i32) -> (i32, i32) {
    %c0_i32 = arith.constant 0 : i32
    %c0_i32_0 = arith.constant 0 : i32
    return %arg0, %c0_i32 : i32, i32
  }
  func.func @transform_2(%arg0: i32, %arg1: i32) -> (i32, i32) {
    %c0_i32 = arith.constant 0 : i32
    %c0_i32_0 = arith.constant 0 : i32
    %c0_i32_1 = arith.constant 0 : i32
    return %c0_i32, %c0_i32_0 : i32, i32
  }
  func.func @transform_3(%arg0: i32, %arg1: i32) -> (i32, i32) {
    %c0_i32 = arith.constant 0 : i32
    %c0_i32_0 = arith.constant 0 : i32
    %c0_i32_1 = arith.constant 0 : i32
    return %c0_i32, %c0_i32_0 : i32, i32
  }
  func.func @transform_4(%arg0: i32, %arg1: i32) -> (i32, i32, i32) {
    %c0_i32 = arith.constant 0 : i32
    %c0_i32_0 = arith.constant 0 : i32
    return %arg1, %arg0, %c0_i32 : i32, i32, i32
  }
}

</mosaic_0001>

<sc_bundles>
// kernel: _ln_hybrid.4.cloned.1.call-start
scs
__scs_entry_jumppad:
0x0: {  	(pc) =	sbr.rel $0x88, $3  }
0x1: {  	(tag) =	ssettag $0x0;
	lr =	simm.s32 $0x1  }
0x2: {  	[smem:$0x3F9D] =	sst lr;
	_ =	strace $0xD0000000  }
0x3: {  	_ = 	snop  }
0x4: {  	_ = 	snop  }
0x5: {  	_ = 	snop  }
0x6: {  	_ = 	snop  }
0x7: {  	_ = 	snop  }
__scs_overlays_trampoline_lowered:
0x8: {  	[smem:$0x3FAC] =	sst s0  }
0x9: {  	[smem:$0x3FAD] =	sst s1  }
0xa: {  	[smem:$0x3FAE] =	sst s2  }
0xb: {  	[smem:$0x3FAF] =	sst s3  }
0xc: {  	[smem:$0x3FB0] =	sst s4  }
0xd: {  	[smem:$0x3FB1] =	sst s5  }
0xe: {  	[smem:$0x3FB2] =	sst s6  }
0xf: {  	[smem:$0x3FB3] =	sst s7  }
0x10: {  	[smem:$0x3FB4] =	sst s8  }
0x11: {  	[smem:$0x3FB5] =	sst s9;
	s0 =	simm.s32 @!p0 $0x0  }
0x12: {  	s1 =	sld [smem:$0x3F9B];
	s0 =	simm.s32 @p0 $0x1  }
0x13: {  	[smem:$0x3FB6] =	sst s0;
	s0 =	simm.s32 @!p1 $0x0  }
0x14: {  	s2 =	sld [smem:$0x3F9A];
	s0 =	simm.s32 @p1 $0x1  }
0x15: {  	[smem:$0x3FB7] =	sst s0;
	s0 =	simm.s32 @!p2 $0x0  }
0x16: {  	s3 =	sld [smem:$0x3FDB];
	s0 =	simm.s32 @p2 $0x1  }
0x17: {  	s4 =	simm.s32 $0x1BF5;
	[smem:$0x3FB9] =	sst s0  }
0x18: {  	s0 =	sld [smem:$0x3F9C];
	_ =	swait.ge [sflag:s4], $0x0  }
0x19: {  	s7 =	sld [smem:$0x3F9D]  }
0x1a: {  	s8 =	sadd.s32 $0xFFFFE003, lr  }
0x1b: {  	s9 =	sadd.s32 $0xFFFFFEF7, lr;
	s5 =	simm.s32 $0xFFFFFFFF;
	p2 =	slt.u32 s8, $0xFFFFF086  }
0x1c: {  	p1 =	slt.u32 s9, $0xF7A;
	s5 =	simm.s32 @!p2 $0x0  }
0x1d: {  	s5 =	simm.s32 @p1 $0x1;
	p0 =	seq.s32 s7, s2  }
0x1e: {  	s7 =	smul.u32 @!p0 $0xF7A, s2;
	p2 =	seq.s32 @!p0 s5, $0x0  }
0x1f: {  	s9 =	smul.u32 $0xF7A, s1;
	s8 =	simm.s32 @!p0 $0x1BF5;
	p2 =	por !p2, p0  }
0x20: {  	[sflag:s8] =	ssyncset.s32 @!p0 $0xFFFFF086;
	s6 =	sadd.s32 @!p0 s3, s7;
	s7 =	simm.s32 @!p0 $0x108  }
0x21: {  	s3 =	sadd.s32 s3, s9;
	s6 =	sadd.s32 @!p0 $0x88, s6;
	s7 =	simm.s32 @p2 $0x1082  }
0x22: {  	[simem:s7], [sflag:s8] =	dma.local @!p0 [hbm:s6], $0xF7A  }
0x23: {  	s9 =	sor.u32 $0xD0000000, s2;
	s6 =	simm.s32 $0x108;
	_ =	swait.ge @!p0 [sflag:s8], $0x0  }
0x24: {  	s3 =	sadd.s32 $0x88, s3;
	s6 =	simm.s32 @!p1 $0x1082;
	[sflag:s4] =	ssyncset.s32 $0xFFFFF086  }
0x25: {  	[simem:s6], [sflag:s4] =	dma.local [hbm:s3], $0xF7A  }
0x26: {  	[smem:$0x3F9D] =	sst s1;
	(tag) =	ssettag s2;
	_ =	strace s9  }
0x27: {  	s1 =	sld [smem:$0x3FAD]  }
0x28: {  	s2 =	sld [smem:$0x3FAE]  }
0x29: {  	s4 =	sld [smem:$0x3FB0]  }
0x2a: {  	p0 =	seq.s32 s5, $0x0;
	s5 =	sld [smem:$0x3FB1]  }
0x2b: {  	s6 =	sld [smem:$0x3FB2]  }
0x2c: {  	s7 =	sld [smem:$0x3FB3]  }
0x2d: {  	s3 =	simm.s32 $0x108;
	s8 =	sld [smem:$0x3FB4]  }
0x2e: {  	s3 =	simm.s32 @!p0 $0x1082;
	s9 =	sld [smem:$0x3FB5]  }
0x2f: {  	lr =	sadd.s32 s0, s3;
	s0 =	sld [smem:$0x3FAC]  }
0x30: {  	s3 =	sld [smem:$0x3FAF]  }
0x31: {  	[smem:$0x3FB8] =	sst s10  }
0x32: {  	s10 =	sld [smem:$0x3FB6];
	_ =	sdelay $0x3  }
0x33: {  	p0 =	seq.s32 s10, $0x1;
	s10 =	sld [smem:$0x3FB8];
	_ =	sdelay $0x3  }
0x34: {  	[smem:$0x3FB8] =	sst s10  }
0x35: {  	s10 =	sld [smem:$0x3FB7];
	_ =	sdelay $0x3  }
0x36: {  	p1 =	seq.s32 s10, $0x1;
	s10 =	sld [smem:$0x3FB8];
	_ =	sdelay $0x3  }
0x37: {  	[smem:$0x3FB8] =	sst s10  }
0x38: {  	s10 =	sld [smem:$0x3FB9]  }
0x39: {  	_ = 	snop;
	(pc) =	sbr.ind lr, $3  }
0x3a: {  	_ = 	snop  }
0x3b: {  	_ = 	snop  }
0x3c: {  	p2 =	seq.s32 s10, $0x1;
	s10 =	sld [smem:$0x3FB8]  }
0x3d: {  	_ =	shalt  }
0x3e: {  	_ =	shalt  }
0x3f: {  	_ =	shalt  }
0x40: {  	_ =	shalt  }
0x41: {  	_ =	shalt  }
0x42: {  	_ =	shalt  }
0x43: {  	_ =	shalt  }
0x44: {  	_ =	shalt  }
0x45: {  	_ =	shalt  }
0x46: {  	_ =	shalt  }
0x47: {  	_ =	shalt  }
0x48: {  	_ =	shalt  }
0x49: {  	_ =	shalt  }
0x4a: {  	_ =	shalt  }
0x4b: {  	_ =	shalt  }
0x4c: {  	_ =	shalt  }
0x4d: {  	_ =	shalt  }
0x4e: {  	_ =	shalt  }
0x4f: {  	_ =	shalt  }
0x50: {  	_ =	shalt  }
0x51: {  	_ =	shalt  }
0x52: {  	_ =	shalt  }
0x53: {  	_ =	shalt  }
0x54: {  	_ =	shalt  }
0x55: {  	_ =	shalt  }
0x56: {  	_ =	shalt  }
0x57: {  	_ =	shalt  }
0x58: {  	_ =	shalt  }
0x59: {  	_ =	shalt  }
0x5a: {  	_ =	shalt  }
0x5b: {  	_ =	shalt  }
0x5c: {  	_ =	shalt  }
0x5d: {  	_ =	shalt  }
0x5e: {  	_ =	shalt  }
0x5f: {  	_ =	shalt  }
0x60: {  	_ =	shalt  }
0x61: {  	_ =	shalt  }
0x62: {  	_ =	shalt  }
0x63: {  	_ =	shalt  }
0x64: {  	_ =	shalt  }
0x65: {  	_ =	shalt  }
0x66: {  	_ =	shalt  }
0x67: {  	_ =	shalt  }
0x68: {  	_ =	shalt  }
0x69: {  	_ =	shalt  }
0x6a: {  	_ =	shalt  }
0x6b: {  	_ =	shalt  }
0x6c: {  	_ =	shalt  }
0x6d: {  	_ =	shalt  }
0x6e: {  	_ =	shalt  }
0x6f: {  	_ =	shalt  }
0x70: {  	_ =	shalt  }
0x71: {  	_ =	shalt  }
0x72: {  	_ =	shalt  }
0x73: {  	_ =	shalt  }
0x74: {  	_ =	shalt  }
0x75: {  	_ =	shalt  }
0x76: {  	_ =	shalt  }
0x77: {  	_ =	shalt  }
0x78: {  	_ =	shalt  }
0x79: {  	_ =	shalt  }
0x7a: {  	_ =	shalt  }
0x7b: {  	_ =	shalt  }
0x7c: {  	_ =	shalt  }
0x7d: {  	_ =	shalt  }
0x7e: {  	_ =	shalt  }
0x7f: {  	_ =	shalt  }
0x80: {  	_ =	shalt  }
0x81: {  	_ =	shalt  }
0x82: {  	_ =	shalt  }
0x83: {  	_ =	shalt  }
0x84: {  	_ =	shalt  }
0x85: {  	_ =	shalt  }
0x86: {  	_ =	shalt  }
0x87: {  	_ =	shalt  }
.Lfunc_end0:
.L_simem_size_0:
called_computation_lowered:
.L_overlay_start_0:
0x88: {  	s2 =	sld [smem:$0x3FD9]  }
0x89: {  	s3 =	sld [smem:$0x3FFE];
	_ =	sdelay $0x1  }
0x8a: {  	s1 =	srdreg.scid  }
0x8b: {  	s0 =	sand.u32 $0x1, s1  }
0x8c: {  	s17 =	sshll.u32 s0, $0xA;
	s2 =	sadd.s32 s3, s2  }
0x8d: {  	s2 =	sadd.s32 s2, s17  }
0x8e: {  	[smem:$0x3FC4] =	sst s2  }
0x8f: {  	_ = 	snop  }
0x90: {  	s2 =	sld [smem:$0x3FC9]  }
0x91: {  	s18 =	sld [smem:$0x3FC8]  }
0x92: {  	s4 =	sld [smem:$0x3FC7]  }
0x93: {  	s5 =	sld [smem:$0x3FC6];
	(tm) =	ssettm $0x1  }
0x94: {  	s6 =	sld [smem:$0x3FFB];
	_ =	sdelay $0x3  }
0x95: {  	_ =	strace s6  }
0x96: {  	s6 =	sld [smem:$0x3FFC];
	_ =	sdelay $0x3  }
0x97: {  	_ =	strace s6  }
0x98: {  	s6 =	sld [smem:$0x3FFD];
	_ =	sdelay $0x3  }
0x99: {  	_ =	strace s6  }
0x9a: {  	_ =	strace $0x8FFFFFFF  }
0x9b: {  	s19 =	sld [smem:$0x3FDB];
	_ =	sdelay $0x1  }
0x9c: {  	s7 =	simm.s32 $_scs_section_size  }
0x9d: {  	s8 =	simm.s32 $_size__tile_overlayer_lowered;
	s9 =	simm.s32 $_tile_overlayer_lowered  }
0x9e: {  	s22 =	simm.s32 $0x1BFF;
	s21 =	sshll.u32 s9, $0x1;
	s6 =	sadd.s32 s7, s19  }
0x9f: {  	s10 =	simm.s32 $0x0;
	s20 =	sshll.u32 s8, $0x1;
	s8 =	sadd.s32 s21, s6  }
0xa0: {  	[timem:s10], [sflag:s22] =	dma.local [hbm:s8], s20  }
0xa1: {  	_ =	swait.ge [sflag:s22], s20  }
0xa2: {  	s7 =	ssub.s32 $0x0, s20;
	[sflag:s22] =	ssyncset.done $0x0  }
0xa3: {  	[sflag:s22] =	ssyncadd.s32 s7;
	_ =	sdelay $0x1  }
0xa4: {  	s23 =	simm.s32 $0x1B8B  }
0xa5: {  	_ =	swait.ge [sflag:s23], $0x1  }
0xa6: {  	[sflag:s23] =	ssyncset.done $0x0  }
0xa7: {  	s25 =	simm.s32 $0x1B8E;
	s24 =	sld [smem:$0x3FFE];
	[sflag:s23] =	ssyncadd.s32 $0xFFFFFFFF  }
0xa8: {  	s26 =	simm.s32 $execute0_lowered;
	[smem:$0x3FD2] =	sst s25  }
0xa9: {  	s8 =	sshll.u32 s26, $0x1;
	_ =	strace $0x80000046;
	[dreg:$0x1] =	wrdreg $0xFFFFFFFF  }
0xaa: {  	s28 =	simm.s32 $_size_execute0_lowered;
	s6 =	sadd.s32 s6, s8;
	[dreg:$0x0] =	wrdreg $0x0  }
0xab: {  	s8 =	sshll.u32 s28, $0x1;
	[dreg:$0x2] =	wrdreg s6  }
0xac: {  	[dreg:$0x3] =	wrdreg s8  }
0xad: {  	[dreg:$0x4] =	wrdreg $0xC0  }
0xae: {  	_ =	task [dreg:s10], $0x5FFFF  }
0xaf: {  	[dreg:$0x1] =	wrdreg $0xFFFFFFFF  }
0xb0: {  	[dreg:$0x0] =	wrdreg $0x60  }
0xb1: {  	[dreg:$0x2] =	wrdreg s2  }
0xb2: {  	[dreg:$0x3] =	wrdreg s18  }
0xb3: {  	[dreg:$0x4] =	wrdreg s4  }
0xb4: {  	[dreg:$0x5] =	wrdreg s5  }
0xb5: {  	[dreg:$0x6] =	wrdreg s24  }
0xb6: {  	[dreg:$0x7] =	wrdreg $0x9  }
0xb7: {  	_ =	task.clear_ibuf [dreg:s10], $0x8FFFF;
	_ =	strace $0x90000046  }
0xb8: {  	s29 =	simm.s32 $0x9;
	_ =	strace $0x80000048  }
0xb9: {  	_ =	swait.ge [sflag:s29], $0x1  }
0xba: {  	[sflag:s29] =	ssyncadd.s32 $0xFFFFFFFF  }
0xbb: {  	_ =	strace $0x90000048  }
0xbc: {  	_ =	sfence  }
0xbd: {  	s30 =	sld [smem:$0x0];
	_ =	sdelay $0x2  }
0xbe: {  	s31 =	sshll.u32 s1, $0xD;
	s1 =	sshrl.u32 s1, $0x2  }
0xbf: {  	s3 =	sand.u32 $0x4000, s31;
	s1 =	sadd.s32 s1, s30  }
0xc0: {  	s0 =	sor.u32 s3, s0;
	s1 =	sshll.u32 s1, $0x11  }
0xc1: {  	s0 =	sor.u32 s1, s0  }
0xc2: {  	s0 =	sadd.s32 $0x8F2B, s0  }
0xc3: {  	[sflag:s0] =	ssyncadd.remote.s32 $0x1  }
0xc4: {  	_ =	sfence.sel $0xFFFF  }
0xc5: {  	[dreg:$0x0] =	wrdreg $0xFFFFFFFF;
	(pc) =	sbr.abs _section_cstart, $3  }
0xc6: {  	[dreg:$0x1] =	wrdreg $0xFFFFFFFF  }
0xc7: {  	_ =	task.clear_ibuf [dreg:s10], $0x2FFFF;
	_ =	strace $0x9FFFFFFF  }
0xc8: {  	(tm) =	ssettm $0x7FFFFFFF  }
0xc9: {  	_ =	shalt  }
tec
execute0_lowered:
.L_overlay_start_1:
0x0: {  	(tag) =	ssettag $0x1  }
0x1: {  	s0 =	rddreg [dreg:$0x0]  }
0x2: {  	v0 =	vimm.s32 $0xEFCDAB89;
	s1 =	rddreg [dreg:$0x1]  }
0x3: {  	s4 =	srdreg.scid;
	v1 =	vimm.s32 $0x67452301;
	v2 =	vimm.s32 $0xDCFE98BA;
	s3 =	rddreg [dreg:$0x2];
	v3 =	vimm.s32 $0x54761032  }
0x4: {  	s2 =	stileid.u32;
	s9 =	rddreg [dreg:$0x4];
	s7 =	simm.s32 $0x0;
	v4 =	vimm.s32 $0xBA98FEDC;
	v5 =	vimm.s32 $0x32107654;
	v6 =	vimm.s32 $0xFEDCBA98  }
0x5: {  	v7 =	vimm.s32 $0x76543210;
	s13 =	simm.s32 $0x1E000;
	s14 =	simm.s32 $0x7;
	s15 =	simm.s32 $0x1E300;
	v0 =	vunpack.c.l.s4.s8 v0;
	v1 =	vunpack.c.l.s4.s8 v1  }
0x6: {  	s16 =	simm.s32 $0x18000;
	s17 =	simm.s32 $0x3;
	s8 =	sand.u32 $0x1, s4;
	v2 =	vunpack.c.l.s4.s8 v2;
	v3 =	vunpack.c.l.s4.s8 v3;
	v4 =	vunpack.c.l.s4.s8 v4  }
0x7: {  	s18 =	simm.s32 $0x5;
	s5 =	sshll.u32 s2, $0x9;
	v5 =	vunpack.c.l.s4.s8 v5;
	v6 =	vunpack.c.l.s4.s8 v6;
	v7 =	vunpack.c.l.s4.s8 v7;
	s6 =	sshll.u32 s8, $0x8  }
0x8: {  	s19 =	simm.s32 $0x6;
	s4 =	rddreg [dreg:$0x3];
	v0 =	vunpack.c.0.s8.s32 v0;
	s6 =	sor.u32 s6, s5;
	v1 =	vunpack.c.0.s8.s32 v1;
	v2 =	vunpack.c.0.s8.s32 v2  }
0x9: {  	s20 =	simm.s32 $0x0;
	[smem:$0x7FF] =	sst s7;
	v3 =	vunpack.c.0.s8.s32 v3;
	v4 =	vunpack.c.0.s8.s32 v4;
	v5 =	vunpack.c.0.s8.s32 v5;
	s10 =	sshrl.u32 s6, $0x3  }
0xa: {  	s11 =	ssub.s32 $0x2, s8;
	s8 =	sadd.s32 $0x800, s9;
	s10 =	smul.u32 $0x300, s10;
	v0 =	vcombine.low v1, v0;
	v1 =	vunpack.c.0.s8.s32 v6  }
0xb: {  	s5 =	rddreg [dreg:$0x5];
	_ =	strace $0x80000047;
	s12 =	sshrl.u32 s11, $0x1;
	v2 =	vcombine.low v3, v2;
	v3 =	vcombine.low v5, v4;
	v4 =	vunpack.c.0.s8.s32 v7  }
0xc: {  	s12 =	ssub.s32 s11, s12;
	s11 =	sor.u32 $0x6000, s6;
	s31 =	sadd.s32 s10, s0;
	v0 =	vand.u32 $0xF, v0;
	v5 =	vand.u32 $0xF, v1  }
0xd: {  	s12 =	smax.u32 s12, $0x1;
	s10 =	sadd.s32 s1, s10;
	v1 =	vand.u32 $0xF, v2;
	v2 =	vand.u32 $0xF, v3;
	s9 =	sadd.s32 $0x240000, s31;
	v3 =	vcombine.low v5, v4  }
.LBB2_1:
0xe: {  	[tilespmem:s13], [sflag:$0x7] =	stream.linear.gather [hbm4b:s3+s7], $0x300, $0x38;
	[tilespmem:$0x1E600] =	vst v63  }
0xf: {  	_ =	swait.ge [sflag:s14], $0x300  }
0x10: {  	[sflag:s14] =	ssyncset.done $0x0  }
0x11: {  	[sflag:s14] =	ssyncadd.s32 $0xFFFFFD00  }
0x12: {  	[tilespmem:s15], [sflag:$0x7] =	stream.linear.gather [hbm4b:s4+s7], $0x300, $0x38;
	[tilespmem:$0x1E600] =	vst v63  }
0x13: {  	_ =	swait.ge [sflag:s14], $0x300  }
0x14: {  	[sflag:s14] =	ssyncset.done $0x0  }
0x15: {  	[sflag:s14] =	ssyncadd.s32 $0xFFFFFD00  }
0x16: {  	[tilespmem:s7], [sflag:$0x1] =	stream.linear.gather [hbm4b:s9+s7], $0x6000, $0x38;
	[tilespmem:$0x1E600] =	vst v63  }
0x17: {  	p0 =	por $0x0, $0x0;
	s22 =	simm.s32 $0x0  }
0x18: {  	[tilespmem:s16], [sflag:$0x3] =	stream.linear.gather [hbm4b:s10+s7], $0x6000, $0x38;
	[tilespmem:$0x1E600] =	vst v63  }
.LBB2_2:
0x19: {  	s21 =	sadd.s32 $0x1, s22;
	p1 =	seq.s32 s22, $0x7  }
0x1a: {  	s23 =	sshll.u32 @!p1 s21, $0x5  }
0x1b: {  	s25 =	sand.u32 @!p1 $0x1, s21;
	s24 =	sadd.s32 @!p1 s23, s11  }
0x1c: {  	s28 =	smul.u32 @!p1 $0x18000, s25;
	s24 =	sshrl.u32 @!p1 s24, $0x3  }
0x1d: {  	s26 =	smul.u32 @!p1 $0x300, s24  }
0x1e: {  	s29 =	simm.s32 @!p1 $0x0;
	s25 =	sadd.s32 @!p1 $0x1, s25;
	s24 =	sand.u32 $0x1, s22  }
0x1f: {  	s28 =	sshrl.u32 @!p1 s28, $0x2;
	s31 =	sadd.s32 $0x1, s24;
	s26 =	sadd.s32 @!p1 s0, s26  }
0x20: {  	[tilespmem:s28], [sflag:s25] =	stream.linear.gather @!p1 [hbm4b:s26+s29], $0x6000, $0x38;
	[tilespmem:$0x1E600] =	vst v63  }
0x21: {  	_ =	swait.ge [sflag:s31], $0x6000  }
0x22: {  	[sflag:s31] =	ssyncset.done $0x0  }
0x23: {  	[sflag:s31] =	ssyncadd.s32 $0xFFFFA000  }
0x24: {  	_ =	swait.ge [sflag:s17], $0x6000  }
0x25: {  	p2 =	slt.u32 s22, $0x2;
	[sflag:s17] =	ssyncset.done $0x0  }
0x26: {  	s26 =	sadd.s32 @!p2 $0x5, s24;
	[sflag:s17] =	ssyncadd.s32 $0xFFFFA000  }
0x27: {  	s25 =	simm.s32 $0x1;
	_ =	swait.ge @!p2 [sflag:s26], $0x6000  }
0x28: {  	s28 =	simm.s32 $0x0;
	s25 =	simm.s32 @!p0 $0x0;
	[sflag:s26] =	ssyncset.done @!p2 $0x0  }
0x29: {  	s25 =	sshll.u32 s25, $0x5;
	[sflag:s26] =	ssyncadd.s32 @!p2 $0xFFFFA000;
	s26 =	simm.s32 $0x0  }
.LBB2_3:
0x2a: {  	s29 =	sadd.s32 s28, s25;
	s30 =	sshrl.u32 s28, $0x3  }
0x2b: {  	s29 =	sshrl.u32 s29, $0x3;
	s30 =	smul.u32 $0x6000, s30  }
0x2c: {  	s29 =	smul.u32 $0x1800, s29  }
0x2d: {  	s31 =	sand.u32 $0x380, s26  }
0x2e: {  	s30 =	sshra.s32 s30, $0x2;
	s29 =	sor.u32 s31, s29  }
0x2f: {  	s30 =	sor.u32 s31, s30;
	v4 =	vld [tilespmem:s29+$0x0]  }
0x30: {  	v5 =	vld [tilespmem:s30+$0x18000]  }
0x31: {  	v6 =	vld [tilespmem:s29+$0x10]  }
0x32: {  	s31 =	sadd.s32 $0x18000, s30;
	v8 =	vld [tilespmem:s29+$0x20]  }
0x33: {  	v7 =	vld [tilespmem:s31+$0x10]  }
0x34: {  	v10 =	vld [tilespmem:s29+$0x30]  }
0x35: {  	v9 =	vld [tilespmem:s31+$0x20]  }
0x36: {  	v62 =	vld [tilespmem:s29+$0x50]  }
0x37: {  	v53 =	vadd.f32 v5, v4;
	v4 =	vld [tilespmem:s31+$0x30]  }
0x38: {  	v61 =	vld [tilespmem:s31+$0x40];
	v52 =	vadd.f32 v7, v6  }
0x39: {  	v5 =	vld [tilespmem:s29+$0x40];
	v60 =	vadd.f32 $0.0e+00, v53  }
0x3a: {  	v21 =	vld [tilespmem:s29+$0x400];
	v51 =	vadd.f32 v9, v8;
	v11 =	vmul.f32 v53, v53;
	v12 =	vmul.f32 v52, v52  }
0x3b: {  	v63 =	vld [tilespmem:s31+$0x50];
	v6 =	vadd.f32 v52, v60  }
0x3c: {  	v17 =	vld [tilespmem:s31+$0x60];
	v16 =	vmul.f32 v51, v51;
	v11 =	vadd.f32 v12, v11;
	v50 =	vadd.f32 v4, v10  }
0x3d: {  	v4 =	vld [tilespmem:s29+$0x60];
	v6 =	vadd.f32 v51, v6  }
0x3e: {  	v19 =	vld [tilespmem:s31+$0x70];
	v49 =	vadd.f32 v61, v5;
	v11 =	vadd.f32 v16, v11;
	v18 =	vmul.f32 v50, v50  }
0x3f: {  	v5 =	vld [tilespmem:s29+$0x70];
	v6 =	vadd.f32 v50, v6  }
0x40: {  	v28 =	vld [tilespmem:s29+$0x430];
	v48 =	vadd.f32 v63, v62;
	v20 =	vmul.f32 v49, v49;
	v11 =	vadd.f32 v18, v11  }
0x41: {  	v22 =	vld [tilespmem:s31+$0x400];
	v6 =	vadd.f32 v49, v6  }
0x42: {  	v24 =	vld [tilespmem:s31+$0x410];
	v23 =	vmul.f32 v48, v48;
	v47 =	vadd.f32 v17, v4;
	v11 =	vadd.f32 v20, v11  }
0x43: {  	v4 =	vld [tilespmem:s29+$0x410];
	v6 =	vadd.f32 v48, v6  }
0x44: {  	v26 =	vld [tilespmem:s31+$0x420];
	v45 =	vadd.f32 v19, v5;
	v25 =	vmul.f32 v47, v47;
	v11 =	vadd.f32 v23, v11  }
0x45: {  	v5 =	vld [tilespmem:s29+$0x420];
	v6 =	vadd.f32 v47, v6  }
0x46: {  	v35 =	vld [tilespmem:s29+$0x460];
	v44 =	vadd.f32 v22, v21;
	v27 =	vmul.f32 v45, v45;
	v11 =	vadd.f32 v25, v11  }
0x47: {  	v29 =	vld [tilespmem:s31+$0x430];
	v6 =	vadd.f32 v45, v6  }
0x48: {  	v31 =	vld [tilespmem:s31+$0x440];
	v30 =	vmul.f32 v44, v44;
	v43 =	vadd.f32 v24, v4;
	v11 =	vadd.f32 v27, v11  }
0x49: {  	v4 =	vld [tilespmem:s29+$0x440];
	v6 =	vadd.f32 v44, v6  }
0x4a: {  	v33 =	vld [tilespmem:s31+$0x450];
	v42 =	vadd.f32 v26, v5;
	v32 =	vmul.f32 v43, v43;
	v11 =	vadd.f32 v30, v11  }
0x4b: {  	v5 =	vld [tilespmem:s29+$0x450];
	v6 =	vadd.f32 v43, v6  }
0x4c: {  	v57 =	vld [tilespmem:s30+$0x18800];
	v41 =	vadd.f32 v29, v28;
	v34 =	vmul.f32 v42, v42;
	v11 =	vadd.f32 v32, v11  }
0x4d: {  	v46 =	vld [tilespmem:s31+$0x460];
	v6 =	vadd.f32 v42, v6  }
0x4e: {  	v55 =	vld [tilespmem:s31+$0x470];
	v54 =	vmul.f32 v41, v41;
	v40 =	vadd.f32 v31, v4;
	v11 =	vadd.f32 v34, v11  }
0x4f: {  	v4 =	vld [tilespmem:s29+$0x470];
	v6 =	vadd.f32 v41, v6  }
0x50: {  	v59 =	vld [tilespmem:s29+$0x810];
	v39 =	vadd.f32 v33, v5;
	v56 =	vmul.f32 v40, v40;
	v11 =	vadd.f32 v54, v11  }
0x51: {  	s31 =	sadd.s32 $0x18800, s30;
	v5 =	vld [tilespmem:s29+$0x800];
	v6 =	vadd.f32 v40, v6  }
0x52: {  	v37 =	vadd.f32 v46, v35;
	v62 =	vld [tilespmem:s31+$0x20];
	v58 =	vmul.f32 v39, v39;
	v11 =	vadd.f32 v56, v11  }
0x53: {  	v60 =	vld [tilespmem:s31+$0x10];
	v6 =	vadd.f32 v39, v6  }
0x54: {  	v21 =	vld [tilespmem:s31+$0x50];
	v61 =	vmul.f32 v37, v37;
	v38 =	vadd.f32 v55, v4;
	v11 =	vadd.f32 v58, v11  }
0x55: {  	v4 =	vld [tilespmem:s29+$0x820];
	v6 =	vadd.f32 v37, v6  }
0x56: {  	v16 =	vld [tilespmem:s31+$0x30];
	v36 =	vadd.f32 v57, v5;
	v63 =	vmul.f32 v38, v38;
	v11 =	vadd.f32 v61, v11  }
0x57: {  	v5 =	vld [tilespmem:s29+$0x830];
	v6 =	vadd.f32 v38, v6  }
0x58: {  	v35 =	vadd.f32 v60, v59;
	v18 =	vld [tilespmem:s29+$0x840];
	v17 =	vmul.f32 v36, v36;
	v11 =	vadd.f32 v63, v11  }
0x59: {  	v19 =	vld [tilespmem:s31+$0x40];
	v6 =	vadd.f32 v36, v6  }
0x5a: {  	v46 =	vld [tilespmem:s30+$0x18C00];
	v20 =	vmul.f32 v35, v35;
	v34 =	vadd.f32 v62, v4;
	v11 =	vadd.f32 v17, v11  }
0x5b: {  	v4 =	vld [tilespmem:s29+$0x850];
	v6 =	vadd.f32 v35, v6  }
0x5c: {  	v23 =	vld [tilespmem:s31+$0x60];
	v33 =	vadd.f32 v16, v5;
	v22 =	vmul.f32 v34, v34;
	v11 =	vadd.f32 v20, v11  }
0x5d: {  	v5 =	vld [tilespmem:s29+$0x860];
	v6 =	vadd.f32 v34, v6  }
0x5e: {  	v25 =	vld [tilespmem:s29+$0x870];
	v32 =	vadd.f32 v19, v18;
	v24 =	vmul.f32 v33, v33;
	v11 =	vadd.f32 v22, v11  }
0x5f: {  	v26 =	vld [tilespmem:s31+$0x70];
	s31 =	sadd.s32 $0x18C00, s30;
	v6 =	vadd.f32 v33, v6  }
0x60: {  	v60 =	vld [tilespmem:s31+$0x30];
	v27 =	vmul.f32 v32, v32;
	v31 =	vadd.f32 v21, v4;
	v11 =	vadd.f32 v24, v11  }
0x61: {  	v4 =	vld [tilespmem:s29+$0xC00];
	v6 =	vadd.f32 v32, v6  }
0x62: {  	v55 =	vld [tilespmem:s31+$0x10];
	v29 =	vadd.f32 v23, v5;
	v54 =	vmul.f32 v31, v31;
	v11 =	vadd.f32 v27, v11  }
0x63: {  	v5 =	vld [tilespmem:s29+$0xC10];
	v6 =	vadd.f32 v31, v6  }
0x64: {  	v30 =	vadd.f32 v26, v25;
	v57 =	vld [tilespmem:s29+$0xC20];
	v56 =	vmul.f32 v29, v29;
	v11 =	vadd.f32 v54, v11  }
0x65: {  	v58 =	vld [tilespmem:s31+$0x20];
	v6 =	vadd.f32 v29, v6  }
0x66: {  	v19 =	vld [tilespmem:s31+$0x60];
	v59 =	vmul.f32 v30, v30;
	v28 =	vadd.f32 v46, v4;
	v11 =	vadd.f32 v56, v11  }
0x67: {  	v4 =	vld [tilespmem:s29+$0xC30];
	v6 =	vadd.f32 v30, v6  }
0x68: {  	v62 =	vld [tilespmem:s31+$0x40];
	v61 =	vmul.f32 v28, v28;
	v27 =	vadd.f32 v55, v5;
	v11 =	vadd.f32 v59, v11  }
0x69: {  	v5 =	vld [tilespmem:s29+$0xC40];
	v6 =	vadd.f32 v28, v6  }
0x6a: {  	v16 =	vld [tilespmem:s29+$0xC50];
	v26 =	vadd.f32 v58, v57;
	v63 =	vmul.f32 v27, v27;
	v11 =	vadd.f32 v61, v11  }
0x6b: {  	v17 =	vld [tilespmem:s31+$0x50];
	v6 =	vadd.f32 v27, v6  }
0x6c: {  	v18 =	vmul.f32 v26, v26;
	v46 =	vld [tilespmem:s31+$0x70];
	v25 =	vadd.f32 v60, v4;
	v11 =	vadd.f32 v63, v11  }
0x6d: {  	s31 =	sadd.s32 $0x19000, s30;
	v4 =	vld [tilespmem:s29+$0xC60];
	v6 =	vadd.f32 v26, v6  }
0x6e: {  	v58 =	vld [tilespmem:s31+$0x10];
	v24 =	vmul.f32 v25, v25;
	v23 =	vadd.f32 v62, v5;
	v11 =	vadd.f32 v18, v11  }
0x6f: {  	v5 =	vld [tilespmem:s29+$0xC70];
	v6 =	vadd.f32 v25, v6  }
0x70: {  	v22 =	vadd.f32 v17, v16;
	v55 =	vld [tilespmem:s29+$0x1000];
	v54 =	vmul.f32 v23, v23;
	v11 =	vadd.f32 v24, v11  }
0x71: {  	v56 =	vld [tilespmem:s30+$0x19000];
	v6 =	vadd.f32 v23, v6  }
0x72: {  	v57 =	vmul.f32 v22, v22;
	v60 =	vld [tilespmem:s31+$0x20];
	v20 =	vadd.f32 v19, v4;
	v11 =	vadd.f32 v54, v11  }
0x73: {  	v4 =	vld [tilespmem:s29+$0x1010];
	v6 =	vadd.f32 v22, v6  }
0x74: {  	v62 =	vld [tilespmem:s29+$0x1030];
	v59 =	vmul.f32 v20, v20;
	v21 =	vadd.f32 v46, v5;
	v11 =	vadd.f32 v57, v11  }
0x75: {  	v5 =	vld [tilespmem:s29+$0x1020];
	v6 =	vadd.f32 v20, v6  }
0x76: {  	v19 =	vadd.f32 v56, v55;
	v55 =	vld [tilespmem:s31+$0x50];
	v61 =	vmul.f32 v21, v21;
	v11 =	vadd.f32 v59, v11  }
0x77: {  	v63 =	vld [tilespmem:s31+$0x30];
	v6 =	vadd.f32 v21, v6  }
0x78: {  	v46 =	vld [tilespmem:s31+$0x40];
	v18 =	vadd.f32 v58, v4;
	v24 =	vmul.f32 v19, v19;
	v11 =	vadd.f32 v61, v11  }
0x79: {  	v4 =	vld [tilespmem:s29+$0x1040];
	v6 =	vadd.f32 v19, v6  }
0x7a: {  	v58 =	vld [tilespmem:s31+$0x60];
	v17 =	vadd.f32 v60, v5;
	v54 =	vmul.f32 v18, v18;
	v11 =	vadd.f32 v24, v11  }
0x7b: {  	v5 =	vld [tilespmem:s29+$0x1050];
	v6 =	vadd.f32 v18, v6  }
0x7c: {  	v16 =	vadd.f32 v63, v62;
	v60 =	vld [tilespmem:s31+$0x70];
	v56 =	vmul.f32 v17, v17;
	v11 =	vadd.f32 v54, v11  }
0x7d: {  	v57 =	vld [tilespmem:s29+$0x1060];
	v6 =	vadd.f32 v17, v6  }
0x7e: {  	v62 =	vld [tilespmem:s30+$0x19400];
	v15 =	vadd.f32 v46, v4;
	v59 =	vmul.f32 v16, v16;
	v11 =	vadd.f32 v56, v11  }
0x7f: {  	v4 =	vld [tilespmem:s29+$0x1070];
	v6 =	vadd.f32 v16, v6  }
0x80: {  	v63 =	vld [tilespmem:s29+$0x1410];
	v14 =	vadd.f32 v55, v5;
	v61 =	vmul.f32 v15, v15;
	v11 =	vadd.f32 v59, v11  }
0x81: {  	s30 =	sadd.s32 $0x19400, s30;
	v5 =	vld [tilespmem:s29+$0x1400];
	v6 =	vadd.f32 v15, v6  }
0x82: {  	v7 =	vld [tilespmem:s30+$0x30];
	v13 =	vmul.f32 v14, v14;
	v12 =	vadd.f32 v58, v57;
	v11 =	vadd.f32 v61, v11  }
0x83: {  	v57 =	vld [tilespmem:s30+$0x10];
	v6 =	vadd.f32 v14, v6  }
0x84: {  	v46 =	vld [tilespmem:s30+$0x20];
	v24 =	vmul.f32 v12, v12;
	v11 =	vadd.f32 v13, v11;
	v13 =	vadd.f32 v60, v4  }
0x85: {  	v4 =	vld [tilespmem:s29+$0x1420];
	v6 =	vadd.f32 v12, v6  }
0x86: {  	v55 =	vld [tilespmem:s29+$0x1440];
	v58 =	vadd.f32 v24, v11;
	v59 =	vmul.f32 v13, v13;
	v11 =	vadd.f32 v62, v5  }
0x87: {  	v56 =	vld [tilespmem:s30+$0x40];
	v6 =	vadd.f32 v13, v6  }
0x88: {  	v10 =	vadd.f32 v57, v63;
	v5 =	vld [tilespmem:s29+$0x1430];
	v24 =	vadd.f32 v59, v58;
	v54 =	vmul.f32 v11, v11  }
0x89: {  	v62 =	vld [tilespmem:s30+$0x50];
	v6 =	vadd.f32 v11, v6  }
0x8a: {  	v61 =	vmul.f32 v10, v10;
	v9 =	vadd.f32 v46, v4;
	v4 =	vld [tilespmem:s29+$0x1450];
	v60 =	vadd.f32 v54, v24  }
0x8b: {  	v6 =	vadd.f32 v10, v6  }
0x8c: {  	v57 =	vld [tilespmem:s29+$0x1460];
	v63 =	vmul.f32 v9, v9;
	v24 =	vadd.f32 v61, v60  }
0x8d: {  	v8 =	vadd.f32 v7, v5;
	v60 =	vld [tilespmem:s30+$0x60];
	v5 =	vadd.f32 v9, v6  }
0x8e: {  	v7 =	vadd.f32 v56, v55;
	v61 =	vld [tilespmem:s29+$0x1470];
	v58 =	vadd.f32 v63, v24  }
0x8f: {  	v59 =	vmul.f32 v8, v8;
	v6 =	vadd.f32 v62, v4;
	v4 =	vld [tilespmem:s30+$0x70];
	v5 =	vadd.f32 v8, v5;
	_ =	sdelay $0x1  }
0x90: {  	v56 =	vmul.f32 v7, v7;
	v24 =	vadd.f32 v59, v58;
	v62 =	vadd.f32 v7, v5  }
0x91: {  	v5 =	vadd.f32 v60, v57  }
0x92: {  	v63 =	vmul.f32 v6, v6;
	v24 =	vadd.f32 v56, v24;
	v46 =	vadd.f32 v6, v62  }
0x93: {  	v4 =	vadd.f32 v4, v61  }
0x94: {  	v54 =	vmul.f32 v5, v5;
	v24 =	vadd.f32 v63, v24;
	v46 =	vadd.f32 v5, v46;
	_ =	sdelay $0x1  }
0x95: {  	v60 =	vmul.f32 v4, v4;
	v24 =	vadd.f32 v54, v24;
	v46 =	vadd.f32 v4, v46;
	_ =	sdelay $0x1  }
0x96: {  	v24 =	vadd.f32 v60, v24;
	v61 =	vperm.xlane v46, v0;
	_ =	sdelay $0x1  }
0x97: {  	v62 =	vperm.xlane v24, v0;
	v46 =	vadd.f32 v46, v61;
	_ =	sdelay $0x1  }
0x98: {  	v24 =	vadd.f32 v62, v24;
	v63 =	vperm.xlane v46, v1;
	_ =	sdelay $0x1  }
0x99: {  	v54 =	vperm.xlane v24, v1;
	v46 =	vadd.f32 v46, v63;
	_ =	sdelay $0x1  }
0x9a: {  	v24 =	vadd.f32 v54, v24;
	v55 =	vperm.xlane v46, v2;
	_ =	sdelay $0x1  }
0x9b: {  	v54 =	vperm.xlane v24, v2;
	v46 =	vadd.f32 v46, v55;
	_ =	sdelay $0x1  }
0x9c: {  	v54 =	vadd.f32 v54, v24;
	v55 =	vperm.xlane v46, v3;
	_ =	sdelay $0x1  }
0x9d: {  	v58 =	vperm.xlane v54, v3;
	v57 =	vadd.f32 v46, v55;
	_ =	sdelay $0x1  }
0x9e: {  	v46 =	vadd.f32 v58, v54;
	v24 =	vmul.f32 $1.302083370e-03, v57;
	_ =	sdelay $0x1  }
0x9f: {  	v46 =	vmul.f32 $1.302083370e-03, v46;
	v59 =	vmul.f32 v24, v24;
	_ =	sdelay $0x1  }
0xa0: {  	v46 =	vsub.f32 v46, v59;
	_ =	sdelay $0x1  }
0xa1: {  	v46 =	vadd.f32 $9.999999740e-06, v46;
	_ =	sdelay $0x1  }
0xa2: {  	v60 =	vshrl.u32 v46, $0x1;
	v46 =	vmul.f32 $5.000000000e-01, v46  }
0xa3: {  	v54 =	vsub.s32 $0x5F3759DF, v60  }
0xa4: {  	v61 =	vmul.f32 v54, v46;
	_ =	sdelay $0x1  }
0xa5: {  	v55 =	vmul.f32 v54, v61;
	_ =	sdelay $0x1  }
0xa6: {  	v55 =	vsub.f32 $1.500000000e+00, v55;
	_ =	sdelay $0x1  }
0xa7: {  	v54 =	vmul.f32 v54, v55;
	_ =	sdelay $0x1  }
0xa8: {  	v55 =	vmul.f32 v54, v46;
	_ =	sdelay $0x1  }
0xa9: {  	v55 =	vmul.f32 v55, v54;
	_ =	sdelay $0x1  }
0xaa: {  	v55 =	vsub.f32 $1.500000000e+00, v55;
	_ =	sdelay $0x1  }
0xab: {  	v54 =	vmul.f32 v55, v54;
	_ =	sdelay $0x1  }
0xac: {  	v46 =	vmul.f32 v54, v46;
	_ =	sdelay $0x1  }
0xad: {  	v46 =	vmul.f32 v46, v54;
	_ =	sdelay $0x1  }
0xae: {  	v46 =	vsub.f32 $1.500000000e+00, v46  }
0xaf: {  	v62 =	vld [tilespmem:$0x1E000]  }
0xb0: {  	v53 =	vsub.f32 v53, v24;
	v46 =	vmul.f32 v46, v54  }
0xb1: {  	v63 =	vld [tilespmem:$0x1E300]  }
0xb2: {  	v53 =	vmul.f32 v46, v53;
	_ =	sdelay $0x1  }
0xb3: {  	v53 =	vmul.f32 v53, v62;
	_ =	sdelay $0x1  }
0xb4: {  	v53 =	vadd.f32 v53, v63;
	_ =	sdelay $0x1  }
0xb5: {  	[tilespmem:s29+$0xC000] =	vst v53  }
0xb6: {  	v53 =	vld [tilespmem:$0x1E010]  }
0xb7: {  	v52 =	vsub.f32 v52, v24  }
0xb8: {  	v57 =	vld [tilespmem:$0x1E310]  }
0xb9: {  	v52 =	vmul.f32 v46, v52;
	_ =	sdelay $0x1  }
0xba: {  	v52 =	vmul.f32 v52, v53;
	_ =	sdelay $0x1  }
0xbb: {  	v52 =	vadd.f32 v52, v57;
	_ =	sdelay $0x1  }
0xbc: {  	[tilespmem:s29+$0xC010] =	vst v52  }
0xbd: {  	v52 =	vld [tilespmem:$0x1E020]  }
0xbe: {  	v51 =	vsub.f32 v51, v24  }
0xbf: {  	v58 =	vld [tilespmem:$0x1E320]  }
0xc0: {  	v51 =	vmul.f32 v46, v51;
	_ =	sdelay $0x1  }
0xc1: {  	v51 =	vmul.f32 v51, v52;
	_ =	sdelay $0x1  }
0xc2: {  	v51 =	vadd.f32 v51, v58;
	_ =	sdelay $0x1  }
0xc3: {  	[tilespmem:s29+$0xC020] =	vst v51  }
0xc4: {  	v51 =	vld [tilespmem:$0x1E030]  }
0xc5: {  	v50 =	vsub.f32 v50, v24  }
0xc6: {  	v59 =	vld [tilespmem:$0x1E330]  }
0xc7: {  	v50 =	vmul.f32 v46, v50;
	_ =	sdelay $0x1  }
0xc8: {  	v50 =	vmul.f32 v50, v51;
	_ =	sdelay $0x1  }
0xc9: {  	v50 =	vadd.f32 v50, v59;
	_ =	sdelay $0x1  }
0xca: {  	[tilespmem:s29+$0xC030] =	vst v50  }
0xcb: {  	v50 =	vld [tilespmem:$0x1E040]  }
0xcc: {  	v49 =	vsub.f32 v49, v24  }
0xcd: {  	v60 =	vld [tilespmem:$0x1E340]  }
0xce: {  	v49 =	vmul.f32 v46, v49;
	_ =	sdelay $0x1  }
0xcf: {  	v49 =	vmul.f32 v49, v50;
	_ =	sdelay $0x1  }
0xd0: {  	v49 =	vadd.f32 v49, v60;
	_ =	sdelay $0x1  }
0xd1: {  	[tilespmem:s29+$0xC040] =	vst v49  }
0xd2: {  	v49 =	vld [tilespmem:$0x1E050]  }
0xd3: {  	v48 =	vsub.f32 v48, v24  }
0xd4: {  	v61 =	vld [tilespmem:$0x1E350]  }
0xd5: {  	v48 =	vmul.f32 v46, v48;
	_ =	sdelay $0x1  }
0xd6: {  	v48 =	vmul.f32 v48, v49;
	_ =	sdelay $0x1  }
0xd7: {  	v48 =	vadd.f32 v48, v61;
	_ =	sdelay $0x1  }
0xd8: {  	[tilespmem:s29+$0xC050] =	vst v48  }
0xd9: {  	v48 =	vld [tilespmem:$0x1E060]  }
0xda: {  	v47 =	vsub.f32 v47, v24  }
0xdb: {  	v62 =	vld [tilespmem:$0x1E360]  }
0xdc: {  	v47 =	vmul.f32 v46, v47;
	_ =	sdelay $0x1  }
0xdd: {  	v47 =	vmul.f32 v47, v48;
	_ =	sdelay $0x1  }
0xde: {  	v47 =	vadd.f32 v47, v62;
	_ =	sdelay $0x1  }
0xdf: {  	[tilespmem:s29+$0xC060] =	vst v47  }
0xe0: {  	v47 =	vld [tilespmem:$0x1E070]  }
0xe1: {  	v45 =	vsub.f32 v45, v24  }
0xe2: {  	v63 =	vld [tilespmem:$0x1E370]  }
0xe3: {  	v45 =	vmul.f32 v46, v45;
	_ =	sdelay $0x1  }
0xe4: {  	v45 =	vmul.f32 v47, v45;
	_ =	sdelay $0x1  }
0xe5: {  	v45 =	vadd.f32 v63, v45;
	_ =	sdelay $0x1  }
0xe6: {  	[tilespmem:s29+$0xC070] =	vst v45  }
0xe7: {  	v45 =	vld [tilespmem:$0x1E080]  }
0xe8: {  	v44 =	vsub.f32 v44, v24  }
0xe9: {  	v51 =	vld [tilespmem:$0x1E380]  }
0xea: {  	v44 =	vmul.f32 v46, v44;
	_ =	sdelay $0x1  }
0xeb: {  	v44 =	vmul.f32 v45, v44;
	_ =	sdelay $0x1  }
0xec: {  	v44 =	vadd.f32 v51, v44;
	_ =	sdelay $0x1  }
0xed: {  	[tilespmem:s29+$0xC400] =	vst v44  }
0xee: {  	v44 =	vld [tilespmem:$0x1E090]  }
0xef: {  	v43 =	vsub.f32 v43, v24  }
0xf0: {  	v52 =	vld [tilespmem:$0x1E390]  }
0xf1: {  	v43 =	vmul.f32 v46, v43;
	_ =	sdelay $0x1  }
0xf2: {  	v43 =	vmul.f32 v44, v43;
	_ =	sdelay $0x1  }
0xf3: {  	v43 =	vadd.f32 v52, v43;
	_ =	sdelay $0x1  }
0xf4: {  	[tilespmem:s29+$0xC410] =	vst v43  }
0xf5: {  	v43 =	vld [tilespmem:$0x1E0A0]  }
0xf6: {  	v42 =	vsub.f32 v42, v24  }
0xf7: {  	v53 =	vld [tilespmem:$0x1E3A0]  }
0xf8: {  	v42 =	vmul.f32 v46, v42;
	_ =	sdelay $0x1  }
0xf9: {  	v42 =	vmul.f32 v43, v42;
	_ =	sdelay $0x1  }
0xfa: {  	v42 =	vadd.f32 v53, v42;
	_ =	sdelay $0x1  }
0xfb: {  	[tilespmem:s29+$0xC420] =	vst v42  }
0xfc: {  	v42 =	vld [tilespmem:$0x1E0B0]  }
0xfd: {  	v41 =	vsub.f32 v41, v24  }
0xfe: {  	v54 =	vld [tilespmem:$0x1E3B0]  }
0xff: {  	v41 =	vmul.f32 v46, v41;
	_ =	sdelay $0x1  }
0x100: {  	v41 =	vmul.f32 v42, v41;
	_ =	sdelay $0x1  }
0x101: {  	v41 =	vadd.f32 v54, v41;
	_ =	sdelay $0x1  }
0x102: {  	[tilespmem:s29+$0xC430] =	vst v41  }
0x103: {  	v41 =	vld [tilespmem:$0x1E0C0]  }
0x104: {  	v40 =	vsub.f32 v40, v24  }
0x105: {  	v55 =	vld [tilespmem:$0x1E3C0]  }
0x106: {  	v40 =	vmul.f32 v46, v40;
	_ =	sdelay $0x1  }
0x107: {  	v40 =	vmul.f32 v41, v40;
	_ =	sdelay $0x1  }
0x108: {  	v40 =	vadd.f32 v55, v40;
	_ =	sdelay $0x1  }
0x109: {  	[tilespmem:s29+$0xC440] =	vst v40  }
0x10a: {  	v40 =	vld [tilespmem:$0x1E0D0]  }
0x10b: {  	v39 =	vsub.f32 v39, v24  }
0x10c: {  	v56 =	vld [tilespmem:$0x1E3D0]  }
0x10d: {  	v39 =	vmul.f32 v46, v39;
	_ =	sdelay $0x1  }
0x10e: {  	v39 =	vmul.f32 v40, v39;
	_ =	sdelay $0x1  }
0x10f: {  	v39 =	vadd.f32 v56, v39;
	_ =	sdelay $0x1  }
0x110: {  	[tilespmem:s29+$0xC450] =	vst v39  }
0x111: {  	v39 =	vld [tilespmem:$0x1E0E0]  }
0x112: {  	v37 =	vsub.f32 v37, v24  }
0x113: {  	v57 =	vld [tilespmem:$0x1E3E0]  }
0x114: {  	v37 =	vmul.f32 v46, v37;
	_ =	sdelay $0x1  }
0x115: {  	v37 =	vmul.f32 v39, v37;
	_ =	sdelay $0x1  }
0x116: {  	v37 =	vadd.f32 v57, v37;
	_ =	sdelay $0x1  }
0x117: {  	[tilespmem:s29+$0xC460] =	vst v37  }
0x118: {  	v37 =	vld [tilespmem:$0x1E0F0]  }
0x119: {  	v38 =	vsub.f32 v38, v24  }
0x11a: {  	v58 =	vld [tilespmem:$0x1E3F0]  }
0x11b: {  	v38 =	vmul.f32 v46, v38;
	_ =	sdelay $0x1  }
0x11c: {  	v37 =	vmul.f32 v37, v38;
	_ =	sdelay $0x1  }
0x11d: {  	v37 =	vadd.f32 v58, v37;
	_ =	sdelay $0x1  }
0x11e: {  	[tilespmem:s29+$0xC470] =	vst v37  }
0x11f: {  	v37 =	vld [tilespmem:$0x1E100]  }
0x120: {  	v36 =	vsub.f32 v36, v24  }
0x121: {  	v59 =	vld [tilespmem:$0x1E400]  }
0x122: {  	v36 =	vmul.f32 v46, v36;
	_ =	sdelay $0x1  }
0x123: {  	v36 =	vmul.f32 v37, v36;
	_ =	sdelay $0x1  }
0x124: {  	v36 =	vadd.f32 v59, v36;
	_ =	sdelay $0x1  }
0x125: {  	[tilespmem:s29+$0xC800] =	vst v36  }
0x126: {  	v36 =	vld [tilespmem:$0x1E110]  }
0x127: {  	v35 =	vsub.f32 v35, v24  }
0x128: {  	v60 =	vld [tilespmem:$0x1E410]  }
0x129: {  	v35 =	vmul.f32 v46, v35;
	_ =	sdelay $0x1  }
0x12a: {  	v35 =	vmul.f32 v36, v35;
	_ =	sdelay $0x1  }
0x12b: {  	v35 =	vadd.f32 v60, v35;
	_ =	sdelay $0x1  }
0x12c: {  	[tilespmem:s29+$0xC810] =	vst v35  }
0x12d: {  	v35 =	vld [tilespmem:$0x1E120]  }
0x12e: {  	v34 =	vsub.f32 v34, v24  }
0x12f: {  	v61 =	vld [tilespmem:$0x1E420]  }
0x130: {  	v34 =	vmul.f32 v46, v34;
	_ =	sdelay $0x1  }
0x131: {  	v34 =	vmul.f32 v35, v34;
	_ =	sdelay $0x1  }
0x132: {  	v34 =	vadd.f32 v61, v34;
	_ =	sdelay $0x1  }
0x133: {  	[tilespmem:s29+$0xC820] =	vst v34  }
0x134: {  	v34 =	vld [tilespmem:$0x1E130]  }
0x135: {  	v33 =	vsub.f32 v33, v24  }
0x136: {  	v62 =	vld [tilespmem:$0x1E430]  }
0x137: {  	v33 =	vmul.f32 v46, v33;
	_ =	sdelay $0x1  }
0x138: {  	v33 =	vmul.f32 v34, v33;
	_ =	sdelay $0x1  }
0x139: {  	v33 =	vadd.f32 v62, v33;
	_ =	sdelay $0x1  }
0x13a: {  	[tilespmem:s29+$0xC830] =	vst v33  }
0x13b: {  	v33 =	vld [tilespmem:$0x1E140]  }
0x13c: {  	v32 =	vsub.f32 v32, v24  }
0x13d: {  	v63 =	vld [tilespmem:$0x1E440]  }
0x13e: {  	v32 =	vmul.f32 v46, v32;
	_ =	sdelay $0x1  }
0x13f: {  	v32 =	vmul.f32 v33, v32;
	_ =	sdelay $0x1  }
0x140: {  	v32 =	vadd.f32 v63, v32;
	_ =	sdelay $0x1  }
0x141: {  	[tilespmem:s29+$0xC840] =	vst v32  }
0x142: {  	v32 =	vld [tilespmem:$0x1E150]  }
0x143: {  	v31 =	vsub.f32 v31, v24  }
0x144: {  	v36 =	vld [tilespmem:$0x1E450]  }
0x145: {  	v31 =	vmul.f32 v46, v31;
	_ =	sdelay $0x1  }
0x146: {  	v31 =	vmul.f32 v32, v31;
	_ =	sdelay $0x1  }
0x147: {  	v31 =	vadd.f32 v36, v31;
	_ =	sdelay $0x1  }
0x148: {  	[tilespmem:s29+$0xC850] =	vst v31  }
0x149: {  	v31 =	vld [tilespmem:$0x1E160]  }
0x14a: {  	v29 =	vsub.f32 v29, v24  }
0x14b: {  	v37 =	vld [tilespmem:$0x1E460]  }
0x14c: {  	v29 =	vmul.f32 v46, v29;
	_ =	sdelay $0x1  }
0x14d: {  	v29 =	vmul.f32 v31, v29;
	_ =	sdelay $0x1  }
0x14e: {  	v29 =	vadd.f32 v37, v29;
	_ =	sdelay $0x1  }
0x14f: {  	[tilespmem:s29+$0xC860] =	vst v29  }
0x150: {  	v29 =	vld [tilespmem:$0x1E170]  }
0x151: {  	v30 =	vsub.f32 v30, v24  }
0x152: {  	v38 =	vld [tilespmem:$0x1E470]  }
0x153: {  	v30 =	vmul.f32 v46, v30;
	_ =	sdelay $0x1  }
0x154: {  	v29 =	vmul.f32 v29, v30;
	_ =	sdelay $0x1  }
0x155: {  	v29 =	vadd.f32 v38, v29;
	_ =	sdelay $0x1  }
0x156: {  	[tilespmem:s29+$0xC870] =	vst v29  }
0x157: {  	v29 =	vld [tilespmem:$0x1E180]  }
0x158: {  	v28 =	vsub.f32 v28, v24  }
0x159: {  	v39 =	vld [tilespmem:$0x1E480]  }
0x15a: {  	v28 =	vmul.f32 v46, v28;
	_ =	sdelay $0x1  }
0x15b: {  	v28 =	vmul.f32 v29, v28;
	_ =	sdelay $0x1  }
0x15c: {  	v28 =	vadd.f32 v39, v28;
	_ =	sdelay $0x1  }
0x15d: {  	[tilespmem:s29+$0xCC00] =	vst v28  }
0x15e: {  	v28 =	vld [tilespmem:$0x1E190]  }
0x15f: {  	v27 =	vsub.f32 v27, v24  }
0x160: {  	v40 =	vld [tilespmem:$0x1E490]  }
0x161: {  	v27 =	vmul.f32 v46, v27;
	_ =	sdelay $0x1  }
0x162: {  	v27 =	vmul.f32 v28, v27;
	_ =	sdelay $0x1  }
0x163: {  	v27 =	vadd.f32 v40, v27;
	_ =	sdelay $0x1  }
0x164: {  	[tilespmem:s29+$0xCC10] =	vst v27  }
0x165: {  	v27 =	vld [tilespmem:$0x1E1A0]  }
0x166: {  	v26 =	vsub.f32 v26, v24  }
0x167: {  	v41 =	vld [tilespmem:$0x1E4A0]  }
0x168: {  	v26 =	vmul.f32 v46, v26;
	_ =	sdelay $0x1  }
0x169: {  	v26 =	vmul.f32 v27, v26;
	_ =	sdelay $0x1  }
0x16a: {  	v26 =	vadd.f32 v41, v26;
	_ =	sdelay $0x1  }
0x16b: {  	[tilespmem:s29+$0xCC20] =	vst v26  }
0x16c: {  	v26 =	vld [tilespmem:$0x1E1B0]  }
0x16d: {  	v25 =	vsub.f32 v25, v24  }
0x16e: {  	v42 =	vld [tilespmem:$0x1E4B0]  }
0x16f: {  	v25 =	vmul.f32 v46, v25;
	_ =	sdelay $0x1  }
0x170: {  	v25 =	vmul.f32 v26, v25;
	_ =	sdelay $0x1  }
0x171: {  	v25 =	vadd.f32 v42, v25;
	_ =	sdelay $0x1  }
0x172: {  	[tilespmem:s29+$0xCC30] =	vst v25  }
0x173: {  	v25 =	vld [tilespmem:$0x1E1C0]  }
0x174: {  	v23 =	vsub.f32 v23, v24  }
0x175: {  	v43 =	vld [tilespmem:$0x1E4C0]  }
0x176: {  	v23 =	vmul.f32 v46, v23;
	_ =	sdelay $0x1  }
0x177: {  	v23 =	vmul.f32 v25, v23;
	_ =	sdelay $0x1  }
0x178: {  	v23 =	vadd.f32 v43, v23;
	_ =	sdelay $0x1  }
0x179: {  	[tilespmem:s29+$0xCC40] =	vst v23  }
0x17a: {  	v23 =	vld [tilespmem:$0x1E1D0]  }
0x17b: {  	v22 =	vsub.f32 v22, v24  }
0x17c: {  	v44 =	vld [tilespmem:$0x1E4D0]  }
0x17d: {  	v22 =	vmul.f32 v46, v22;
	_ =	sdelay $0x1  }
0x17e: {  	v22 =	vmul.f32 v23, v22;
	_ =	sdelay $0x1  }
0x17f: {  	v22 =	vadd.f32 v44, v22;
	_ =	sdelay $0x1  }
0x180: {  	[tilespmem:s29+$0xCC50] =	vst v22  }
0x181: {  	v22 =	vld [tilespmem:$0x1E1E0]  }
0x182: {  	v20 =	vsub.f32 v20, v24  }
0x183: {  	v45 =	vld [tilespmem:$0x1E4E0]  }
0x184: {  	v20 =	vmul.f32 v46, v20;
	_ =	sdelay $0x1  }
0x185: {  	v20 =	vmul.f32 v22, v20;
	_ =	sdelay $0x1  }
0x186: {  	v20 =	vadd.f32 v45, v20;
	_ =	sdelay $0x1  }
0x187: {  	[tilespmem:s29+$0xCC60] =	vst v20  }
0x188: {  	v20 =	vld [tilespmem:$0x1E1F0]  }
0x189: {  	v21 =	vsub.f32 v21, v24  }
0x18a: {  	v47 =	vld [tilespmem:$0x1E4F0]  }
0x18b: {  	v21 =	vmul.f32 v46, v21;
	_ =	sdelay $0x1  }
0x18c: {  	v20 =	vmul.f32 v20, v21;
	_ =	sdelay $0x1  }
0x18d: {  	v20 =	vadd.f32 v47, v20;
	_ =	sdelay $0x1  }
0x18e: {  	[tilespmem:s29+$0xCC70] =	vst v20  }
0x18f: {  	v20 =	vld [tilespmem:$0x1E200]  }
0x190: {  	v19 =	vsub.f32 v19, v24  }
0x191: {  	v48 =	vld [tilespmem:$0x1E500]  }
0x192: {  	v19 =	vmul.f32 v46, v19;
	_ =	sdelay $0x1  }
0x193: {  	v19 =	vmul.f32 v20, v19;
	_ =	sdelay $0x1  }
0x194: {  	v19 =	vadd.f32 v48, v19;
	_ =	sdelay $0x1  }
0x195: {  	[tilespmem:s29+$0xD000] =	vst v19  }
0x196: {  	v19 =	vld [tilespmem:$0x1E210]  }
0x197: {  	v18 =	vsub.f32 v18, v24  }
0x198: {  	v49 =	vld [tilespmem:$0x1E510]  }
0x199: {  	v18 =	vmul.f32 v46, v18;
	_ =	sdelay $0x1  }
0x19a: {  	v18 =	vmul.f32 v19, v18;
	_ =	sdelay $0x1  }
0x19b: {  	v18 =	vadd.f32 v49, v18;
	_ =	sdelay $0x1  }
0x19c: {  	[tilespmem:s29+$0xD010] =	vst v18  }
0x19d: {  	v18 =	vld [tilespmem:$0x1E220]  }
0x19e: {  	v17 =	vsub.f32 v17, v24  }
0x19f: {  	v50 =	vld [tilespmem:$0x1E520]  }
0x1a0: {  	v17 =	vmul.f32 v46, v17;
	_ =	sdelay $0x1  }
0x1a1: {  	v17 =	vmul.f32 v18, v17;
	_ =	sdelay $0x1  }
0x1a2: {  	v17 =	vadd.f32 v50, v17;
	_ =	sdelay $0x1  }
0x1a3: {  	[tilespmem:s29+$0xD020] =	vst v17  }
0x1a4: {  	v17 =	vld [tilespmem:$0x1E230]  }
0x1a5: {  	v16 =	vsub.f32 v16, v24  }
0x1a6: {  	v51 =	vld [tilespmem:$0x1E530]  }
0x1a7: {  	v16 =	vmul.f32 v46, v16;
	_ =	sdelay $0x1  }
0x1a8: {  	v16 =	vmul.f32 v17, v16;
	_ =	sdelay $0x1  }
0x1a9: {  	v16 =	vadd.f32 v51, v16;
	_ =	sdelay $0x1  }
0x1aa: {  	[tilespmem:s29+$0xD030] =	vst v16  }
0x1ab: {  	v16 =	vld [tilespmem:$0x1E240]  }
0x1ac: {  	v15 =	vsub.f32 v15, v24  }
0x1ad: {  	v52 =	vld [tilespmem:$0x1E540]  }
0x1ae: {  	v15 =	vmul.f32 v46, v15;
	_ =	sdelay $0x1  }
0x1af: {  	v15 =	vmul.f32 v16, v15;
	_ =	sdelay $0x1  }
0x1b0: {  	v15 =	vadd.f32 v52, v15;
	_ =	sdelay $0x1  }
0x1b1: {  	[tilespmem:s29+$0xD040] =	vst v15  }
0x1b2: {  	v15 =	vld [tilespmem:$0x1E250]  }
0x1b3: {  	v14 =	vsub.f32 v14, v24  }
0x1b4: {  	v53 =	vld [tilespmem:$0x1E550]  }
0x1b5: {  	v14 =	vmul.f32 v46, v14;
	_ =	sdelay $0x1  }
0x1b6: {  	v14 =	vmul.f32 v15, v14;
	_ =	sdelay $0x1  }
0x1b7: {  	v14 =	vadd.f32 v53, v14;
	_ =	sdelay $0x1  }
0x1b8: {  	[tilespmem:s29+$0xD050] =	vst v14  }
0x1b9: {  	v14 =	vld [tilespmem:$0x1E260]  }
0x1ba: {  	v12 =	vsub.f32 v12, v24  }
0x1bb: {  	v54 =	vld [tilespmem:$0x1E560]  }
0x1bc: {  	v12 =	vmul.f32 v46, v12;
	_ =	sdelay $0x1  }
0x1bd: {  	v12 =	vmul.f32 v14, v12;
	_ =	sdelay $0x1  }
0x1be: {  	v12 =	vadd.f32 v54, v12;
	_ =	sdelay $0x1  }
0x1bf: {  	[tilespmem:s29+$0xD060] =	vst v12  }
0x1c0: {  	v12 =	vld [tilespmem:$0x1E270]  }
0x1c1: {  	v13 =	vsub.f32 v13, v24  }
0x1c2: {  	v55 =	vld [tilespmem:$0x1E570]  }
0x1c3: {  	v13 =	vmul.f32 v46, v13;
	_ =	sdelay $0x1  }
0x1c4: {  	v12 =	vmul.f32 v12, v13;
	_ =	sdelay $0x1  }
0x1c5: {  	v12 =	vadd.f32 v55, v12;
	_ =	sdelay $0x1  }
0x1c6: {  	[tilespmem:s29+$0xD070] =	vst v12  }
0x1c7: {  	v12 =	vld [tilespmem:$0x1E280]  }
0x1c8: {  	v11 =	vsub.f32 v11, v24  }
0x1c9: {  	v56 =	vld [tilespmem:$0x1E580]  }
0x1ca: {  	v11 =	vmul.f32 v46, v11;
	_ =	sdelay $0x1  }
0x1cb: {  	v11 =	vmul.f32 v12, v11;
	_ =	sdelay $0x1  }
0x1cc: {  	v11 =	vadd.f32 v56, v11;
	_ =	sdelay $0x1  }
0x1cd: {  	[tilespmem:s29+$0xD400] =	vst v11  }
0x1ce: {  	v11 =	vld [tilespmem:$0x1E290]  }
0x1cf: {  	v10 =	vsub.f32 v10, v24  }
0x1d0: {  	v57 =	vld [tilespmem:$0x1E590]  }
0x1d1: {  	v10 =	vmul.f32 v46, v10;
	_ =	sdelay $0x1  }
0x1d2: {  	v10 =	vmul.f32 v11, v10;
	_ =	sdelay $0x1  }
0x1d3: {  	v10 =	vadd.f32 v57, v10;
	_ =	sdelay $0x1  }
0x1d4: {  	[tilespmem:s29+$0xD410] =	vst v10  }
0x1d5: {  	v10 =	vld [tilespmem:$0x1E2A0]  }
0x1d6: {  	v9 =	vsub.f32 v9, v24  }
0x1d7: {  	v58 =	vld [tilespmem:$0x1E5A0]  }
0x1d8: {  	v9 =	vmul.f32 v46, v9;
	_ =	sdelay $0x1  }
0x1d9: {  	v9 =	vmul.f32 v10, v9;
	_ =	sdelay $0x1  }
0x1da: {  	v9 =	vadd.f32 v58, v9;
	_ =	sdelay $0x1  }
0x1db: {  	[tilespmem:s29+$0xD420] =	vst v9  }
0x1dc: {  	v9 =	vld [tilespmem:$0x1E2B0]  }
0x1dd: {  	v8 =	vsub.f32 v8, v24  }
0x1de: {  	v59 =	vld [tilespmem:$0x1E5B0]  }
0x1df: {  	v8 =	vmul.f32 v46, v8;
	_ =	sdelay $0x1  }
0x1e0: {  	v8 =	vmul.f32 v9, v8;
	_ =	sdelay $0x1  }
0x1e1: {  	v8 =	vadd.f32 v59, v8;
	_ =	sdelay $0x1  }
0x1e2: {  	[tilespmem:s29+$0xD430] =	vst v8  }
0x1e3: {  	v8 =	vld [tilespmem:$0x1E2C0]  }
0x1e4: {  	v7 =	vsub.f32 v7, v24  }
0x1e5: {  	v60 =	vld [tilespmem:$0x1E5C0]  }
0x1e6: {  	v7 =	vmul.f32 v46, v7;
	_ =	sdelay $0x1  }
0x1e7: {  	v7 =	vmul.f32 v8, v7;
	_ =	sdelay $0x1  }
0x1e8: {  	v7 =	vadd.f32 v60, v7;
	_ =	sdelay $0x1  }
0x1e9: {  	[tilespmem:s29+$0xD440] =	vst v7  }
0x1ea: {  	v7 =	vld [tilespmem:$0x1E2D0]  }
0x1eb: {  	v6 =	vsub.f32 v6, v24  }
0x1ec: {  	v61 =	vld [tilespmem:$0x1E5D0]  }
0x1ed: {  	v6 =	vmul.f32 v46, v6;
	_ =	sdelay $0x1  }
0x1ee: {  	v6 =	vmul.f32 v7, v6;
	_ =	sdelay $0x1  }
0x1ef: {  	v6 =	vadd.f32 v61, v6;
	_ =	sdelay $0x1  }
0x1f0: {  	[tilespmem:s29+$0xD450] =	vst v6  }
0x1f1: {  	v6 =	vld [tilespmem:$0x1E2E0]  }
0x1f2: {  	v5 =	vsub.f32 v5, v24  }
0x1f3: {  	v62 =	vld [tilespmem:$0x1E5E0]  }
0x1f4: {  	v5 =	vmul.f32 v46, v5;
	_ =	sdelay $0x1  }
0x1f5: {  	v5 =	vmul.f32 v6, v5;
	_ =	sdelay $0x1  }
0x1f6: {  	v5 =	vadd.f32 v62, v5;
	_ =	sdelay $0x1  }
0x1f7: {  	[tilespmem:s29+$0xD460] =	vst v5  }
0x1f8: {  	v5 =	vld [tilespmem:$0x1E2F0]  }
0x1f9: {  	v4 =	vsub.f32 v4, v24  }
0x1fa: {  	v63 =	vld [tilespmem:$0x1E5F0]  }
0x1fb: {  	v4 =	vmul.f32 v46, v4  }
0x1fc: {  	p2 =	sne.s32 s28, $0x1F  }
.Ltmp0:
0x1fd: {  	v4 =	vmul.f32 v5, v4;
	(pc) =	sbr.rel @p2 .LBB2_3-.Ltmp0, $3  }
0x1fe: {  	_ = 	snop  }
0x1ff: {  	v4 =	vadd.f32 v63, v4;
	_ =	sdelay $0x1  }
0x200: {  	s26 =	sadd.s32 $0x80, s26;
	s28 =	sadd.s32 $0x1, s28;
	[tilespmem:s29+$0xD470] =	vst v4  }
0x201: {  	s22 =	sshll.u32 s22, $0x5  }
0x202: {  	s25 =	smul.u32 $0x18000, s24;
	s22 =	sadd.s32 s6, s22  }
0x203: {  	s23 =	sadd.s32 @!p1 s6, s23;
	s31 =	sadd.s32 $0x5, s24;
	s22 =	sshrl.u32 s22, $0x3  }
0x204: {  	p2 =	sne.s32 @!p1 s21, $0x8;
	s23 =	sshrl.u32 @!p1 s23, $0x3;
	s22 =	smul.u32 $0x300, s22  }
0x205: {  	p2 =	por p1, !p2;
	s25 =	sshrl.u32 s25, $0x2;
	s23 =	smul.u32 @!p1 $0x300, s23  }
.Ltmp1:
0x206: {  	s25 =	sadd.s32 $0xC000, s25;
	s22 =	sadd.s32 s8, s22;
	(pc) =	sbr.rel @!p2 .LBB2_2-.Ltmp1, $4  }
0x207: {  	[hbm4b:s22+s7] =	stream.linear.scatter [tilespmem:s25], [sflag:s31], $0x6000, $0x38;
	[tilespmem:$0x1E600] =	vst v63  }
0x208: {  	s24 =	simm.s32 @!p1 $0x18000;
	s22 =	sadd.s32 @!p1 s1, s23;
	s23 =	simm.s32 @!p1 $0x0  }
0x209: {  	[tilespmem:s24], [sflag:$0x3] =	stream.linear.gather @!p1 [hbm4b:s22+s23], $0x6000, $0x38;
	[tilespmem:$0x1E600] =	vst v63  }
0x20a: {  	p0 =	por @!p1 !p0, !p0;
	s22 =	smov.u32 s21  }
0x20b: {  	s20 =	sadd.s32 $0x1, s20  }
0x20c: {  	_ =	swait.ge [sflag:s18], $0x6000;
	p0 =	sne.s32 s20, s12  }
.Ltmp2:
0x20d: {  	[sflag:s18] =	ssyncset.done $0x0;
	(pc) =	sbr.rel @p0 .LBB2_1-.Ltmp2, $4  }
0x20e: {  	[sflag:s18] =	ssyncadd.s32 $0xFFFFA000  }
0x20f: {  	_ =	swait.ge [sflag:s19], $0x6000  }
0x210: {  	[sflag:s19] =	ssyncset.done $0x0  }
0x211: {  	[sflag:s19] =	ssyncadd.s32 $0xFFFFA000  }
0x212: {  	_ =	sfence.sel $0x180000  }
0x213: {  	[bflag:$0x0] =	sbarrier.arrive $0xFFFF  }
0x214: {  	p0 =	sne.s32 s2, $0x0;
	_ =	strace $0x90000047  }
0x215: {  	s0 =	sadd.s32 @!p0 $0x100000, s5;
	[bflag:$0x2] =	sbarrier.arrive $0xFFFF  }
0x216: {  	[sflag:s0] =	ssyncadd.tile.s32 @!p0 $0x1;
	_ =	shalt  }
.Lfunc_end2:
_tile_overlayer_lowered:
.L_overlay_start_2:
0x217: {  	(tag) =	ssettag $0x2  }
0x218: {  	s0 =	rddreg [dreg:$0x0];
	s2 =	stileid.u32  }
0x219: {  	s1 =	rddreg [dreg:$0x1];
	p0 =	sne.s32 s2, $0x0  }
0x21a: {  	s3 =	rddreg [dreg:$0x2];
	[bflag:$0x3] =	sbarrier.arrive $0xFFFF;
	s2 =	simm.s32 @!p0 $0x1C07  }
0x21b: {  	[timem:s3], [sflag:s2] =	dma.local @!p0 [hbm:s0], s1  }
0x21c: {  	s0 =	simm.s32 @!p0 $0x7  }
0x21d: {  	_ =	swait.ge @!p0 [sflag:s0], s1  }
0x21e: {  	s1 =	ssub.s32 @!p0 $0x0, s1;
	[sflag:s0] =	ssyncset.done @!p0 $0x0  }
0x21f: {  	[sflag:s0] =	ssyncadd.s32 @!p0 s1  }
0x220: {  	[bflag:$0x3] =	sbarrier.arrive $0xFFFF  }
0x221: {  	_ =	shalt  }

</sc_bundles>
